<compile_context>
chip_gen: v7x
topology: tpu7x:2x2x1
jax: 0.10.2.dev20260603
libtpu: 0.0.44.dev20260713+nightly
codegen_flags: <defaults>
</compile_context>

<pallas_src>
import functools

import jax
import jax.numpy as jnp
import numpy as np
from jax import lax
from jax.experimental import pallas as pl
from jax.experimental.pallas import tpu as pltpu
from jax.experimental.pallas import tpu_sc as plsc

_TARGET_ITEMS = (5, 17, 123, 999, 4242, 10000, 25000, 50000, 75000, 99999)
_K = 10
_ALPHA = 1.0
_ITEMS_LIMIT = 60
_NT = len(_TARGET_ITEMS)

_N_ROWS = 100000
_DIM = 64

_NC = 2
_NS = 16
_NW = _NC * _NS
_L = 16

_SC_START = 62112
_SC_ROWS_PER_TILE = 1184
_SC_CHUNK = 592
_SC_N_CHUNKS = _SC_ROWS_PER_TILE // _SC_CHUNK
_SC_GROUPS = _SC_CHUNK // _L
_SC_ROWS = _NW * _SC_ROWS_PER_TILE


def _sc_norms_body(emb_hbm, out_hbm, row_bufs, norm_bufs, in_sems, out_sems):
    cid = lax.axis_index("c")
    sid = lax.axis_index("s")
    wid = sid * _NC + cid
    base = _SC_START + wid * _SC_ROWS_PER_TILE
    lane = lax.iota(jnp.int32, _L)
    stride = lane * _DIM

    starts = [base + t * _SC_CHUNK for t in range(_SC_N_CHUNKS)]

    def in_copy(t):
        return pltpu.async_copy(
            emb_hbm.at[pl.ds(starts[t] * _DIM, _SC_CHUNK * _DIM)],
            row_bufs[t % 2],
            in_sems[t % 2],
        )

    out_cps = [None] * _SC_N_CHUNKS
    cur = in_copy(0)
    for t in range(_SC_N_CHUNKS):
        if t + 1 < _SC_N_CHUNKS:
            nxt = in_copy(t + 1)
        cur.wait()
        if t >= 2:
            out_cps[t - 2].wait()
        rows_v = row_bufs[t % 2]
        norms_v = norm_bufs[t % 2]

        def group_body(g, c2):
            gbase = g * (_L * _DIM) + stride
            accs = [jnp.zeros((_L,), jnp.float32) for _ in range(8)]
            for c in range(_DIM):
                v = plsc.load_gather(rows_v, [gbase + c])
                accs[c % 8] = accs[c % 8] + v * v
            acc = (
                (accs[0] + accs[1]) + (accs[2] + accs[3])
            ) + ((accs[4] + accs[5]) + (accs[6] + accs[7]))
            norms_v[pl.ds(g * _L, _L)] = acc
            return c2

        lax.fori_loop(0, _SC_GROUPS, group_body, 0)
        out_cps[t] = pltpu.async_copy(
            norms_v,
            out_hbm.at[pl.ds(starts[t] - _SC_START, _SC_CHUNK)],
            out_sems[t % 2],
        )
        if t + 1 < _SC_N_CHUNKS:
            cur = nxt
    for t in range(max(0, _SC_N_CHUNKS - 2), _SC_N_CHUNKS):
        out_cps[t].wait()


def _sc_norms(items_emb):
    mesh = plsc.VectorSubcoreMesh(core_axis_name="c", subcore_axis_name="s")
    f = functools.partial(
        pl.kernel,
        mesh=mesh,
        out_type=jax.ShapeDtypeStruct((_SC_ROWS,), jnp.float32),
        scratch_types=[
            [
                pltpu.VMEM((_SC_CHUNK * _DIM,), jnp.float32),
                pltpu.VMEM((_SC_CHUNK * _DIM,), jnp.float32),
            ],
            [
                pltpu.VMEM((_SC_CHUNK,), jnp.float32),
                pltpu.VMEM((_SC_CHUNK,), jnp.float32),
            ],
            [pltpu.SemaphoreType.DMA, pltpu.SemaphoreType.DMA],
            [pltpu.SemaphoreType.DMA, pltpu.SemaphoreType.DMA],
        ],
        compiler_params=pltpu.CompilerParams(needs_layout_passes=False),
    )(_sc_norms_body)
    return f(items_emb.reshape(_N_ROWS * _DIM))


_TC_ROWS_PAD = 62464
_TC_BLOCK = 15616
_TC_N_BLOCKS = _TC_ROWS_PAD // _TC_BLOCK


def _tc_norms_kernel(x_ref, o_ref):
    i = pl.program_id(0)
    x = x_ref[...]
    n2 = jnp.sum(x * x, axis=1)
    rid = i * _TC_BLOCK + lax.iota(jnp.int32, _TC_BLOCK)
    o_ref[0, 0, :] = jnp.where(rid < _SC_START, n2, -1.0)


def _tc_norms(items_emb):
    out = pl.pallas_call(
        _tc_norms_kernel,
        grid=(_TC_N_BLOCKS,),
        in_specs=[pl.BlockSpec((_TC_BLOCK, _DIM), lambda i: (i, 0))],
        out_specs=pl.BlockSpec((1, 1, _TC_BLOCK), lambda i: (i, 0, 0)),
        out_shape=jax.ShapeDtypeStruct(
            (_TC_N_BLOCKS, 1, _TC_BLOCK), jnp.float32
        ),
        compiler_params=pltpu.CompilerParams(
            dimension_semantics=("arbitrary",),
        ),
    )(items_emb)
    return out


_NRA = _TC_ROWS_PAD // 128
_NRB = _SC_ROWS // 128
_NR = _NRA + _NRB


def _finish_kernel(nA_ref, nB_ref, emb_any, out_ref, tgt_rows, row_a, row_b,
                   acc_s, tgt_sems, sem_a, sem_b):
    for j, t in enumerate(_TARGET_ITEMS):
        pltpu.make_async_copy(
            emb_any.at[pl.ds(t, 1), :],
            tgt_rows.at[pl.ds(j, 1), :],
            tgt_sems.at[j],
        ).start()

    r_iota = lax.broadcasted_iota(jnp.int32, (_NR, 128), 0)
    c_iota = lax.broadcasted_iota(jnp.int32, (_NR, 128), 1)
    fid = jnp.where(
        r_iota < _NRA,
        r_iota * 128 + c_iota,
        _SC_START + (r_iota - _NRA) * 128 + c_iota,
    )
    n2 = jnp.concatenate([nA_ref[...], nB_ref[...]], axis=0)
    valid = (r_iota >= _NRA) | (r_iota * 128 + c_iota < _SC_START)
    nm = jnp.where(valid, jnp.sqrt(n2), -1.0)

    out_ref[...] = jnp.zeros_like(out_ref)
    acc_s[...] = jnp.zeros_like(acc_s)

    bufs = (row_a, row_b)
    sems = (sem_a, sem_b)
    prev = None
    for k in range(_K):
        m = jnp.max(nm)
        idx = jnp.min(jnp.where(nm == m, fid, jnp.int32(2**31 - 1)))
        cp = pltpu.make_async_copy(
            emb_any.at[pl.ds(idx, 1), :], bufs[k % 2], sems[k % 2]
        )
        cp.start()
        if prev is not None:
            prev.wait()
            acc_s[...] += bufs[(k - 1) % 2][...]
        prev = cp
        nm = jnp.where(fid == idx, -jnp.inf, nm)
    prev.wait()
    acc_s[...] += bufs[(_K - 1) % 2][...]

    v = acc_s[...] / float(_K) * 10.0

    for j in range(_NT):
        pltpu.make_async_copy(
            emb_any.at[pl.ds(_TARGET_ITEMS[j], 1), :],
            tgt_rows.at[pl.ds(j, 1), :],
            tgt_sems.at[j],
        ).wait()
    nk = _ITEMS_LIMIT - 2 * _NT
    out_ref[pl.ds(nk, _NT), :] = (v - tgt_rows[...]) * _ALPHA


def _finish(norms2_tc, norms2_sc, items_emb):
    out_rows = 64
    return pl.pallas_call(
        _finish_kernel,
        in_specs=[
            pl.BlockSpec((_NRA, 128), lambda: (0, 0)),
            pl.BlockSpec((_NRB, 128), lambda: (0, 0)),
            pl.BlockSpec(memory_space=pl.ANY),
        ],
        out_specs=pl.BlockSpec((out_rows, _DIM), lambda: (0, 0)),
        out_shape=jax.ShapeDtypeStruct((out_rows, _DIM), jnp.float32),
        scratch_shapes=[
            pltpu.VMEM((_NT, _DIM), jnp.float32),
            pltpu.VMEM((1, _DIM), jnp.float32),
            pltpu.VMEM((1, _DIM), jnp.float32),
            pltpu.VMEM((1, _DIM), jnp.float32),
            pltpu.SemaphoreType.DMA((_NT,)),
            pltpu.SemaphoreType.DMA,
            pltpu.SemaphoreType.DMA,
        ],
    )(
        norms2_tc.reshape(_NRA, 128),
        norms2_sc.reshape(_NRB, 128),
        items_emb,
    )


@jax.jit
def kernel(items_emb):
    norms2_tc = _tc_norms(items_emb)
    norms2_sc = _sc_norms(items_emb)
    upd = _finish(norms2_tc, norms2_sc, items_emb)
    num_keep = _ITEMS_LIMIT - 2 * _NT
    kept = [i for i in range(_N_ROWS) if i not in _TARGET_ITEMS][:num_keep]
    chosen_items = jnp.asarray(list(kept) + list(_TARGET_ITEMS), dtype=jnp.int32)
    return chosen_items, upd[: num_keep + _NT]

# --- scband reference (transcript-rebuilt; emitter-appended) ---
"""Pipeline reference for scband-our-attack-client-11312943858300 (READ-ONLY COPY).

The authoritative reference and input builder live on the scoring server;
editing this copy changes nothing except your own understanding.
"""

import jax, jax.numpy as jnp
import numpy as np

# Global attack hyperparameters (stand-ins for the torch `args` globals)
TARGET_ITEMS = [5, 17, 123, 999, 4242, 10000, 25000, 50000, 75000, 99999]
K = 10            # args.k
ALPHA = 1.0       # args.alpha
ITEMS_LIMIT = 60  # args.items_limit
# attack_round == global_rounds == 0, so the attack branch executes immediately.


def setup_inputs(seed: int = 0) -> dict:
    key = jax.random.key(seed)
    items_emb = jax.random.normal(key, (100000, 64), dtype=jnp.float32)
    return {"items_emb": items_emb}


def reference(items_emb):
    target_items = jnp.asarray(TARGET_ITEMS, dtype=jnp.int32)
    # compute_k_popularities: top-K item rows by L2 norm
    norms = jnp.linalg.norm(items_emb, axis=1)
    k_popularities = jnp.argsort(-norms)[:K]
    top_k_embedding = items_emb[k_popularities]
    average_top_k_embedding = jnp.mean(top_k_embedding, axis=0)
    # target_model = items_emb.clone(); target rows overwritten with 10x avg
    target_model = items_emb.at[target_items].set(average_top_k_embedding * 10.0)
    items_emb_model_update = (target_model - items_emb) * ALPHA
    # pick items with largest update norm, excluding targets, then append targets
    upd_norms = jnp.linalg.norm(items_emb_model_update, axis=1)
    chosen = jnp.argsort(-upd_norms)[: ITEMS_LIMIT - len(TARGET_ITEMS)]
    is_target = jnp.isin(chosen, target_items)
    keep_order = jnp.argsort(is_target)
    num_keep = ITEMS_LIMIT - 2 * len(TARGET_ITEMS)
    kept = chosen[keep_order[:num_keep]].astype(jnp.int32)
    chosen_items = jnp.concatenate([kept, target_items], axis=0)
    return chosen_items, items_emb_model_update[chosen_items]

if __name__ == "__main__":
    import jax
    _d = setup_inputs()
    print(jax.jit(kernel)(*tuple(_d.values())))

</pallas_src>

<mosaic_0001>
#map = affine_map<(d0, d1) -> (0)>
module attributes {stable_mosaic.version = 14 : i64} {
  func.func @_sc_norms_body(%arg0: i32, %arg1: i32, %arg2: memref<6400000xf32, #tpu.memory_space<hbm>>, %arg3: memref<37888xf32, #tpu.memory_space<hbm>>, %arg4: memref<37888xf32, #tpu.memory_space<vmem>>, %arg5: memref<37888xf32, #tpu.memory_space<vmem>>, %arg6: memref<592xf32, #tpu.memory_space<vmem>>, %arg7: memref<592xf32, #tpu.memory_space<vmem>>, %arg8: memref<!tpu.dma_semaphore, #tpu.memory_space<semaphore_mem>>, %arg9: memref<!tpu.dma_semaphore, #tpu.memory_space<semaphore_mem>>, %arg10: memref<!tpu.dma_semaphore, #tpu.memory_space<semaphore_mem>>, %arg11: memref<!tpu.dma_semaphore, #tpu.memory_space<semaphore_mem>>) attributes {dimension_semantics = [#tpu.dimension_semantics<core_parallel>, #tpu.dimension_semantics<subcore_parallel>], iteration_bounds = array<i64: 2, 16>, scalar_prefetch = 0 : i64, scratch_operands = 8 : i64, tpu.core_type = #tpu.core_type<sc_vector_subcore>, window_params = [{transform_indices = #map}, {transform_indices = #map}]} {
    %mul3A = arith.constant 2 : i32
    %mul3A_0 = arith.muli %arg1, %mul3A : i32
    %add3A = arith.addi %mul3A_0, %arg0 : i32
    %mul3A_1 = arith.constant 1184 : i32
    %mul3A_2 = arith.muli %add3A, %mul3A_1 : i32
    %add3A_3 = arith.constant 62112 : i32
    %add3A_4 = arith.addi %add3A_3, %mul3A_2 : i32
    %iota3A = tpu.iota {dimensions = array<i32: 0>} : vector<16xi32>
    %mul3A_5 = arith.constant 64 : i32
    %mul3A_6 = vector.broadcast %mul3A_5 : i32 to vector<16xi32>
    %mul3A_7 = arith.muli %iota3A, %mul3A_6 : vector<16xi32>
    %add3A_8 = arith.constant 0 : i32
    %add3A_9 = arith.addi %add3A_4, %add3A_8 : i32
    %add3A_10 = arith.constant 592 : i32
    %add3A_11 = arith.addi %add3A_4, %add3A_10 : i32
    %mul3A_12 = arith.constant 64 : i32
    %mul3A_13 = arith.muli %add3A_9, %mul3A_12 : i32
    %dma_start3A = tpu.memref_slice %arg2[%mul3A_13] : memref<6400000xf32, #tpu.memory_space<hbm>> -> memref<37888xf32, #tpu.memory_space<hbm>>
    %dma_start3A_14 = tpu.memref_slice %arg2[%mul3A_13] : memref<6400000xf32, #tpu.memory_space<hbm>> -> memref<37888xf32, #tpu.memory_space<hbm>>
    tpu.enqueue_dma source(%dma_start3A_14 : memref<37888xf32, #tpu.memory_space<hbm>>) target(%arg4 : memref<37888xf32, #tpu.memory_space<vmem>>) target_semaphore(%arg8 : memref<!tpu.dma_semaphore, #tpu.memory_space<semaphore_mem>>)
    %mul3A_15 = arith.constant 64 : i32
    %mul3A_16 = arith.muli %add3A_11, %mul3A_15 : i32
    %dma_start3A_17 = tpu.memref_slice %arg2[%mul3A_16] : memref<6400000xf32, #tpu.memory_space<hbm>> -> memref<37888xf32, #tpu.memory_space<hbm>>
    %dma_start3A_18 = tpu.memref_slice %arg2[%mul3A_16] : memref<6400000xf32, #tpu.memory_space<hbm>> -> memref<37888xf32, #tpu.memory_space<hbm>>
    tpu.enqueue_dma source(%dma_start3A_18 : memref<37888xf32, #tpu.memory_space<hbm>>) target(%arg5 : memref<37888xf32, #tpu.memory_space<vmem>>) target_semaphore(%arg9 : memref<!tpu.dma_semaphore, #tpu.memory_space<semaphore_mem>>)
    %dma_wait3A = tpu.memref_slice %arg2[%mul3A_13] : memref<6400000xf32, #tpu.memory_space<hbm>> -> memref<37888xf32, #tpu.memory_space<hbm>>
    %dma_wait3A_19 = tpu.memref_slice %arg2[%mul3A_13] : memref<6400000xf32, #tpu.memory_space<hbm>> -> memref<37888xf32, #tpu.memory_space<hbm>>
    tpu.wait_dma2 semaphore(%arg8 : memref<!tpu.dma_semaphore, #tpu.memory_space<semaphore_mem>>) src(%dma_wait3A_19 : memref<37888xf32, #tpu.memory_space<hbm>>) dst(%arg4 : memref<37888xf32, #tpu.memory_space<vmem>>)
    %scan3A = arith.constant 0 : i32
    %scan3A_20 = arith.constant 0 : i32
    %scan3A_21 = arith.constant 37 : i32
    %scan3A_22 = arith.addi %scan3A_20, %scan3A_21 : i32
    %scan3A_23 = arith.constant 1 : i32
    scf.for %scan3A_44 = %scan3A_20 to %scan3A_22 step %scan3A_23  : i32 {
      %mul3A_45 = arith.constant 1024 : i32
      %mul3A_46 = arith.muli %scan3A_44, %mul3A_45 : i32
      %add3A_47 = vector.broadcast %mul3A_46 : i32 to vector<16xi32>
      %add3A_48 = arith.addi %add3A_47, %mul3A_7 : vector<16xi32>
      %broadcast_in_dim3A = arith.constant 0.000000e+00 : f32
      %broadcast_in_dim3A_49 = vector.broadcast %broadcast_in_dim3A : f32 to vector<16xf32>
      %broadcast_in_dim3A_50 = arith.constant 0.000000e+00 : f32
      %broadcast_in_dim3A_51 = vector.broadcast %broadcast_in_dim3A_50 : f32 to vector<16xf32>
      %broadcast_in_dim3A_52 = arith.constant 0.000000e+00 : f32
      %broadcast_in_dim3A_53 = vector.broadcast %broadcast_in_dim3A_52 : f32 to vector<16xf32>
      %broadcast_in_dim3A_54 = arith.constant 0.000000e+00 : f32
      %broadcast_in_dim3A_55 = vector.broadcast %broadcast_in_dim3A_54 : f32 to vector<16xf32>
      %broadcast_in_dim3A_56 = arith.constant 0.000000e+00 : f32
      %broadcast_in_dim3A_57 = vector.broadcast %broadcast_in_dim3A_56 : f32 to vector<16xf32>
      %broadcast_in_dim3A_58 = arith.constant 0.000000e+00 : f32
      %broadcast_in_dim3A_59 = vector.broadcast %broadcast_in_dim3A_58 : f32 to vector<16xf32>
      %broadcast_in_dim3A_60 = arith.constant 0.000000e+00 : f32
      %broadcast_in_dim3A_61 = vector.broadcast %broadcast_in_dim3A_60 : f32 to vector<16xf32>
      %broadcast_in_dim3A_62 = arith.constant 0.000000e+00 : f32
      %broadcast_in_dim3A_63 = vector.broadcast %broadcast_in_dim3A_62 : f32 to vector<16xf32>
      %add3A_64 = arith.constant 0 : i32
      %add3A_65 = vector.broadcast %add3A_64 : i32 to vector<16xi32>
      %add3A_66 = arith.addi %add3A_48, %add3A_65 : vector<16xi32>
      %gather3A = tpu.vector_load_idx %arg4[%add3A_66] : memref<37888xf32, #tpu.memory_space<vmem>>[vector<16xi32>], vector<16xf32>,
      %mul3A_67 = arith.mulf %gather3A, %gather3A : vector<16xf32>
      %add3A_68 = arith.addf %broadcast_in_dim3A_49, %mul3A_67 : vector<16xf32>
      %add3A_69 = arith.constant 1 : i32
      %add3A_70 = vector.broadcast %add3A_69 : i32 to vector<16xi32>
      %add3A_71 = arith.addi %add3A_48, %add3A_70 : vector<16xi32>
      %gather3A_72 = tpu.vector_load_idx %arg4[%add3A_71] : memref<37888xf32, #tpu.memory_space<vmem>>[vector<16xi32>], vector<16xf32>,
      %mul3A_73 = arith.mulf %gather3A_72, %gather3A_72 : vector<16xf32>
      %add3A_74 = arith.addf %broadcast_in_dim3A_51, %mul3A_73 : vector<16xf32>
      %add3A_75 = arith.constant 2 : i32
      %add3A_76 = vector.broadcast %add3A_75 : i32 to vector<16xi32>
      %add3A_77 = arith.addi %add3A_48, %add3A_76 : vector<16xi32>
      %gather3A_78 = tpu.vector_load_idx %arg4[%add3A_77] : memref<37888xf32, #tpu.memory_space<vmem>>[vector<16xi32>], vector<16xf32>,
      %mul3A_79 = arith.mulf %gather3A_78, %gather3A_78 : vector<16xf32>
      %add3A_80 = arith.addf %broadcast_in_dim3A_53, %mul3A_79 : vector<16xf32>
      %add3A_81 = arith.constant 3 : i32
      %add3A_82 = vector.broadcast %add3A_81 : i32 to vector<16xi32>
      %add3A_83 = arith.addi %add3A_48, %add3A_82 : vector<16xi32>
      %gather3A_84 = tpu.vector_load_idx %arg4[%add3A_83] : memref<37888xf32, #tpu.memory_space<vmem>>[vector<16xi32>], vector<16xf32>,
      %mul3A_85 = arith.mulf %gather3A_84, %gather3A_84 : vector<16xf32>
      %add3A_86 = arith.addf %broadcast_in_dim3A_55, %mul3A_85 : vector<16xf32>
      %add3A_87 = arith.constant 4 : i32
      %add3A_88 = vector.broadcast %add3A_87 : i32 to vector<16xi32>
      %add3A_89 = arith.addi %add3A_48, %add3A_88 : vector<16xi32>
      %gather3A_90 = tpu.vector_load_idx %arg4[%add3A_89] : memref<37888xf32, #tpu.memory_space<vmem>>[vector<16xi32>], vector<16xf32>,
      %mul3A_91 = arith.mulf %gather3A_90, %gather3A_90 : vector<16xf32>
      %add3A_92 = arith.addf %broadcast_in_dim3A_57, %mul3A_91 : vector<16xf32>
      %add3A_93 = arith.constant 5 : i32
      %add3A_94 = vector.broadcast %add3A_93 : i32 to vector<16xi32>
      %add3A_95 = arith.addi %add3A_48, %add3A_94 : vector<16xi32>
      %gather3A_96 = tpu.vector_load_idx %arg4[%add3A_95] : memref<37888xf32, #tpu.memory_space<vmem>>[vector<16xi32>], vector<16xf32>,
      %mul3A_97 = arith.mulf %gather3A_96, %gather3A_96 : vector<16xf32>
      %add3A_98 = arith.addf %broadcast_in_dim3A_59, %mul3A_97 : vector<16xf32>
      %add3A_99 = arith.constant 6 : i32
      %add3A_100 = vector.broadcast %add3A_99 : i32 to vector<16xi32>
      %add3A_101 = arith.addi %add3A_48, %add3A_100 : vector<16xi32>
      %gather3A_102 = tpu.vector_load_idx %arg4[%add3A_101] : memref<37888xf32, #tpu.memory_space<vmem>>[vector<16xi32>], vector<16xf32>,
      %mul3A_103 = arith.mulf %gather3A_102, %gather3A_102 : vector<16xf32>
      %add3A_104 = arith.addf %broadcast_in_dim3A_61, %mul3A_103 : vector<16xf32>
      %add3A_105 = arith.constant 7 : i32
      %add3A_106 = vector.broadcast %add3A_105 : i32 to vector<16xi32>
      %add3A_107 = arith.addi %add3A_48, %add3A_106 : vector<16xi32>
      %gather3A_108 = tpu.vector_load_idx %arg4[%add3A_107] : memref<37888xf32, #tpu.memory_space<vmem>>[vector<16xi32>], vector<16xf32>,
      %mul3A_109 = arith.mulf %gather3A_108, %gather3A_108 : vector<16xf32>
      %add3A_110 = arith.addf %broadcast_in_dim3A_63, %mul3A_109 : vector<16xf32>
      %add3A_111 = arith.constant 8 : i32
      %add3A_112 = vector.broadcast %add3A_111 : i32 to vector<16xi32>
      %add3A_113 = arith.addi %add3A_48, %add3A_112 : vector<16xi32>
      %gather3A_114 = tpu.vector_load_idx %arg4[%add3A_113] : memref<37888xf32, #tpu.memory_space<vmem>>[vector<16xi32>], vector<16xf32>,
      %mul3A_115 = arith.mulf %gather3A_114, %gather3A_114 : vector<16xf32>
      %add3A_116 = arith.addf %add3A_68, %mul3A_115 : vector<16xf32>
      %add3A_117 = arith.constant 9 : i32
      %add3A_118 = vector.broadcast %add3A_117 : i32 to vector<16xi32>
      %add3A_119 = arith.addi %add3A_48, %add3A_118 : vector<16xi32>
      %gather3A_120 = tpu.vector_load_idx %arg4[%add3A_119] : memref<37888xf32, #tpu.memory_space<vmem>>[vector<16xi32>], vector<16xf32>,
      %mul3A_121 = arith.mulf %gather3A_120, %gather3A_120 : vector<16xf32>
      %add3A_122 = arith.addf %add3A_74, %mul3A_121 : vector<16xf32>
      %add3A_123 = arith.constant 10 : i32
      %add3A_124 = vector.broadcast %add3A_123 : i32 to vector<16xi32>
      %add3A_125 = arith.addi %add3A_48, %add3A_124 : vector<16xi32>
      %gather3A_126 = tpu.vector_load_idx %arg4[%add3A_125] : memref<37888xf32, #tpu.memory_space<vmem>>[vector<16xi32>], vector<16xf32>,
      %mul3A_127 = arith.mulf %gather3A_126, %gather3A_126 : vector<16xf32>
      %add3A_128 = arith.addf %add3A_80, %mul3A_127 : vector<16xf32>
      %add3A_129 = arith.constant 11 : i32
      %add3A_130 = vector.broadcast %add3A_129 : i32 to vector<16xi32>
      %add3A_131 = arith.addi %add3A_48, %add3A_130 : vector<16xi32>
      %gather3A_132 = tpu.vector_load_idx %arg4[%add3A_131] : memref<37888xf32, #tpu.memory_space<vmem>>[vector<16xi32>], vector<16xf32>,
      %mul3A_133 = arith.mulf %gather3A_132, %gather3A_132 : vector<16xf32>
      %add3A_134 = arith.addf %add3A_86, %mul3A_133 : vector<16xf32>
      %add3A_135 = arith.constant 12 : i32
      %add3A_136 = vector.broadcast %add3A_135 : i32 to vector<16xi32>
      %add3A_137 = arith.addi %add3A_48, %add3A_136 : vector<16xi32>
      %gather3A_138 = tpu.vector_load_idx %arg4[%add3A_137] : memref<37888xf32, #tpu.memory_space<vmem>>[vector<16xi32>], vector<16xf32>,
      %mul3A_139 = arith.mulf %gather3A_138, %gather3A_138 : vector<16xf32>
      %add3A_140 = arith.addf %add3A_92, %mul3A_139 : vector<16xf32>
      %add3A_141 = arith.constant 13 : i32
      %add3A_142 = vector.broadcast %add3A_141 : i32 to vector<16xi32>
      %add3A_143 = arith.addi %add3A_48, %add3A_142 : vector<16xi32>
      %gather3A_144 = tpu.vector_load_idx %arg4[%add3A_143] : memref<37888xf32, #tpu.memory_space<vmem>>[vector<16xi32>], vector<16xf32>,
      %mul3A_145 = arith.mulf %gather3A_144, %gather3A_144 : vector<16xf32>
      %add3A_146 = arith.addf %add3A_98, %mul3A_145 : vector<16xf32>
      %add3A_147 = arith.constant 14 : i32
      %add3A_148 = vector.broadcast %add3A_147 : i32 to vector<16xi32>
      %add3A_149 = arith.addi %add3A_48, %add3A_148 : vector<16xi32>
      %gather3A_150 = tpu.vector_load_idx %arg4[%add3A_149] : memref<37888xf32, #tpu.memory_space<vmem>>[vector<16xi32>], vector<16xf32>,
      %mul3A_151 = arith.mulf %gather3A_150, %gather3A_150 : vector<16xf32>
      %add3A_152 = arith.addf %add3A_104, %mul3A_151 : vector<16xf32>
      %add3A_153 = arith.constant 15 : i32
      %add3A_154 = vector.broadcast %add3A_153 : i32 to vector<16xi32>
      %add3A_155 = arith.addi %add3A_48, %add3A_154 : vector<16xi32>
      %gather3A_156 = tpu.vector_load_idx %arg4[%add3A_155] : memref<37888xf32, #tpu.memory_space<vmem>>[vector<16xi32>], vector<16xf32>,
      %mul3A_157 = arith.mulf %gather3A_156, %gather3A_156 : vector<16xf32>
      %add3A_158 = arith.addf %add3A_110, %mul3A_157 : vector<16xf32>
      %add3A_159 = arith.constant 16 : i32
      %add3A_160 = vector.broadcast %add3A_159 : i32 to vector<16xi32>
      %add3A_161 = arith.addi %add3A_48, %add3A_160 : vector<16xi32>
      %gather3A_162 = tpu.vector_load_idx %arg4[%add3A_161] : memref<37888xf32, #tpu.memory_space<vmem>>[vector<16xi32>], vector<16xf32>,
      %mul3A_163 = arith.mulf %gather3A_162, %gather3A_162 : vector<16xf32>
      %add3A_164 = arith.addf %add3A_116, %mul3A_163 : vector<16xf32>
      %add3A_165 = arith.constant 17 : i32
      %add3A_166 = vector.broadcast %add3A_165 : i32 to vector<16xi32>
      %add3A_167 = arith.addi %add3A_48, %add3A_166 : vector<16xi32>
      %gather3A_168 = tpu.vector_load_idx %arg4[%add3A_167] : memref<37888xf32, #tpu.memory_space<vmem>>[vector<16xi32>], vector<16xf32>,
      %mul3A_169 = arith.mulf %gather3A_168, %gather3A_168 : vector<16xf32>
      %add3A_170 = arith.addf %add3A_122, %mul3A_169 : vector<16xf32>
      %add3A_171 = arith.constant 18 : i32
      %add3A_172 = vector.broadcast %add3A_171 : i32 to vector<16xi32>
      %add3A_173 = arith.addi %add3A_48, %add3A_172 : vector<16xi32>
      %gather3A_174 = tpu.vector_load_idx %arg4[%add3A_173] : memref<37888xf32, #tpu.memory_space<vmem>>[vector<16xi32>], vector<16xf32>,
      %mul3A_175 = arith.mulf %gather3A_174, %gather3A_174 : vector<16xf32>
      %add3A_176 = arith.addf %add3A_128, %mul3A_175 : vector<16xf32>
      %add3A_177 = arith.constant 19 : i32
      %add3A_178 = vector.broadcast %add3A_177 : i32 to vector<16xi32>
      %add3A_179 = arith.addi %add3A_48, %add3A_178 : vector<16xi32>
      %gather3A_180 = tpu.vector_load_idx %arg4[%add3A_179] : memref<37888xf32, #tpu.memory_space<vmem>>[vector<16xi32>], vector<16xf32>,
      %mul3A_181 = arith.mulf %gather3A_180, %gather3A_180 : vector<16xf32>
      %add3A_182 = arith.addf %add3A_134, %mul3A_181 : vector<16xf32>
      %add3A_183 = arith.constant 20 : i32
      %add3A_184 = vector.broadcast %add3A_183 : i32 to vector<16xi32>
      %add3A_185 = arith.addi %add3A_48, %add3A_184 : vector<16xi32>
      %gather3A_186 = tpu.vector_load_idx %arg4[%add3A_185] : memref<37888xf32, #tpu.memory_space<vmem>>[vector<16xi32>], vector<16xf32>,
      %mul3A_187 = arith.mulf %gather3A_186, %gather3A_186 : vector<16xf32>
      %add3A_188 = arith.addf %add3A_140, %mul3A_187 : vector<16xf32>
      %add3A_189 = arith.constant 21 : i32
      %add3A_190 = vector.broadcast %add3A_189 : i32 to vector<16xi32>
      %add3A_191 = arith.addi %add3A_48, %add3A_190 : vector<16xi32>
      %gather3A_192 = tpu.vector_load_idx %arg4[%add3A_191] : memref<37888xf32, #tpu.memory_space<vmem>>[vector<16xi32>], vector<16xf32>,
      %mul3A_193 = arith.mulf %gather3A_192, %gather3A_192 : vector<16xf32>
      %add3A_194 = arith.addf %add3A_146, %mul3A_193 : vector<16xf32>
      %add3A_195 = arith.constant 22 : i32
      %add3A_196 = vector.broadcast %add3A_195 : i32 to vector<16xi32>
      %add3A_197 = arith.addi %add3A_48, %add3A_196 : vector<16xi32>
      %gather3A_198 = tpu.vector_load_idx %arg4[%add3A_197] : memref<37888xf32, #tpu.memory_space<vmem>>[vector<16xi32>], vector<16xf32>,
      %mul3A_199 = arith.mulf %gather3A_198, %gather3A_198 : vector<16xf32>
      %add3A_200 = arith.addf %add3A_152, %mul3A_199 : vector<16xf32>
      %add3A_201 = arith.constant 23 : i32
      %add3A_202 = vector.broadcast %add3A_201 : i32 to vector<16xi32>
      %add3A_203 = arith.addi %add3A_48, %add3A_202 : vector<16xi32>
      %gather3A_204 = tpu.vector_load_idx %arg4[%add3A_203] : memref<37888xf32, #tpu.memory_space<vmem>>[vector<16xi32>], vector<16xf32>,
      %mul3A_205 = arith.mulf %gather3A_204, %gather3A_204 : vector<16xf32>
      %add3A_206 = arith.addf %add3A_158, %mul3A_205 : vector<16xf32>
      %add3A_207 = arith.constant 24 : i32
      %add3A_208 = vector.broadcast %add3A_207 : i32 to vector<16xi32>
      %add3A_209 = arith.addi %add3A_48, %add3A_208 : vector<16xi32>
      %gather3A_210 = tpu.vector_load_idx %arg4[%add3A_209] : memref<37888xf32, #tpu.memory_space<vmem>>[vector<16xi32>], vector<16xf32>,
      %mul3A_211 = arith.mulf %gather3A_210, %gather3A_210 : vector<16xf32>
      %add3A_212 = arith.addf %add3A_164, %mul3A_211 : vector<16xf32>
      %add3A_213 = arith.constant 25 : i32
      %add3A_214 = vector.broadcast %add3A_213 : i32 to vector<16xi32>
      %add3A_215 = arith.addi %add3A_48, %add3A_214 : vector<16xi32>
      %gather3A_216 = tpu.vector_load_idx %arg4[%add3A_215] : memref<37888xf32, #tpu.memory_space<vmem>>[vector<16xi32>], vector<16xf32>,
      %mul3A_217 = arith.mulf %gather3A_216, %gather3A_216 : vector<16xf32>
      %add3A_218 = arith.addf %add3A_170, %mul3A_217 : vector<16xf32>
      %add3A_219 = arith.constant 26 : i32
      %add3A_220 = vector.broadcast %add3A_219 : i32 to vector<16xi32>
      %add3A_221 = arith.addi %add3A_48, %add3A_220 : vector<16xi32>
      %gather3A_222 = tpu.vector_load_idx %arg4[%add3A_221] : memref<37888xf32, #tpu.memory_space<vmem>>[vector<16xi32>], vector<16xf32>,
      %mul3A_223 = arith.mulf %gather3A_222, %gather3A_222 : vector<16xf32>
      %add3A_224 = arith.addf %add3A_176, %mul3A_223 : vector<16xf32>
      %add3A_225 = arith.constant 27 : i32
      %add3A_226 = vector.broadcast %add3A_225 : i32 to vector<16xi32>
      %add3A_227 = arith.addi %add3A_48, %add3A_226 : vector<16xi32>
      %gather3A_228 = tpu.vector_load_idx %arg4[%add3A_227] : memref<37888xf32, #tpu.memory_space<vmem>>[vector<16xi32>], vector<16xf32>,
      %mul3A_229 = arith.mulf %gather3A_228, %gather3A_228 : vector<16xf32>
      %add3A_230 = arith.addf %add3A_182, %mul3A_229 : vector<16xf32>
      %add3A_231 = arith.constant 28 : i32
      %add3A_232 = vector.broadcast %add3A_231 : i32 to vector<16xi32>
      %add3A_233 = arith.addi %add3A_48, %add3A_232 : vector<16xi32>
      %gather3A_234 = tpu.vector_load_idx %arg4[%add3A_233] : memref<37888xf32, #tpu.memory_space<vmem>>[vector<16xi32>], vector<16xf32>,
      %mul3A_235 = arith.mulf %gather3A_234, %gather3A_234 : vector<16xf32>
      %add3A_236 = arith.addf %add3A_188, %mul3A_235 : vector<16xf32>
      %add3A_237 = arith.constant 29 : i32
      %add3A_238 = vector.broadcast %add3A_237 : i32 to vector<16xi32>
      %add3A_239 = arith.addi %add3A_48, %add3A_238 : vector<16xi32>
      %gather3A_240 = tpu.vector_load_idx %arg4[%add3A_239] : memref<37888xf32, #tpu.memory_space<vmem>>[vector<16xi32>], vector<16xf32>,
      %mul3A_241 = arith.mulf %gather3A_240, %gather3A_240 : vector<16xf32>
      %add3A_242 = arith.addf %add3A_194, %mul3A_241 : vector<16xf32>
      %add3A_243 = arith.constant 30 : i32
      %add3A_244 = vector.broadcast %add3A_243 : i32 to vector<16xi32>
      %add3A_245 = arith.addi %add3A_48, %add3A_244 : vector<16xi32>
      %gather3A_246 = tpu.vector_load_idx %arg4[%add3A_245] : memref<37888xf32, #tpu.memory_space<vmem>>[vector<16xi32>], vector<16xf32>,
      %mul3A_247 = arith.mulf %gather3A_246, %gather3A_246 : vector<16xf32>
      %add3A_248 = arith.addf %add3A_200, %mul3A_247 : vector<16xf32>
      %add3A_249 = arith.constant 31 : i32
      %add3A_250 = vector.broadcast %add3A_249 : i32 to vector<16xi32>
      %add3A_251 = arith.addi %add3A_48, %add3A_250 : vector<16xi32>
      %gather3A_252 = tpu.vector_load_idx %arg4[%add3A_251] : memref<37888xf32, #tpu.memory_space<vmem>>[vector<16xi32>], vector<16xf32>,
      %mul3A_253 = arith.mulf %gather3A_252, %gather3A_252 : vector<16xf32>
      %add3A_254 = arith.addf %add3A_206, %mul3A_253 : vector<16xf32>
      %add3A_255 = arith.constant 32 : i32
      %add3A_256 = vector.broadcast %add3A_255 : i32 to vector<16xi32>
      %add3A_257 = arith.addi %add3A_48, %add3A_256 : vector<16xi32>
      %gather3A_258 = tpu.vector_load_idx %arg4[%add3A_257] : memref<37888xf32, #tpu.memory_space<vmem>>[vector<16xi32>], vector<16xf32>,
      %mul3A_259 = arith.mulf %gather3A_258, %gather3A_258 : vector<16xf32>
      %add3A_260 = arith.addf %add3A_212, %mul3A_259 : vector<16xf32>
      %add3A_261 = arith.constant 33 : i32
      %add3A_262 = vector.broadcast %add3A_261 : i32 to vector<16xi32>
      %add3A_263 = arith.addi %add3A_48, %add3A_262 : vector<16xi32>
      %gather3A_264 = tpu.vector_load_idx %arg4[%add3A_263] : memref<37888xf32, #tpu.memory_space<vmem>>[vector<16xi32>], vector<16xf32>,
      %mul3A_265 = arith.mulf %gather3A_264, %gather3A_264 : vector<16xf32>
      %add3A_266 = arith.addf %add3A_218, %mul3A_265 : vector<16xf32>
      %add3A_267 = arith.constant 34 : i32
      %add3A_268 = vector.broadcast %add3A_267 : i32 to vector<16xi32>
      %add3A_269 = arith.addi %add3A_48, %add3A_268 : vector<16xi32>
      %gather3A_270 = tpu.vector_load_idx %arg4[%add3A_269] : memref<37888xf32, #tpu.memory_space<vmem>>[vector<16xi32>], vector<16xf32>,
      %mul3A_271 = arith.mulf %gather3A_270, %gather3A_270 : vector<16xf32>
      %add3A_272 = arith.addf %add3A_224, %mul3A_271 : vector<16xf32>
      %add3A_273 = arith.constant 35 : i32
      %add3A_274 = vector.broadcast %add3A_273 : i32 to vector<16xi32>
      %add3A_275 = arith.addi %add3A_48, %add3A_274 : vector<16xi32>
      %gather3A_276 = tpu.vector_load_idx %arg4[%add3A_275] : memref<37888xf32, #tpu.memory_space<vmem>>[vector<16xi32>], vector<16xf32>,
      %mul3A_277 = arith.mulf %gather3A_276, %gather3A_276 : vector<16xf32>
      %add3A_278 = arith.addf %add3A_230, %mul3A_277 : vector<16xf32>
      %add3A_279 = arith.constant 36 : i32
      %add3A_280 = vector.broadcast %add3A_279 : i32 to vector<16xi32>
      %add3A_281 = arith.addi %add3A_48, %add3A_280 : vector<16xi32>
      %gather3A_282 = tpu.vector_load_idx %arg4[%add3A_281] : memref<37888xf32, #tpu.memory_space<vmem>>[vector<16xi32>], vector<16xf32>,
      %mul3A_283 = arith.mulf %gather3A_282, %gather3A_282 : vector<16xf32>
      %add3A_284 = arith.addf %add3A_236, %mul3A_283 : vector<16xf32>
      %add3A_285 = arith.constant 37 : i32
      %add3A_286 = vector.broadcast %add3A_285 : i32 to vector<16xi32>
      %add3A_287 = arith.addi %add3A_48, %add3A_286 : vector<16xi32>
      %gather3A_288 = tpu.vector_load_idx %arg4[%add3A_287] : memref<37888xf32, #tpu.memory_space<vmem>>[vector<16xi32>], vector<16xf32>,
      %mul3A_289 = arith.mulf %gather3A_288, %gather3A_288 : vector<16xf32>
      %add3A_290 = arith.addf %add3A_242, %mul3A_289 : vector<16xf32>
      %add3A_291 = arith.constant 38 : i32
      %add3A_292 = vector.broadcast %add3A_291 : i32 to vector<16xi32>
      %add3A_293 = arith.addi %add3A_48, %add3A_292 : vector<16xi32>
      %gather3A_294 = tpu.vector_load_idx %arg4[%add3A_293] : memref<37888xf32, #tpu.memory_space<vmem>>[vector<16xi32>], vector<16xf32>,
      %mul3A_295 = arith.mulf %gather3A_294, %gather3A_294 : vector<16xf32>
      %add3A_296 = arith.addf %add3A_248, %mul3A_295 : vector<16xf32>
      %add3A_297 = arith.constant 39 : i32
      %add3A_298 = vector.broadcast %add3A_297 : i32 to vector<16xi32>
      %add3A_299 = arith.addi %add3A_48, %add3A_298 : vector<16xi32>
      %gather3A_300 = tpu.vector_load_idx %arg4[%add3A_299] : memref<37888xf32, #tpu.memory_space<vmem>>[vector<16xi32>], vector<16xf32>,
      %mul3A_301 = arith.mulf %gather3A_300, %gather3A_300 : vector<16xf32>
      %add3A_302 = arith.addf %add3A_254, %mul3A_301 : vector<16xf32>
      %add3A_303 = arith.constant 40 : i32
      %add3A_304 = vector.broadcast %add3A_303 : i32 to vector<16xi32>
      %add3A_305 = arith.addi %add3A_48, %add3A_304 : vector<16xi32>
      %gather3A_306 = tpu.vector_load_idx %arg4[%add3A_305] : memref<37888xf32, #tpu.memory_space<vmem>>[vector<16xi32>], vector<16xf32>,
      %mul3A_307 = arith.mulf %gather3A_306, %gather3A_306 : vector<16xf32>
      %add3A_308 = arith.addf %add3A_260, %mul3A_307 : vector<16xf32>
      %add3A_309 = arith.constant 41 : i32
      %add3A_310 = vector.broadcast %add3A_309 : i32 to vector<16xi32>
      %add3A_311 = arith.addi %add3A_48, %add3A_310 : vector<16xi32>
      %gather3A_312 = tpu.vector_load_idx %arg4[%add3A_311] : memref<37888xf32, #tpu.memory_space<vmem>>[vector<16xi32>], vector<16xf32>,
      %mul3A_313 = arith.mulf %gather3A_312, %gather3A_312 : vector<16xf32>
      %add3A_314 = arith.addf %add3A_266, %mul3A_313 : vector<16xf32>
      %add3A_315 = arith.constant 42 : i32
      %add3A_316 = vector.broadcast %add3A_315 : i32 to vector<16xi32>
      %add3A_317 = arith.addi %add3A_48, %add3A_316 : vector<16xi32>
      %gather3A_318 = tpu.vector_load_idx %arg4[%add3A_317] : memref<37888xf32, #tpu.memory_space<vmem>>[vector<16xi32>], vector<16xf32>,
      %mul3A_319 = arith.mulf %gather3A_318, %gather3A_318 : vector<16xf32>
      %add3A_320 = arith.addf %add3A_272, %mul3A_319 : vector<16xf32>
      %add3A_321 = arith.constant 43 : i32
      %add3A_322 = vector.broadcast %add3A_321 : i32 to vector<16xi32>
      %add3A_323 = arith.addi %add3A_48, %add3A_322 : vector<16xi32>
      %gather3A_324 = tpu.vector_load_idx %arg4[%add3A_323] : memref<37888xf32, #tpu.memory_space<vmem>>[vector<16xi32>], vector<16xf32>,
      %mul3A_325 = arith.mulf %gather3A_324, %gather3A_324 : vector<16xf32>
      %add3A_326 = arith.addf %add3A_278, %mul3A_325 : vector<16xf32>
      %add3A_327 = arith.constant 44 : i32
      %add3A_328 = vector.broadcast %add3A_327 : i32 to vector<16xi32>
      %add3A_329 = arith.addi %add3A_48, %add3A_328 : vector<16xi32>
      %gather3A_330 = tpu.vector_load_idx %arg4[%add3A_329] : memref<37888xf32, #tpu.memory_space<vmem>>[vector<16xi32>], vector<16xf32>,
      %mul3A_331 = arith.mulf %gather3A_330, %gather3A_330 : vector<16xf32>
      %add3A_332 = arith.addf %add3A_284, %mul3A_331 : vector<16xf32>
      %add3A_333 = arith.constant 45 : i32
      %add3A_334 = vector.broadcast %add3A_333 : i32 to vector<16xi32>
      %add3A_335 = arith.addi %add3A_48, %add3A_334 : vector<16xi32>
      %gather3A_336 = tpu.vector_load_idx %arg4[%add3A_335] : memref<37888xf32, #tpu.memory_space<vmem>>[vector<16xi32>], vector<16xf32>,
      %mul3A_337 = arith.mulf %gather3A_336, %gather3A_336 : vector<16xf32>
      %add3A_338 = arith.addf %add3A_290, %mul3A_337 : vector<16xf32>
      %add3A_339 = arith.constant 46 : i32
      %add3A_340 = vector.broadcast %add3A_339 : i32 to vector<16xi32>
      %add3A_341 = arith.addi %add3A_48, %add3A_340 : vector<16xi32>
      %gather3A_342 = tpu.vector_load_idx %arg4[%add3A_341] : memref<37888xf32, #tpu.memory_space<vmem>>[vector<16xi32>], vector<16xf32>,
      %mul3A_343 = arith.mulf %gather3A_342, %gather3A_342 : vector<16xf32>
      %add3A_344 = arith.addf %add3A_296, %mul3A_343 : vector<16xf32>
      %add3A_345 = arith.constant 47 : i32
      %add3A_346 = vector.broadcast %add3A_345 : i32 to vector<16xi32>
      %add3A_347 = arith.addi %add3A_48, %add3A_346 : vector<16xi32>
      %gather3A_348 = tpu.vector_load_idx %arg4[%add3A_347] : memref<37888xf32, #tpu.memory_space<vmem>>[vector<16xi32>], vector<16xf32>,
      %mul3A_349 = arith.mulf %gather3A_348, %gather3A_348 : vector<16xf32>
      %add3A_350 = arith.addf %add3A_302, %mul3A_349 : vector<16xf32>
      %add3A_351 = arith.constant 48 : i32
      %add3A_352 = vector.broadcast %add3A_351 : i32 to vector<16xi32>
      %add3A_353 = arith.addi %add3A_48, %add3A_352 : vector<16xi32>
      %gather3A_354 = tpu.vector_load_idx %arg4[%add3A_353] : memref<37888xf32, #tpu.memory_space<vmem>>[vector<16xi32>], vector<16xf32>,
      %mul3A_355 = arith.mulf %gather3A_354, %gather3A_354 : vector<16xf32>
      %add3A_356 = arith.addf %add3A_308, %mul3A_355 : vector<16xf32>
      %add3A_357 = arith.constant 49 : i32
      %add3A_358 = vector.broadcast %add3A_357 : i32 to vector<16xi32>
      %add3A_359 = arith.addi %add3A_48, %add3A_358 : vector<16xi32>
      %gather3A_360 = tpu.vector_load_idx %arg4[%add3A_359] : memref<37888xf32, #tpu.memory_space<vmem>>[vector<16xi32>], vector<16xf32>,
      %mul3A_361 = arith.mulf %gather3A_360, %gather3A_360 : vector<16xf32>
      %add3A_362 = arith.addf %add3A_314, %mul3A_361 : vector<16xf32>
      %add3A_363 = arith.constant 50 : i32
      %add3A_364 = vector.broadcast %add3A_363 : i32 to vector<16xi32>
      %add3A_365 = arith.addi %add3A_48, %add3A_364 : vector<16xi32>
      %gather3A_366 = tpu.vector_load_idx %arg4[%add3A_365] : memref<37888xf32, #tpu.memory_space<vmem>>[vector<16xi32>], vector<16xf32>,
      %mul3A_367 = arith.mulf %gather3A_366, %gather3A_366 : vector<16xf32>
      %add3A_368 = arith.addf %add3A_320, %mul3A_367 : vector<16xf32>
      %add3A_369 = arith.constant 51 : i32
      %add3A_370 = vector.broadcast %add3A_369 : i32 to vector<16xi32>
      %add3A_371 = arith.addi %add3A_48, %add3A_370 : vector<16xi32>
      %gather3A_372 = tpu.vector_load_idx %arg4[%add3A_371] : memref<37888xf32, #tpu.memory_space<vmem>>[vector<16xi32>], vector<16xf32>,
      %mul3A_373 = arith.mulf %gather3A_372, %gather3A_372 : vector<16xf32>
      %add3A_374 = arith.addf %add3A_326, %mul3A_373 : vector<16xf32>
      %add3A_375 = arith.constant 52 : i32
      %add3A_376 = vector.broadcast %add3A_375 : i32 to vector<16xi32>
      %add3A_377 = arith.addi %add3A_48, %add3A_376 : vector<16xi32>
      %gather3A_378 = tpu.vector_load_idx %arg4[%add3A_377] : memref<37888xf32, #tpu.memory_space<vmem>>[vector<16xi32>], vector<16xf32>,
      %mul3A_379 = arith.mulf %gather3A_378, %gather3A_378 : vector<16xf32>
      %add3A_380 = arith.addf %add3A_332, %mul3A_379 : vector<16xf32>
      %add3A_381 = arith.constant 53 : i32
      %add3A_382 = vector.broadcast %add3A_381 : i32 to vector<16xi32>
      %add3A_383 = arith.addi %add3A_48, %add3A_382 : vector<16xi32>
      %gather3A_384 = tpu.vector_load_idx %arg4[%add3A_383] : memref<37888xf32, #tpu.memory_space<vmem>>[vector<16xi32>], vector<16xf32>,
      %mul3A_385 = arith.mulf %gather3A_384, %gather3A_384 : vector<16xf32>
      %add3A_386 = arith.addf %add3A_338, %mul3A_385 : vector<16xf32>
      %add3A_387 = arith.constant 54 : i32
      %add3A_388 = vector.broadcast %add3A_387 : i32 to vector<16xi32>
      %add3A_389 = arith.addi %add3A_48, %add3A_388 : vector<16xi32>
      %gather3A_390 = tpu.vector_load_idx %arg4[%add3A_389] : memref<37888xf32, #tpu.memory_space<vmem>>[vector<16xi32>], vector<16xf32>,
      %mul3A_391 = arith.mulf %gather3A_390, %gather3A_390 : vector<16xf32>
      %add3A_392 = arith.addf %add3A_344, %mul3A_391 : vector<16xf32>
      %add3A_393 = arith.constant 55 : i32
      %add3A_394 = vector.broadcast %add3A_393 : i32 to vector<16xi32>
      %add3A_395 = arith.addi %add3A_48, %add3A_394 : vector<16xi32>
      %gather3A_396 = tpu.vector_load_idx %arg4[%add3A_395] : memref<37888xf32, #tpu.memory_space<vmem>>[vector<16xi32>], vector<16xf32>,
      %mul3A_397 = arith.mulf %gather3A_396, %gather3A_396 : vector<16xf32>
      %add3A_398 = arith.addf %add3A_350, %mul3A_397 : vector<16xf32>
      %add3A_399 = arith.constant 56 : i32
      %add3A_400 = vector.broadcast %add3A_399 : i32 to vector<16xi32>
      %add3A_401 = arith.addi %add3A_48, %add3A_400 : vector<16xi32>
      %gather3A_402 = tpu.vector_load_idx %arg4[%add3A_401] : memref<37888xf32, #tpu.memory_space<vmem>>[vector<16xi32>], vector<16xf32>,
      %mul3A_403 = arith.mulf %gather3A_402, %gather3A_402 : vector<16xf32>
      %add3A_404 = arith.addf %add3A_356, %mul3A_403 : vector<16xf32>
      %add3A_405 = arith.constant 57 : i32
      %add3A_406 = vector.broadcast %add3A_405 : i32 to vector<16xi32>
      %add3A_407 = arith.addi %add3A_48, %add3A_406 : vector<16xi32>
      %gather3A_408 = tpu.vector_load_idx %arg4[%add3A_407] : memref<37888xf32, #tpu.memory_space<vmem>>[vector<16xi32>], vector<16xf32>,
      %mul3A_409 = arith.mulf %gather3A_408, %gather3A_408 : vector<16xf32>
      %add3A_410 = arith.addf %add3A_362, %mul3A_409 : vector<16xf32>
      %add3A_411 = arith.constant 58 : i32
      %add3A_412 = vector.broadcast %add3A_411 : i32 to vector<16xi32>
      %add3A_413 = arith.addi %add3A_48, %add3A_412 : vector<16xi32>
      %gather3A_414 = tpu.vector_load_idx %arg4[%add3A_413] : memref<37888xf32, #tpu.memory_space<vmem>>[vector<16xi32>], vector<16xf32>,
      %mul3A_415 = arith.mulf %gather3A_414, %gather3A_414 : vector<16xf32>
      %add3A_416 = arith.addf %add3A_368, %mul3A_415 : vector<16xf32>
      %add3A_417 = arith.constant 59 : i32
      %add3A_418 = vector.broadcast %add3A_417 : i32 to vector<16xi32>
      %add3A_419 = arith.addi %add3A_48, %add3A_418 : vector<16xi32>
      %gather3A_420 = tpu.vector_load_idx %arg4[%add3A_419] : memref<37888xf32, #tpu.memory_space<vmem>>[vector<16xi32>], vector<16xf32>,
      %mul3A_421 = arith.mulf %gather3A_420, %gather3A_420 : vector<16xf32>
      %add3A_422 = arith.addf %add3A_374, %mul3A_421 : vector<16xf32>
      %add3A_423 = arith.constant 60 : i32
      %add3A_424 = vector.broadcast %add3A_423 : i32 to vector<16xi32>
      %add3A_425 = arith.addi %add3A_48, %add3A_424 : vector<16xi32>
      %gather3A_426 = tpu.vector_load_idx %arg4[%add3A_425] : memref<37888xf32, #tpu.memory_space<vmem>>[vector<16xi32>], vector<16xf32>,
      %mul3A_427 = arith.mulf %gather3A_426, %gather3A_426 : vector<16xf32>
      %add3A_428 = arith.addf %add3A_380, %mul3A_427 : vector<16xf32>
      %add3A_429 = arith.constant 61 : i32
      %add3A_430 = vector.broadcast %add3A_429 : i32 to vector<16xi32>
      %add3A_431 = arith.addi %add3A_48, %add3A_430 : vector<16xi32>
      %gather3A_432 = tpu.vector_load_idx %arg4[%add3A_431] : memref<37888xf32, #tpu.memory_space<vmem>>[vector<16xi32>], vector<16xf32>,
      %mul3A_433 = arith.mulf %gather3A_432, %gather3A_432 : vector<16xf32>
      %add3A_434 = arith.addf %add3A_386, %mul3A_433 : vector<16xf32>
      %add3A_435 = arith.constant 62 : i32
      %add3A_436 = vector.broadcast %add3A_435 : i32 to vector<16xi32>
      %add3A_437 = arith.addi %add3A_48, %add3A_436 : vector<16xi32>
      %gather3A_438 = tpu.vector_load_idx %arg4[%add3A_437] : memref<37888xf32, #tpu.memory_space<vmem>>[vector<16xi32>], vector<16xf32>,
      %mul3A_439 = arith.mulf %gather3A_438, %gather3A_438 : vector<16xf32>
      %add3A_440 = arith.addf %add3A_392, %mul3A_439 : vector<16xf32>
      %add3A_441 = arith.constant 63 : i32
      %add3A_442 = vector.broadcast %add3A_441 : i32 to vector<16xi32>
      %add3A_443 = arith.addi %add3A_48, %add3A_442 : vector<16xi32>
      %gather3A_444 = tpu.vector_load_idx %arg4[%add3A_443] : memref<37888xf32, #tpu.memory_space<vmem>>[vector<16xi32>], vector<16xf32>,
      %mul3A_445 = arith.mulf %gather3A_444, %gather3A_444 : vector<16xf32>
      %add3A_446 = arith.addf %add3A_398, %mul3A_445 : vector<16xf32>
      %add3A_447 = arith.addf %add3A_404, %add3A_410 : vector<16xf32>
      %add3A_448 = arith.addf %add3A_416, %add3A_422 : vector<16xf32>
      %add3A_449 = arith.addf %add3A_447, %add3A_448 : vector<16xf32>
      %add3A_450 = arith.addf %add3A_428, %add3A_434 : vector<16xf32>
      %add3A_451 = arith.addf %add3A_440, %add3A_446 : vector<16xf32>
      %add3A_452 = arith.addf %add3A_450, %add3A_451 : vector<16xf32>
      %add3A_453 = arith.addf %add3A_449, %add3A_452 : vector<16xf32>
      %mul3A_454 = arith.constant 16 : i32
      %mul3A_455 = arith.muli %scan3A_44, %mul3A_454 : i32
      %swap3A = arith.index_cast %mul3A_455 : i32 to index
      %swap3A_456 = tpu.vector_load %arg6[%swap3A] {strides = array<i32>} : memref<592xf32, #tpu.memory_space<vmem>>, vector<16xf32>,
      tpu.vector_store %arg6[%swap3A], %add3A_453 {strides = array<i32>} : memref<592xf32, #tpu.memory_space<vmem>>, vector<16xf32>,
    }
    %scan3A_24 = arith.constant 37 : i32
    %sub3A = arith.constant 62112 : i32
    %sub3A_25 = arith.subi %add3A_9, %sub3A : i32
    %dma_start3A_26 = tpu.memref_slice %arg3[%sub3A_25] : memref<37888xf32, #tpu.memory_space<hbm>> -> memref<592xf32, #tpu.memory_space<hbm>>
    %dma_start3A_27 = tpu.memref_slice %arg3[%sub3A_25] : memref<37888xf32, #tpu.memory_space<hbm>> -> memref<592xf32, #tpu.memory_space<hbm>>
    tpu.enqueue_dma source(%arg6 : memref<592xf32, #tpu.memory_space<vmem>>) target(%dma_start3A_27 : memref<592xf32, #tpu.memory_space<hbm>>) target_semaphore(%arg10 : memref<!tpu.dma_semaphore, #tpu.memory_space<semaphore_mem>>)
    %dma_wait3A_28 = tpu.memref_slice %arg2[%mul3A_16] : memref<6400000xf32, #tpu.memory_space<hbm>> -> memref<37888xf32, #tpu.memory_space<hbm>>
    %dma_wait3A_29 = tpu.memref_slice %arg2[%mul3A_16] : memref<6400000xf32, #tpu.memory_space<hbm>> -> memref<37888xf32, #tpu.memory_space<hbm>>
    tpu.wait_dma2 semaphore(%arg9 : memref<!tpu.dma_semaphore, #tpu.memory_space<semaphore_mem>>) src(%dma_wait3A_29 : memref<37888xf32, #tpu.memory_space<hbm>>) dst(%arg5 : memref<37888xf32, #tpu.memory_space<vmem>>)
    %scan3A_30 = arith.constant 0 : i32
    %scan3A_31 = arith.constant 0 : i32
    %scan3A_32 = arith.constant 37 : i32
    %scan3A_33 = arith.addi %scan3A_31, %scan3A_32 : i32
    %scan3A_34 = arith.constant 1 : i32
    scf.for %scan3A_44 = %scan3A_31 to %scan3A_33 step %scan3A_34  : i32 {
      %mul3A_45 = arith.constant 1024 : i32
      %mul3A_46 = arith.muli %scan3A_44, %mul3A_45 : i32
      %add3A_47 = vector.broadcast %mul3A_46 : i32 to vector<16xi32>
      %add3A_48 = arith.addi %add3A_47, %mul3A_7 : vector<16xi32>
      %broadcast_in_dim3A = arith.constant 0.000000e+00 : f32
      %broadcast_in_dim3A_49 = vector.broadcast %broadcast_in_dim3A : f32 to vector<16xf32>
      %broadcast_in_dim3A_50 = arith.constant 0.000000e+00 : f32
      %broadcast_in_dim3A_51 = vector.broadcast %broadcast_in_dim3A_50 : f32 to vector<16xf32>
      %broadcast_in_dim3A_52 = arith.constant 0.000000e+00 : f32
      %broadcast_in_dim3A_53 = vector.broadcast %broadcast_in_dim3A_52 : f32 to vector<16xf32>
      %broadcast_in_dim3A_54 = arith.constant 0.000000e+00 : f32
      %broadcast_in_dim3A_55 = vector.broadcast %broadcast_in_dim3A_54 : f32 to vector<16xf32>
      %broadcast_in_dim3A_56 = arith.constant 0.000000e+00 : f32
      %broadcast_in_dim3A_57 = vector.broadcast %broadcast_in_dim3A_56 : f32 to vector<16xf32>
      %broadcast_in_dim3A_58 = arith.constant 0.000000e+00 : f32
      %broadcast_in_dim3A_59 = vector.broadcast %broadcast_in_dim3A_58 : f32 to vector<16xf32>
      %broadcast_in_dim3A_60 = arith.constant 0.000000e+00 : f32
      %broadcast_in_dim3A_61 = vector.broadcast %broadcast_in_dim3A_60 : f32 to vector<16xf32>
      %broadcast_in_dim3A_62 = arith.constant 0.000000e+00 : f32
      %broadcast_in_dim3A_63 = vector.broadcast %broadcast_in_dim3A_62 : f32 to vector<16xf32>
      %add3A_64 = arith.constant 0 : i32
      %add3A_65 = vector.broadcast %add3A_64 : i32 to vector<16xi32>
      %add3A_66 = arith.addi %add3A_48, %add3A_65 : vector<16xi32>
      %gather3A = tpu.vector_load_idx %arg5[%add3A_66] : memref<37888xf32, #tpu.memory_space<vmem>>[vector<16xi32>], vector<16xf32>,
      %mul3A_67 = arith.mulf %gather3A, %gather3A : vector<16xf32>
      %add3A_68 = arith.addf %broadcast_in_dim3A_49, %mul3A_67 : vector<16xf32>
      %add3A_69 = arith.constant 1 : i32
      %add3A_70 = vector.broadcast %add3A_69 : i32 to vector<16xi32>
      %add3A_71 = arith.addi %add3A_48, %add3A_70 : vector<16xi32>
      %gather3A_72 = tpu.vector_load_idx %arg5[%add3A_71] : memref<37888xf32, #tpu.memory_space<vmem>>[vector<16xi32>], vector<16xf32>,
      %mul3A_73 = arith.mulf %gather3A_72, %gather3A_72 : vector<16xf32>
      %add3A_74 = arith.addf %broadcast_in_dim3A_51, %mul3A_73 : vector<16xf32>
      %add3A_75 = arith.constant 2 : i32
      %add3A_76 = vector.broadcast %add3A_75 : i32 to vector<16xi32>
      %add3A_77 = arith.addi %add3A_48, %add3A_76 : vector<16xi32>
      %gather3A_78 = tpu.vector_load_idx %arg5[%add3A_77] : memref<37888xf32, #tpu.memory_space<vmem>>[vector<16xi32>], vector<16xf32>,
      %mul3A_79 = arith.mulf %gather3A_78, %gather3A_78 : vector<16xf32>
      %add3A_80 = arith.addf %broadcast_in_dim3A_53, %mul3A_79 : vector<16xf32>
      %add3A_81 = arith.constant 3 : i32
      %add3A_82 = vector.broadcast %add3A_81 : i32 to vector<16xi32>
      %add3A_83 = arith.addi %add3A_48, %add3A_82 : vector<16xi32>
      %gather3A_84 = tpu.vector_load_idx %arg5[%add3A_83] : memref<37888xf32, #tpu.memory_space<vmem>>[vector<16xi32>], vector<16xf32>,
      %mul3A_85 = arith.mulf %gather3A_84, %gather3A_84 : vector<16xf32>
      %add3A_86 = arith.addf %broadcast_in_dim3A_55, %mul3A_85 : vector<16xf32>
      %add3A_87 = arith.constant 4 : i32
      %add3A_88 = vector.broadcast %add3A_87 : i32 to vector<16xi32>
      %add3A_89 = arith.addi %add3A_48, %add3A_88 : vector<16xi32>
      %gather3A_90 = tpu.vector_load_idx %arg5[%add3A_89] : memref<37888xf32, #tpu.memory_space<vmem>>[vector<16xi32>], vector<16xf32>,
      %mul3A_91 = arith.mulf %gather3A_90, %gather3A_90 : vector<16xf32>
      %add3A_92 = arith.addf %broadcast_in_dim3A_57, %mul3A_91 : vector<16xf32>
      %add3A_93 = arith.constant 5 : i32
      %add3A_94 = vector.broadcast %add3A_93 : i32 to vector<16xi32>
      %add3A_95 = arith.addi %add3A_48, %add3A_94 : vector<16xi32>
      %gather3A_96 = tpu.vector_load_idx %arg5[%add3A_95] : memref<37888xf32, #tpu.memory_space<vmem>>[vector<16xi32>], vector<16xf32>,
      %mul3A_97 = arith.mulf %gather3A_96, %gather3A_96 : vector<16xf32>
      %add3A_98 = arith.addf %broadcast_in_dim3A_59, %mul3A_97 : vector<16xf32>
      %add3A_99 = arith.constant 6 : i32
      %add3A_100 = vector.broadcast %add3A_99 : i32 to vector<16xi32>
      %add3A_101 = arith.addi %add3A_48, %add3A_100 : vector<16xi32>
      %gather3A_102 = tpu.vector_load_idx %arg5[%add3A_101] : memref<37888xf32, #tpu.memory_space<vmem>>[vector<16xi32>], vector<16xf32>,
      %mul3A_103 = arith.mulf %gather3A_102, %gather3A_102 : vector<16xf32>
      %add3A_104 = arith.addf %broadcast_in_dim3A_61, %mul3A_103 : vector<16xf32>
      %add3A_105 = arith.constant 7 : i32
      %add3A_106 = vector.broadcast %add3A_105 : i32 to vector<16xi32>
      %add3A_107 = arith.addi %add3A_48, %add3A_106 : vector<16xi32>
      %gather3A_108 = tpu.vector_load_idx %arg5[%add3A_107] : memref<37888xf32, #tpu.memory_space<vmem>>[vector<16xi32>], vector<16xf32>,
      %mul3A_109 = arith.mulf %gather3A_108, %gather3A_108 : vector<16xf32>
      %add3A_110 = arith.addf %broadcast_in_dim3A_63, %mul3A_109 : vector<16xf32>
      %add3A_111 = arith.constant 8 : i32
      %add3A_112 = vector.broadcast %add3A_111 : i32 to vector<16xi32>
      %add3A_113 = arith.addi %add3A_48, %add3A_112 : vector<16xi32>
      %gather3A_114 = tpu.vector_load_idx %arg5[%add3A_113] : memref<37888xf32, #tpu.memory_space<vmem>>[vector<16xi32>], vector<16xf32>,
      %mul3A_115 = arith.mulf %gather3A_114, %gather3A_114 : vector<16xf32>
      %add3A_116 = arith.addf %add3A_68, %mul3A_115 : vector<16xf32>
      %add3A_117 = arith.constant 9 : i32
      %add3A_118 = vector.broadcast %add3A_117 : i32 to vector<16xi32>
      %add3A_119 = arith.addi %add3A_48, %add3A_118 : vector<16xi32>
      %gather3A_120 = tpu.vector_load_idx %arg5[%add3A_119] : memref<37888xf32, #tpu.memory_space<vmem>>[vector<16xi32>], vector<16xf32>,
      %mul3A_121 = arith.mulf %gather3A_120, %gather3A_120 : vector<16xf32>
      %add3A_122 = arith.addf %add3A_74, %mul3A_121 : vector<16xf32>
      %add3A_123 = arith.constant 10 : i32
      %add3A_124 = vector.broadcast %add3A_123 : i32 to vector<16xi32>
      %add3A_125 = arith.addi %add3A_48, %add3A_124 : vector<16xi32>
      %gather3A_126 = tpu.vector_load_idx %arg5[%add3A_125] : memref<37888xf32, #tpu.memory_space<vmem>>[vector<16xi32>], vector<16xf32>,
      %mul3A_127 = arith.mulf %gather3A_126, %gather3A_126 : vector<16xf32>
      %add3A_128 = arith.addf %add3A_80, %mul3A_127 : vector<16xf32>
      %add3A_129 = arith.constant 11 : i32
      %add3A_130 = vector.broadcast %add3A_129 : i32 to vector<16xi32>
      %add3A_131 = arith.addi %add3A_48, %add3A_130 : vector<16xi32>
      %gather3A_132 = tpu.vector_load_idx %arg5[%add3A_131] : memref<37888xf32, #tpu.memory_space<vmem>>[vector<16xi32>], vector<16xf32>,
      %mul3A_133 = arith.mulf %gather3A_132, %gather3A_132 : vector<16xf32>
      %add3A_134 = arith.addf %add3A_86, %mul3A_133 : vector<16xf32>
      %add3A_135 = arith.constant 12 : i32
      %add3A_136 = vector.broadcast %add3A_135 : i32 to vector<16xi32>
      %add3A_137 = arith.addi %add3A_48, %add3A_136 : vector<16xi32>
      %gather3A_138 = tpu.vector_load_idx %arg5[%add3A_137] : memref<37888xf32, #tpu.memory_space<vmem>>[vector<16xi32>], vector<16xf32>,
      %mul3A_139 = arith.mulf %gather3A_138, %gather3A_138 : vector<16xf32>
      %add3A_140 = arith.addf %add3A_92, %mul3A_139 : vector<16xf32>
      %add3A_141 = arith.constant 13 : i32
      %add3A_142 = vector.broadcast %add3A_141 : i32 to vector<16xi32>
      %add3A_143 = arith.addi %add3A_48, %add3A_142 : vector<16xi32>
      %gather3A_144 = tpu.vector_load_idx %arg5[%add3A_143] : memref<37888xf32, #tpu.memory_space<vmem>>[vector<16xi32>], vector<16xf32>,
      %mul3A_145 = arith.mulf %gather3A_144, %gather3A_144 : vector<16xf32>
      %add3A_146 = arith.addf %add3A_98, %mul3A_145 : vector<16xf32>
      %add3A_147 = arith.constant 14 : i32
      %add3A_148 = vector.broadcast %add3A_147 : i32 to vector<16xi32>
      %add3A_149 = arith.addi %add3A_48, %add3A_148 : vector<16xi32>
      %gather3A_150 = tpu.vector_load_idx %arg5[%add3A_149] : memref<37888xf32, #tpu.memory_space<vmem>>[vector<16xi32>], vector<16xf32>,
      %mul3A_151 = arith.mulf %gather3A_150, %gather3A_150 : vector<16xf32>
      %add3A_152 = arith.addf %add3A_104, %mul3A_151 : vector<16xf32>
      %add3A_153 = arith.constant 15 : i32
      %add3A_154 = vector.broadcast %add3A_153 : i32 to vector<16xi32>
      %add3A_155 = arith.addi %add3A_48, %add3A_154 : vector<16xi32>
      %gather3A_156 = tpu.vector_load_idx %arg5[%add3A_155] : memref<37888xf32, #tpu.memory_space<vmem>>[vector<16xi32>], vector<16xf32>,
      %mul3A_157 = arith.mulf %gather3A_156, %gather3A_156 : vector<16xf32>
      %add3A_158 = arith.addf %add3A_110, %mul3A_157 : vector<16xf32>
      %add3A_159 = arith.constant 16 : i32
      %add3A_160 = vector.broadcast %add3A_159 : i32 to vector<16xi32>
      %add3A_161 = arith.addi %add3A_48, %add3A_160 : vector<16xi32>
      %gather3A_162 = tpu.vector_load_idx %arg5[%add3A_161] : memref<37888xf32, #tpu.memory_space<vmem>>[vector<16xi32>], vector<16xf32>,
      %mul3A_163 = arith.mulf %gather3A_162, %gather3A_162 : vector<16xf32>
      %add3A_164 = arith.addf %add3A_116, %mul3A_163 : vector<16xf32>
      %add3A_165 = arith.constant 17 : i32
      %add3A_166 = vector.broadcast %add3A_165 : i32 to vector<16xi32>
      %add3A_167 = arith.addi %add3A_48, %add3A_166 : vector<16xi32>
      %gather3A_168 = tpu.vector_load_idx %arg5[%add3A_167] : memref<37888xf32, #tpu.memory_space<vmem>>[vector<16xi32>], vector<16xf32>,
      %mul3A_169 = arith.mulf %gather3A_168, %gather3A_168 : vector<16xf32>
      %add3A_170 = arith.addf %add3A_122, %mul3A_169 : vector<16xf32>
      %add3A_171 = arith.constant 18 : i32
      %add3A_172 = vector.broadcast %add3A_171 : i32 to vector<16xi32>
      %add3A_173 = arith.addi %add3A_48, %add3A_172 : vector<16xi32>
      %gather3A_174 = tpu.vector_load_idx %arg5[%add3A_173] : memref<37888xf32, #tpu.memory_space<vmem>>[vector<16xi32>], vector<16xf32>,
      %mul3A_175 = arith.mulf %gather3A_174, %gather3A_174 : vector<16xf32>
      %add3A_176 = arith.addf %add3A_128, %mul3A_175 : vector<16xf32>
      %add3A_177 = arith.constant 19 : i32
      %add3A_178 = vector.broadcast %add3A_177 : i32 to vector<16xi32>
      %add3A_179 = arith.addi %add3A_48, %add3A_178 : vector<16xi32>
      %gather3A_180 = tpu.vector_load_idx %arg5[%add3A_179] : memref<37888xf32, #tpu.memory_space<vmem>>[vector<16xi32>], vector<16xf32>,
      %mul3A_181 = arith.mulf %gather3A_180, %gather3A_180 : vector<16xf32>
      %add3A_182 = arith.addf %add3A_134, %mul3A_181 : vector<16xf32>
      %add3A_183 = arith.constant 20 : i32
      %add3A_184 = vector.broadcast %add3A_183 : i32 to vector<16xi32>
      %add3A_185 = arith.addi %add3A_48, %add3A_184 : vector<16xi32>
      %gather3A_186 = tpu.vector_load_idx %arg5[%add3A_185] : memref<37888xf32, #tpu.memory_space<vmem>>[vector<16xi32>], vector<16xf32>,
      %mul3A_187 = arith.mulf %gather3A_186, %gather3A_186 : vector<16xf32>
      %add3A_188 = arith.addf %add3A_140, %mul3A_187 : vector<16xf32>
      %add3A_189 = arith.constant 21 : i32
      %add3A_190 = vector.broadcast %add3A_189 : i32 to vector<16xi32>
      %add3A_191 = arith.addi %add3A_48, %add3A_190 : vector<16xi32>
      %gather3A_192 = tpu.vector_load_idx %arg5[%add3A_191] : memref<37888xf32, #tpu.memory_space<vmem>>[vector<16xi32>], vector<16xf32>,
      %mul3A_193 = arith.mulf %gather3A_192, %gather3A_192 : vector<16xf32>
      %add3A_194 = arith.addf %add3A_146, %mul3A_193 : vector<16xf32>
      %add3A_195 = arith.constant 22 : i32
      %add3A_196 = vector.broadcast %add3A_195 : i32 to vector<16xi32>
      %add3A_197 = arith.addi %add3A_48, %add3A_196 : vector<16xi32>
      %gather3A_198 = tpu.vector_load_idx %arg5[%add3A_197] : memref<37888xf32, #tpu.memory_space<vmem>>[vector<16xi32>], vector<16xf32>,
      %mul3A_199 = arith.mulf %gather3A_198, %gather3A_198 : vector<16xf32>
      %add3A_200 = arith.addf %add3A_152, %mul3A_199 : vector<16xf32>
      %add3A_201 = arith.constant 23 : i32
      %add3A_202 = vector.broadcast %add3A_201 : i32 to vector<16xi32>
      %add3A_203 = arith.addi %add3A_48, %add3A_202 : vector<16xi32>
      %gather3A_204 = tpu.vector_load_idx %arg5[%add3A_203] : memref<37888xf32, #tpu.memory_space<vmem>>[vector<16xi32>], vector<16xf32>,
      %mul3A_205 = arith.mulf %gather3A_204, %gather3A_204 : vector<16xf32>
      %add3A_206 = arith.addf %add3A_158, %mul3A_205 : vector<16xf32>
      %add3A_207 = arith.constant 24 : i32
      %add3A_208 = vector.broadcast %add3A_207 : i32 to vector<16xi32>
      %add3A_209 = arith.addi %add3A_48, %add3A_208 : vector<16xi32>
      %gather3A_210 = tpu.vector_load_idx %arg5[%add3A_209] : memref<37888xf32, #tpu.memory_space<vmem>>[vector<16xi32>], vector<16xf32>,
      %mul3A_211 = arith.mulf %gather3A_210, %gather3A_210 : vector<16xf32>
      %add3A_212 = arith.addf %add3A_164, %mul3A_211 : vector<16xf32>
      %add3A_213 = arith.constant 25 : i32
      %add3A_214 = vector.broadcast %add3A_213 : i32 to vector<16xi32>
      %add3A_215 = arith.addi %add3A_48, %add3A_214 : vector<16xi32>
      %gather3A_216 = tpu.vector_load_idx %arg5[%add3A_215] : memref<37888xf32, #tpu.memory_space<vmem>>[vector<16xi32>], vector<16xf32>,
      %mul3A_217 = arith.mulf %gather3A_216, %gather3A_216 : vector<16xf32>
      %add3A_218 = arith.addf %add3A_170, %mul3A_217 : vector<16xf32>
      %add3A_219 = arith.constant 26 : i32
      %add3A_220 = vector.broadcast %add3A_219 : i32 to vector<16xi32>
      %add3A_221 = arith.addi %add3A_48, %add3A_220 : vector<16xi32>
      %gather3A_222 = tpu.vector_load_idx %arg5[%add3A_221] : memref<37888xf32, #tpu.memory_space<vmem>>[vector<16xi32>], vector<16xf32>,
      %mul3A_223 = arith.mulf %gather3A_222, %gather3A_222 : vector<16xf32>
      %add3A_224 = arith.addf %add3A_176, %mul3A_223 : vector<16xf32>
      %add3A_225 = arith.constant 27 : i32
      %add3A_226 = vector.broadcast %add3A_225 : i32 to vector<16xi32>
      %add3A_227 = arith.addi %add3A_48, %add3A_226 : vector<16xi32>
      %gather3A_228 = tpu.vector_load_idx %arg5[%add3A_227] : memref<37888xf32, #tpu.memory_space<vmem>>[vector<16xi32>], vector<16xf32>,
      %mul3A_229 = arith.mulf %gather3A_228, %gather3A_228 : vector<16xf32>
      %add3A_230 = arith.addf %add3A_182, %mul3A_229 : vector<16xf32>
      %add3A_231 = arith.constant 28 : i32
      %add3A_232 = vector.broadcast %add3A_231 : i32 to vector<16xi32>
      %add3A_233 = arith.addi %add3A_48, %add3A_232 : vector<16xi32>
      %gather3A_234 = tpu.vector_load_idx %arg5[%add3A_233] : memref<37888xf32, #tpu.memory_space<vmem>>[vector<16xi32>], vector<16xf32>,
      %mul3A_235 = arith.mulf %gather3A_234, %gather3A_234 : vector<16xf32>
      %add3A_236 = arith.addf %add3A_188, %mul3A_235 : vector<16xf32>
      %add3A_237 = arith.constant 29 : i32
      %add3A_238 = vector.broadcast %add3A_237 : i32 to vector<16xi32>
      %add3A_239 = arith.addi %add3A_48, %add3A_238 : vector<16xi32>
      %gather3A_240 = tpu.vector_load_idx %arg5[%add3A_239] : memref<37888xf32, #tpu.memory_space<vmem>>[vector<16xi32>], vector<16xf32>,
      %mul3A_241 = arith.mulf %gather3A_240, %gather3A_240 : vector<16xf32>
      %add3A_242 = arith.addf %add3A_194, %mul3A_241 : vector<16xf32>
      %add3A_243 = arith.constant 30 : i32
      %add3A_244 = vector.broadcast %add3A_243 : i32 to vector<16xi32>
      %add3A_245 = arith.addi %add3A_48, %add3A_244 : vector<16xi32>
      %gather3A_246 = tpu.vector_load_idx %arg5[%add3A_245] : memref<37888xf32, #tpu.memory_space<vmem>>[vector<16xi32>], vector<16xf32>,
      %mul3A_247 = arith.mulf %gather3A_246, %gather3A_246 : vector<16xf32>
      %add3A_248 = arith.addf %add3A_200, %mul3A_247 : vector<16xf32>
      %add3A_249 = arith.constant 31 : i32
      %add3A_250 = vector.broadcast %add3A_249 : i32 to vector<16xi32>
      %add3A_251 = arith.addi %add3A_48, %add3A_250 : vector<16xi32>
      %gather3A_252 = tpu.vector_load_idx %arg5[%add3A_251] : memref<37888xf32, #tpu.memory_space<vmem>>[vector<16xi32>], vector<16xf32>,
      %mul3A_253 = arith.mulf %gather3A_252, %gather3A_252 : vector<16xf32>
      %add3A_254 = arith.addf %add3A_206, %mul3A_253 : vector<16xf32>
      %add3A_255 = arith.constant 32 : i32
      %add3A_256 = vector.broadcast %add3A_255 : i32 to vector<16xi32>
      %add3A_257 = arith.addi %add3A_48, %add3A_256 : vector<16xi32>
      %gather3A_258 = tpu.vector_load_idx %arg5[%add3A_257] : memref<37888xf32, #tpu.memory_space<vmem>>[vector<16xi32>], vector<16xf32>,
      %mul3A_259 = arith.mulf %gather3A_258, %gather3A_258 : vector<16xf32>
      %add3A_260 = arith.addf %add3A_212, %mul3A_259 : vector<16xf32>
      %add3A_261 = arith.constant 33 : i32
      %add3A_262 = vector.broadcast %add3A_261 : i32 to vector<16xi32>
      %add3A_263 = arith.addi %add3A_48, %add3A_262 : vector<16xi32>
      %gather3A_264 = tpu.vector_load_idx %arg5[%add3A_263] : memref<37888xf32, #tpu.memory_space<vmem>>[vector<16xi32>], vector<16xf32>,
      %mul3A_265 = arith.mulf %gather3A_264, %gather3A_264 : vector<16xf32>
      %add3A_266 = arith.addf %add3A_218, %mul3A_265 : vector<16xf32>
      %add3A_267 = arith.constant 34 : i32
      %add3A_268 = vector.broadcast %add3A_267 : i32 to vector<16xi32>
      %add3A_269 = arith.addi %add3A_48, %add3A_268 : vector<16xi32>
      %gather3A_270 = tpu.vector_load_idx %arg5[%add3A_269] : memref<37888xf32, #tpu.memory_space<vmem>>[vector<16xi32>], vector<16xf32>,
      %mul3A_271 = arith.mulf %gather3A_270, %gather3A_270 : vector<16xf32>
      %add3A_272 = arith.addf %add3A_224, %mul3A_271 : vector<16xf32>
      %add3A_273 = arith.constant 35 : i32
      %add3A_274 = vector.broadcast %add3A_273 : i32 to vector<16xi32>
      %add3A_275 = arith.addi %add3A_48, %add3A_274 : vector<16xi32>
      %gather3A_276 = tpu.vector_load_idx %arg5[%add3A_275] : memref<37888xf32, #tpu.memory_space<vmem>>[vector<16xi32>], vector<16xf32>,
      %mul3A_277 = arith.mulf %gather3A_276, %gather3A_276 : vector<16xf32>
      %add3A_278 = arith.addf %add3A_230, %mul3A_277 : vector<16xf32>
      %add3A_279 = arith.constant 36 : i32
      %add3A_280 = vector.broadcast %add3A_279 : i32 to vector<16xi32>
      %add3A_281 = arith.addi %add3A_48, %add3A_280 : vector<16xi32>
      %gather3A_282 = tpu.vector_load_idx %arg5[%add3A_281] : memref<37888xf32, #tpu.memory_space<vmem>>[vector<16xi32>], vector<16xf32>,
      %mul3A_283 = arith.mulf %gather3A_282, %gather3A_282 : vector<16xf32>
      %add3A_284 = arith.addf %add3A_236, %mul3A_283 : vector<16xf32>
      %add3A_285 = arith.constant 37 : i32
      %add3A_286 = vector.broadcast %add3A_285 : i32 to vector<16xi32>
      %add3A_287 = arith.addi %add3A_48, %add3A_286 : vector<16xi32>
      %gather3A_288 = tpu.vector_load_idx %arg5[%add3A_287] : memref<37888xf32, #tpu.memory_space<vmem>>[vector<16xi32>], vector<16xf32>,
      %mul3A_289 = arith.mulf %gather3A_288, %gather3A_288 : vector<16xf32>
      %add3A_290 = arith.addf %add3A_242, %mul3A_289 : vector<16xf32>
      %add3A_291 = arith.constant 38 : i32
      %add3A_292 = vector.broadcast %add3A_291 : i32 to vector<16xi32>
      %add3A_293 = arith.addi %add3A_48, %add3A_292 : vector<16xi32>
      %gather3A_294 = tpu.vector_load_idx %arg5[%add3A_293] : memref<37888xf32, #tpu.memory_space<vmem>>[vector<16xi32>], vector<16xf32>,
      %mul3A_295 = arith.mulf %gather3A_294, %gather3A_294 : vector<16xf32>
      %add3A_296 = arith.addf %add3A_248, %mul3A_295 : vector<16xf32>
      %add3A_297 = arith.constant 39 : i32
      %add3A_298 = vector.broadcast %add3A_297 : i32 to vector<16xi32>
      %add3A_299 = arith.addi %add3A_48, %add3A_298 : vector<16xi32>
      %gather3A_300 = tpu.vector_load_idx %arg5[%add3A_299] : memref<37888xf32, #tpu.memory_space<vmem>>[vector<16xi32>], vector<16xf32>,
      %mul3A_301 = arith.mulf %gather3A_300, %gather3A_300 : vector<16xf32>
      %add3A_302 = arith.addf %add3A_254, %mul3A_301 : vector<16xf32>
      %add3A_303 = arith.constant 40 : i32
      %add3A_304 = vector.broadcast %add3A_303 : i32 to vector<16xi32>
      %add3A_305 = arith.addi %add3A_48, %add3A_304 : vector<16xi32>
      %gather3A_306 = tpu.vector_load_idx %arg5[%add3A_305] : memref<37888xf32, #tpu.memory_space<vmem>>[vector<16xi32>], vector<16xf32>,
      %mul3A_307 = arith.mulf %gather3A_306, %gather3A_306 : vector<16xf32>
      %add3A_308 = arith.addf %add3A_260, %mul3A_307 : vector<16xf32>
      %add3A_309 = arith.constant 41 : i32
      %add3A_310 = vector.broadcast %add3A_309 : i32 to vector<16xi32>
      %add3A_311 = arith.addi %add3A_48, %add3A_310 : vector<16xi32>
      %gather3A_312 = tpu.vector_load_idx %arg5[%add3A_311] : memref<37888xf32, #tpu.memory_space<vmem>>[vector<16xi32>], vector<16xf32>,
      %mul3A_313 = arith.mulf %gather3A_312, %gather3A_312 : vector<16xf32>
      %add3A_314 = arith.addf %add3A_266, %mul3A_313 : vector<16xf32>
      %add3A_315 = arith.constant 42 : i32
      %add3A_316 = vector.broadcast %add3A_315 : i32 to vector<16xi32>
      %add3A_317 = arith.addi %add3A_48, %add3A_316 : vector<16xi32>
      %gather3A_318 = tpu.vector_load_idx %arg5[%add3A_317] : memref<37888xf32, #tpu.memory_space<vmem>>[vector<16xi32>], vector<16xf32>,
      %mul3A_319 = arith.mulf %gather3A_318, %gather3A_318 : vector<16xf32>
      %add3A_320 = arith.addf %add3A_272, %mul3A_319 : vector<16xf32>
      %add3A_321 = arith.constant 43 : i32
      %add3A_322 = vector.broadcast %add3A_321 : i32 to vector<16xi32>
      %add3A_323 = arith.addi %add3A_48, %add3A_322 : vector<16xi32>
      %gather3A_324 = tpu.vector_load_idx %arg5[%add3A_323] : memref<37888xf32, #tpu.memory_space<vmem>>[vector<16xi32>], vector<16xf32>,
      %mul3A_325 = arith.mulf %gather3A_324, %gather3A_324 : vector<16xf32>
      %add3A_326 = arith.addf %add3A_278, %mul3A_325 : vector<16xf32>
      %add3A_327 = arith.constant 44 : i32
      %add3A_328 = vector.broadcast %add3A_327 : i32 to vector<16xi32>
      %add3A_329 = arith.addi %add3A_48, %add3A_328 : vector<16xi32>
      %gather3A_330 = tpu.vector_load_idx %arg5[%add3A_329] : memref<37888xf32, #tpu.memory_space<vmem>>[vector<16xi32>], vector<16xf32>,
      %mul3A_331 = arith.mulf %gather3A_330, %gather3A_330 : vector<16xf32>
      %add3A_332 = arith.addf %add3A_284, %mul3A_331 : vector<16xf32>
      %add3A_333 = arith.constant 45 : i32
      %add3A_334 = vector.broadcast %add3A_333 : i32 to vector<16xi32>
      %add3A_335 = arith.addi %add3A_48, %add3A_334 : vector<16xi32>
      %gather3A_336 = tpu.vector_load_idx %arg5[%add3A_335] : memref<37888xf32, #tpu.memory_space<vmem>>[vector<16xi32>], vector<16xf32>,
      %mul3A_337 = arith.mulf %gather3A_336, %gather3A_336 : vector<16xf32>
      %add3A_338 = arith.addf %add3A_290, %mul3A_337 : vector<16xf32>
      %add3A_339 = arith.constant 46 : i32
      %add3A_340 = vector.broadcast %add3A_339 : i32 to vector<16xi32>
      %add3A_341 = arith.addi %add3A_48, %add3A_340 : vector<16xi32>
      %gather3A_342 = tpu.vector_load_idx %arg5[%add3A_341] : memref<37888xf32, #tpu.memory_space<vmem>>[vector<16xi32>], vector<16xf32>,
      %mul3A_343 = arith.mulf %gather3A_342, %gather3A_342 : vector<16xf32>
      %add3A_344 = arith.addf %add3A_296, %mul3A_343 : vector<16xf32>
      %add3A_345 = arith.constant 47 : i32
      %add3A_346 = vector.broadcast %add3A_345 : i32 to vector<16xi32>
      %add3A_347 = arith.addi %add3A_48, %add3A_346 : vector<16xi32>
      %gather3A_348 = tpu.vector_load_idx %arg5[%add3A_347] : memref<37888xf32, #tpu.memory_space<vmem>>[vector<16xi32>], vector<16xf32>,
      %mul3A_349 = arith.mulf %gather3A_348, %gather3A_348 : vector<16xf32>
      %add3A_350 = arith.addf %add3A_302, %mul3A_349 : vector<16xf32>
      %add3A_351 = arith.constant 48 : i32
      %add3A_352 = vector.broadcast %add3A_351 : i32 to vector<16xi32>
      %add3A_353 = arith.addi %add3A_48, %add3A_352 : vector<16xi32>
      %gather3A_354 = tpu.vector_load_idx %arg5[%add3A_353] : memref<37888xf32, #tpu.memory_space<vmem>>[vector<16xi32>], vector<16xf32>,
      %mul3A_355 = arith.mulf %gather3A_354, %gather3A_354 : vector<16xf32>
      %add3A_356 = arith.addf %add3A_308, %mul3A_355 : vector<16xf32>
      %add3A_357 = arith.constant 49 : i32
      %add3A_358 = vector.broadcast %add3A_357 : i32 to vector<16xi32>
      %add3A_359 = arith.addi %add3A_48, %add3A_358 : vector<16xi32>
      %gather3A_360 = tpu.vector_load_idx %arg5[%add3A_359] : memref<37888xf32, #tpu.memory_space<vmem>>[vector<16xi32>], vector<16xf32>,
      %mul3A_361 = arith.mulf %gather3A_360, %gather3A_360 : vector<16xf32>
      %add3A_362 = arith.addf %add3A_314, %mul3A_361 : vector<16xf32>
      %add3A_363 = arith.constant 50 : i32
      %add3A_364 = vector.broadcast %add3A_363 : i32 to vector<16xi32>
      %add3A_365 = arith.addi %add3A_48, %add3A_364 : vector<16xi32>
      %gather3A_366 = tpu.vector_load_idx %arg5[%add3A_365] : memref<37888xf32, #tpu.memory_space<vmem>>[vector<16xi32>], vector<16xf32>,
      %mul3A_367 = arith.mulf %gather3A_366, %gather3A_366 : vector<16xf32>
      %add3A_368 = arith.addf %add3A_320, %mul3A_367 : vector<16xf32>
      %add3A_369 = arith.constant 51 : i32
      %add3A_370 = vector.broadcast %add3A_369 : i32 to vector<16xi32>
      %add3A_371 = arith.addi %add3A_48, %add3A_370 : vector<16xi32>
      %gather3A_372 = tpu.vector_load_idx %arg5[%add3A_371] : memref<37888xf32, #tpu.memory_space<vmem>>[vector<16xi32>], vector<16xf32>,
      %mul3A_373 = arith.mulf %gather3A_372, %gather3A_372 : vector<16xf32>
      %add3A_374 = arith.addf %add3A_326, %mul3A_373 : vector<16xf32>
      %add3A_375 = arith.constant 52 : i32
      %add3A_376 = vector.broadcast %add3A_375 : i32 to vector<16xi32>
      %add3A_377 = arith.addi %add3A_48, %add3A_376 : vector<16xi32>
      %gather3A_378 = tpu.vector_load_idx %arg5[%add3A_377] : memref<37888xf32, #tpu.memory_space<vmem>>[vector<16xi32>], vector<16xf32>,
      %mul3A_379 = arith.mulf %gather3A_378, %gather3A_378 : vector<16xf32>
      %add3A_380 = arith.addf %add3A_332, %mul3A_379 : vector<16xf32>
      %add3A_381 = arith.constant 53 : i32
      %add3A_382 = vector.broadcast %add3A_381 : i32 to vector<16xi32>
      %add3A_383 = arith.addi %add3A_48, %add3A_382 : vector<16xi32>
      %gather3A_384 = tpu.vector_load_idx %arg5[%add3A_383] : memref<37888xf32, #tpu.memory_space<vmem>>[vector<16xi32>], vector<16xf32>,
      %mul3A_385 = arith.mulf %gather3A_384, %gather3A_384 : vector<16xf32>
      %add3A_386 = arith.addf %add3A_338, %mul3A_385 : vector<16xf32>
      %add3A_387 = arith.constant 54 : i32
      %add3A_388 = vector.broadcast %add3A_387 : i32 to vector<16xi32>
      %add3A_389 = arith.addi %add3A_48, %add3A_388 : vector<16xi32>
      %gather3A_390 = tpu.vector_load_idx %arg5[%add3A_389] : memref<37888xf32, #tpu.memory_space<vmem>>[vector<16xi32>], vector<16xf32>,
      %mul3A_391 = arith.mulf %gather3A_390, %gather3A_390 : vector<16xf32>
      %add3A_392 = arith.addf %add3A_344, %mul3A_391 : vector<16xf32>
      %add3A_393 = arith.constant 55 : i32
      %add3A_394 = vector.broadcast %add3A_393 : i32 to vector<16xi32>
      %add3A_395 = arith.addi %add3A_48, %add3A_394 : vector<16xi32>
      %gather3A_396 = tpu.vector_load_idx %arg5[%add3A_395] : memref<37888xf32, #tpu.memory_space<vmem>>[vector<16xi32>], vector<16xf32>,
      %mul3A_397 = arith.mulf %gather3A_396, %gather3A_396 : vector<16xf32>
      %add3A_398 = arith.addf %add3A_350, %mul3A_397 : vector<16xf32>
      %add3A_399 = arith.constant 56 : i32
      %add3A_400 = vector.broadcast %add3A_399 : i32 to vector<16xi32>
      %add3A_401 = arith.addi %add3A_48, %add3A_400 : vector<16xi32>
      %gather3A_402 = tpu.vector_load_idx %arg5[%add3A_401] : memref<37888xf32, #tpu.memory_space<vmem>>[vector<16xi32>], vector<16xf32>,
      %mul3A_403 = arith.mulf %gather3A_402, %gather3A_402 : vector<16xf32>
      %add3A_404 = arith.addf %add3A_356, %mul3A_403 : vector<16xf32>
      %add3A_405 = arith.constant 57 : i32
      %add3A_406 = vector.broadcast %add3A_405 : i32 to vector<16xi32>
      %add3A_407 = arith.addi %add3A_48, %add3A_406 : vector<16xi32>
      %gather3A_408 = tpu.vector_load_idx %arg5[%add3A_407] : memref<37888xf32, #tpu.memory_space<vmem>>[vector<16xi32>], vector<16xf32>,
      %mul3A_409 = arith.mulf %gather3A_408, %gather3A_408 : vector<16xf32>
      %add3A_410 = arith.addf %add3A_362, %mul3A_409 : vector<16xf32>
      %add3A_411 = arith.constant 58 : i32
      %add3A_412 = vector.broadcast %add3A_411 : i32 to vector<16xi32>
      %add3A_413 = arith.addi %add3A_48, %add3A_412 : vector<16xi32>
      %gather3A_414 = tpu.vector_load_idx %arg5[%add3A_413] : memref<37888xf32, #tpu.memory_space<vmem>>[vector<16xi32>], vector<16xf32>,
      %mul3A_415 = arith.mulf %gather3A_414, %gather3A_414 : vector<16xf32>
      %add3A_416 = arith.addf %add3A_368, %mul3A_415 : vector<16xf32>
      %add3A_417 = arith.constant 59 : i32
      %add3A_418 = vector.broadcast %add3A_417 : i32 to vector<16xi32>
      %add3A_419 = arith.addi %add3A_48, %add3A_418 : vector<16xi32>
      %gather3A_420 = tpu.vector_load_idx %arg5[%add3A_419] : memref<37888xf32, #tpu.memory_space<vmem>>[vector<16xi32>], vector<16xf32>,
      %mul3A_421 = arith.mulf %gather3A_420, %gather3A_420 : vector<16xf32>
      %add3A_422 = arith.addf %add3A_374, %mul3A_421 : vector<16xf32>
      %add3A_423 = arith.constant 60 : i32
      %add3A_424 = vector.broadcast %add3A_423 : i32 to vector<16xi32>
      %add3A_425 = arith.addi %add3A_48, %add3A_424 : vector<16xi32>
      %gather3A_426 = tpu.vector_load_idx %arg5[%add3A_425] : memref<37888xf32, #tpu.memory_space<vmem>>[vector<16xi32>], vector<16xf32>,
      %mul3A_427 = arith.mulf %gather3A_426, %gather3A_426 : vector<16xf32>
      %add3A_428 = arith.addf %add3A_380, %mul3A_427 : vector<16xf32>
      %add3A_429 = arith.constant 61 : i32
      %add3A_430 = vector.broadcast %add3A_429 : i32 to vector<16xi32>
      %add3A_431 = arith.addi %add3A_48, %add3A_430 : vector<16xi32>
      %gather3A_432 = tpu.vector_load_idx %arg5[%add3A_431] : memref<37888xf32, #tpu.memory_space<vmem>>[vector<16xi32>], vector<16xf32>,
      %mul3A_433 = arith.mulf %gather3A_432, %gather3A_432 : vector<16xf32>
      %add3A_434 = arith.addf %add3A_386, %mul3A_433 : vector<16xf32>
      %add3A_435 = arith.constant 62 : i32
      %add3A_436 = vector.broadcast %add3A_435 : i32 to vector<16xi32>
      %add3A_437 = arith.addi %add3A_48, %add3A_436 : vector<16xi32>
      %gather3A_438 = tpu.vector_load_idx %arg5[%add3A_437] : memref<37888xf32, #tpu.memory_space<vmem>>[vector<16xi32>], vector<16xf32>,
      %mul3A_439 = arith.mulf %gather3A_438, %gather3A_438 : vector<16xf32>
      %add3A_440 = arith.addf %add3A_392, %mul3A_439 : vector<16xf32>
      %add3A_441 = arith.constant 63 : i32
      %add3A_442 = vector.broadcast %add3A_441 : i32 to vector<16xi32>
      %add3A_443 = arith.addi %add3A_48, %add3A_442 : vector<16xi32>
      %gather3A_444 = tpu.vector_load_idx %arg5[%add3A_443] : memref<37888xf32, #tpu.memory_space<vmem>>[vector<16xi32>], vector<16xf32>,
      %mul3A_445 = arith.mulf %gather3A_444, %gather3A_444 : vector<16xf32>
      %add3A_446 = arith.addf %add3A_398, %mul3A_445 : vector<16xf32>
      %add3A_447 = arith.addf %add3A_404, %add3A_410 : vector<16xf32>
      %add3A_448 = arith.addf %add3A_416, %add3A_422 : vector<16xf32>
      %add3A_449 = arith.addf %add3A_447, %add3A_448 : vector<16xf32>
      %add3A_450 = arith.addf %add3A_428, %add3A_434 : vector<16xf32>
      %add3A_451 = arith.addf %add3A_440, %add3A_446 : vector<16xf32>
      %add3A_452 = arith.addf %add3A_450, %add3A_451 : vector<16xf32>
      %add3A_453 = arith.addf %add3A_449, %add3A_452 : vector<16xf32>
      %mul3A_454 = arith.constant 16 : i32
      %mul3A_455 = arith.muli %scan3A_44, %mul3A_454 : i32
      %swap3A = arith.index_cast %mul3A_455 : i32 to index
      %swap3A_456 = tpu.vector_load %arg7[%swap3A] {strides = array<i32>} : memref<592xf32, #tpu.memory_space<vmem>>, vector<16xf32>,
      tpu.vector_store %arg7[%swap3A], %add3A_453 {strides = array<i32>} : memref<592xf32, #tpu.memory_space<vmem>>, vector<16xf32>,
    }
    %scan3A_35 = arith.constant 37 : i32
    %sub3A_36 = arith.constant 62112 : i32
    %sub3A_37 = arith.subi %add3A_11, %sub3A_36 : i32
    %dma_start3A_38 = tpu.memref_slice %arg3[%sub3A_37] : memref<37888xf32, #tpu.memory_space<hbm>> -> memref<592xf32, #tpu.memory_space<hbm>>
    %dma_start3A_39 = tpu.memref_slice %arg3[%sub3A_37] : memref<37888xf32, #tpu.memory_space<hbm>> -> memref<592xf32, #tpu.memory_space<hbm>>
    tpu.enqueue_dma source(%arg7 : memref<592xf32, #tpu.memory_space<vmem>>) target(%dma_start3A_39 : memref<592xf32, #tpu.memory_space<hbm>>) target_semaphore(%arg11 : memref<!tpu.dma_semaphore, #tpu.memory_space<semaphore_mem>>)
    %dma_wait3A_40 = tpu.memref_slice %arg3[%sub3A_25] : memref<37888xf32, #tpu.memory_space<hbm>> -> memref<592xf32, #tpu.memory_space<hbm>>
    %dma_wait3A_41 = tpu.memref_slice %arg3[%sub3A_25] : memref<37888xf32, #tpu.memory_space<hbm>> -> memref<592xf32, #tpu.memory_space<hbm>>
    tpu.wait_dma2 semaphore(%arg10 : memref<!tpu.dma_semaphore, #tpu.memory_space<semaphore_mem>>) src(%arg6 : memref<592xf32, #tpu.memory_space<vmem>>) dst(%dma_wait3A_41 : memref<592xf32, #tpu.memory_space<hbm>>)
    %dma_wait3A_42 = tpu.memref_slice %arg3[%sub3A_37] : memref<37888xf32, #tpu.memory_space<hbm>> -> memref<592xf32, #tpu.memory_space<hbm>>
    %dma_wait3A_43 = tpu.memref_slice %arg3[%sub3A_37] : memref<37888xf32, #tpu.memory_space<hbm>> -> memref<592xf32, #tpu.memory_space<hbm>>
    tpu.wait_dma2 semaphore(%arg11 : memref<!tpu.dma_semaphore, #tpu.memory_space<semaphore_mem>>) src(%arg7 : memref<592xf32, #tpu.memory_space<vmem>>) dst(%dma_wait3A_43 : memref<592xf32, #tpu.memory_space<hbm>>)
    return
  }
}

module attributes {stable_mosaic.version = 14 : i64} {
  func.func @_tc_norms_kernel(%arg0: i32, %arg1: memref<15616x64xf32, #tpu.memory_space<vmem>>, %arg2: memref<1x1x15616xf32, #tpu.memory_space<vmem>>) attributes {dimension_semantics = [#tpu.dimension_semantics<arbitrary>], iteration_bounds = array<i64: 4>, scalar_prefetch = 0 : i64, scratch_operands = 0 : i64, tpu.core_type = #tpu.core_type<tc>, window_params = [{transform_indices = @transform_0, window_bounds = array<i64: 15616, 64>}, {transform_indices = @transform_1, window_bounds = array<i64: 1, 1, 15616>}]} {
    %get3A = arith.constant 0 : index
    %get3A_0 = arith.constant 0 : index
    %get3A_1 = vector.load %arg1[%get3A, %get3A_0] : memref<15616x64xf32, #tpu.memory_space<vmem>>, vector<15616x64xf32>
    %mul3A = arith.mulf %get3A_1, %get3A_1 : vector<15616x64xf32>
    %reduce_sum3A = arith.constant dense<0.000000e+00> : vector<15616xf32>
    %reduce_sum3A_2 = vector.multi_reduction <add>, %mul3A, %reduce_sum3A [1] : vector<15616x64xf32> to vector<15616xf32>
    %mul3A_3 = arith.constant 15616 : i32
    %mul3A_4 = arith.muli %arg0, %mul3A_3 : i32
    %iota3A = tpu.iota {dimensions = array<i32: 1>} : vector<1x15616xi32>
    %iota3A_5 = vector.shape_cast %iota3A : vector<1x15616xi32> to vector<15616xi32>
    %add3A = vector.broadcast %mul3A_4 : i32 to vector<15616xi32>
    %add3A_6 = arith.addi %add3A, %iota3A_5 : vector<15616xi32>
    %lt3A = arith.constant 62112 : i32
    %lt3A_7 = vector.broadcast %lt3A : i32 to vector<15616xi32>
    %lt3A_8 = arith.cmpi slt, %add3A_6, %lt3A_7 : vector<15616xi32>
    %jit3A = arith.constant -1.000000e+00 : f32
    %broadcast_in_dim3A = vector.broadcast %jit3A : f32 to vector<15616xf32>
    %select_n3A = arith.select %lt3A_8, %reduce_sum3A_2, %broadcast_in_dim3A : vector<15616xi1>, vector<15616xf32>
    %swap3A = arith.constant 0 : index
    %swap3A_9 = arith.constant 0 : index
    %swap3A_10 = arith.constant 0 : index
    %swap3A_11 = vector.load %arg2[%swap3A, %swap3A_9, %swap3A_10] : memref<1x1x15616xf32, #tpu.memory_space<vmem>>, vector<1x1x15616xf32>
    %swap3A_12 = vector.shape_cast %swap3A_11 : vector<1x1x15616xf32> to vector<15616xf32>
    %swap3A_13 = vector.shape_cast %select_n3A : vector<15616xf32> to vector<1x1x15616xf32>
    tpu.vector_store %arg2[%swap3A, %swap3A_9, %swap3A_10], %swap3A_13 {strides = array<i32>} : memref<1x1x15616xf32, #tpu.memory_space<vmem>>, vector<1x1x15616xf32>,
    return
  }
  func.func @transform_0(%arg0: i32) -> (i32, i32) {
    %c0_i32 = arith.constant 0 : i32
    %c0_i32_0 = arith.constant 0 : i32
    return %arg0, %c0_i32 : i32, i32
  }
  func.func @transform_1(%arg0: i32) -> (i32, i32, i32) {
    %c0_i32 = arith.constant 0 : i32
    %c0_i32_0 = arith.constant 0 : i32
    %c0_i32_1 = arith.constant 0 : i32
    return %arg0, %c0_i32, %c0_i32_0 : i32, i32, i32
  }
}

module attributes {stable_mosaic.version = 14 : i64} {
  func.func @_finish_kernel(%arg0: memref<488x128xf32, #tpu.memory_space<vmem>>, %arg1: memref<296x128xf32, #tpu.memory_space<vmem>>, %arg2: memref<100000x64xf32, #tpu.memory_space<any>>, %arg3: memref<64x64xf32, #tpu.memory_space<vmem>>, %arg4: memref<10x64xf32, #tpu.memory_space<vmem>>, %arg5: memref<1x64xf32, #tpu.memory_space<vmem>>, %arg6: memref<1x64xf32, #tpu.memory_space<vmem>>, %arg7: memref<1x64xf32, #tpu.memory_space<vmem>>, %arg8: memref<10x!tpu.dma_semaphore, #tpu.memory_space<semaphore_mem>>, %arg9: memref<!tpu.dma_semaphore, #tpu.memory_space<semaphore_mem>>, %arg10: memref<!tpu.dma_semaphore, #tpu.memory_space<semaphore_mem>>) attributes {dimension_semantics = [], scalar_prefetch = 0 : i64, scratch_operands = 7 : i64, tpu.core_type = #tpu.core_type<tc>} {
    %dma_start3A = arith.constant 0 : i32
    %dma_start3A_0 = tpu.memref_slice %arg8[%dma_start3A] : memref<10x!tpu.dma_semaphore, #tpu.memory_space<semaphore_mem>> -> memref<1x!tpu.dma_semaphore, #tpu.memory_space<semaphore_mem>>
    %dma_start3A_1 = tpu.memref_squeeze %dma_start3A_0 : memref<1x!tpu.dma_semaphore, #tpu.memory_space<semaphore_mem>> -> memref<!tpu.dma_semaphore, #tpu.memory_space<semaphore_mem>>
    %dma_start3A_2 = arith.constant 0 : i32
    %dma_start3A_3 = arith.constant 0 : i32
    %dma_start3A_4 = tpu.memref_slice %arg4[%dma_start3A_2, %dma_start3A_3] : memref<10x64xf32, #tpu.memory_space<vmem>> -> memref<1x64xf32, #tpu.memory_space<vmem>>
    %dma_start3A_5 = arith.constant 5 : i32
    %dma_start3A_6 = arith.constant 0 : i32
    %dma_start3A_7 = tpu.memref_slice %arg2[%dma_start3A_5, %dma_start3A_6] : memref<100000x64xf32, #tpu.memory_space<any>> -> memref<1x64xf32, #tpu.memory_space<any>>
    tpu.enqueue_dma source(%dma_start3A_7 : memref<1x64xf32, #tpu.memory_space<any>>) target(%dma_start3A_4 : memref<1x64xf32, #tpu.memory_space<vmem>>) target_semaphore(%dma_start3A_1 : memref<!tpu.dma_semaphore, #tpu.memory_space<semaphore_mem>>)
    %dma_start3A_8 = arith.constant 1 : i32
    %dma_start3A_9 = tpu.memref_slice %arg8[%dma_start3A_8] : memref<10x!tpu.dma_semaphore, #tpu.memory_space<semaphore_mem>> -> memref<1x!tpu.dma_semaphore, #tpu.memory_space<semaphore_mem>>
    %dma_start3A_10 = tpu.memref_squeeze %dma_start3A_9 : memref<1x!tpu.dma_semaphore, #tpu.memory_space<semaphore_mem>> -> memref<!tpu.dma_semaphore, #tpu.memory_space<semaphore_mem>>
    %dma_start3A_11 = arith.constant 1 : i32
    %dma_start3A_12 = arith.constant 0 : i32
    %dma_start3A_13 = tpu.memref_slice %arg4[%dma_start3A_11, %dma_start3A_12] : memref<10x64xf32, #tpu.memory_space<vmem>> -> memref<1x64xf32, #tpu.memory_space<vmem>>
    %dma_start3A_14 = arith.constant 17 : i32
    %dma_start3A_15 = arith.constant 0 : i32
    %dma_start3A_16 = tpu.memref_slice %arg2[%dma_start3A_14, %dma_start3A_15] : memref<100000x64xf32, #tpu.memory_space<any>> -> memref<1x64xf32, #tpu.memory_space<any>>
    tpu.enqueue_dma source(%dma_start3A_16 : memref<1x64xf32, #tpu.memory_space<any>>) target(%dma_start3A_13 : memref<1x64xf32, #tpu.memory_space<vmem>>) target_semaphore(%dma_start3A_10 : memref<!tpu.dma_semaphore, #tpu.memory_space<semaphore_mem>>)
    %dma_start3A_17 = arith.constant 2 : i32
    %dma_start3A_18 = tpu.memref_slice %arg8[%dma_start3A_17] : memref<10x!tpu.dma_semaphore, #tpu.memory_space<semaphore_mem>> -> memref<1x!tpu.dma_semaphore, #tpu.memory_space<semaphore_mem>>
    %dma_start3A_19 = tpu.memref_squeeze %dma_start3A_18 : memref<1x!tpu.dma_semaphore, #tpu.memory_space<semaphore_mem>> -> memref<!tpu.dma_semaphore, #tpu.memory_space<semaphore_mem>>
    %dma_start3A_20 = arith.constant 2 : i32
    %dma_start3A_21 = arith.constant 0 : i32
    %dma_start3A_22 = tpu.memref_slice %arg4[%dma_start3A_20, %dma_start3A_21] : memref<10x64xf32, #tpu.memory_space<vmem>> -> memref<1x64xf32, #tpu.memory_space<vmem>>
    %dma_start3A_23 = arith.constant 123 : i32
    %dma_start3A_24 = arith.constant 0 : i32
    %dma_start3A_25 = tpu.memref_slice %arg2[%dma_start3A_23, %dma_start3A_24] : memref<100000x64xf32, #tpu.memory_space<any>> -> memref<1x64xf32, #tpu.memory_space<any>>
    tpu.enqueue_dma source(%dma_start3A_25 : memref<1x64xf32, #tpu.memory_space<any>>) target(%dma_start3A_22 : memref<1x64xf32, #tpu.memory_space<vmem>>) target_semaphore(%dma_start3A_19 : memref<!tpu.dma_semaphore, #tpu.memory_space<semaphore_mem>>)
    %dma_start3A_26 = arith.constant 3 : i32
    %dma_start3A_27 = tpu.memref_slice %arg8[%dma_start3A_26] : memref<10x!tpu.dma_semaphore, #tpu.memory_space<semaphore_mem>> -> memref<1x!tpu.dma_semaphore, #tpu.memory_space<semaphore_mem>>
    %dma_start3A_28 = tpu.memref_squeeze %dma_start3A_27 : memref<1x!tpu.dma_semaphore, #tpu.memory_space<semaphore_mem>> -> memref<!tpu.dma_semaphore, #tpu.memory_space<semaphore_mem>>
    %dma_start3A_29 = arith.constant 3 : i32
    %dma_start3A_30 = arith.constant 0 : i32
    %dma_start3A_31 = tpu.memref_slice %arg4[%dma_start3A_29, %dma_start3A_30] : memref<10x64xf32, #tpu.memory_space<vmem>> -> memref<1x64xf32, #tpu.memory_space<vmem>>
    %dma_start3A_32 = arith.constant 999 : i32
    %dma_start3A_33 = arith.constant 0 : i32
    %dma_start3A_34 = tpu.memref_slice %arg2[%dma_start3A_32, %dma_start3A_33] : memref<100000x64xf32, #tpu.memory_space<any>> -> memref<1x64xf32, #tpu.memory_space<any>>
    tpu.enqueue_dma source(%dma_start3A_34 : memref<1x64xf32, #tpu.memory_space<any>>) target(%dma_start3A_31 : memref<1x64xf32, #tpu.memory_space<vmem>>) target_semaphore(%dma_start3A_28 : memref<!tpu.dma_semaphore, #tpu.memory_space<semaphore_mem>>)
    %dma_start3A_35 = arith.constant 4 : i32
    %dma_start3A_36 = tpu.memref_slice %arg8[%dma_start3A_35] : memref<10x!tpu.dma_semaphore, #tpu.memory_space<semaphore_mem>> -> memref<1x!tpu.dma_semaphore, #tpu.memory_space<semaphore_mem>>
    %dma_start3A_37 = tpu.memref_squeeze %dma_start3A_36 : memref<1x!tpu.dma_semaphore, #tpu.memory_space<semaphore_mem>> -> memref<!tpu.dma_semaphore, #tpu.memory_space<semaphore_mem>>
    %dma_start3A_38 = arith.constant 4 : i32
    %dma_start3A_39 = arith.constant 0 : i32
    %dma_start3A_40 = tpu.memref_slice %arg4[%dma_start3A_38, %dma_start3A_39] : memref<10x64xf32, #tpu.memory_space<vmem>> -> memref<1x64xf32, #tpu.memory_space<vmem>>
    %dma_start3A_41 = arith.constant 4242 : i32
    %dma_start3A_42 = arith.constant 0 : i32
    %dma_start3A_43 = tpu.memref_slice %arg2[%dma_start3A_41, %dma_start3A_42] : memref<100000x64xf32, #tpu.memory_space<any>> -> memref<1x64xf32, #tpu.memory_space<any>>
    tpu.enqueue_dma source(%dma_start3A_43 : memref<1x64xf32, #tpu.memory_space<any>>) target(%dma_start3A_40 : memref<1x64xf32, #tpu.memory_space<vmem>>) target_semaphore(%dma_start3A_37 : memref<!tpu.dma_semaphore, #tpu.memory_space<semaphore_mem>>)
    %dma_start3A_44 = arith.constant 5 : i32
    %dma_start3A_45 = tpu.memref_slice %arg8[%dma_start3A_44] : memref<10x!tpu.dma_semaphore, #tpu.memory_space<semaphore_mem>> -> memref<1x!tpu.dma_semaphore, #tpu.memory_space<semaphore_mem>>
    %dma_start3A_46 = tpu.memref_squeeze %dma_start3A_45 : memref<1x!tpu.dma_semaphore, #tpu.memory_space<semaphore_mem>> -> memref<!tpu.dma_semaphore, #tpu.memory_space<semaphore_mem>>
    %dma_start3A_47 = arith.constant 5 : i32
    %dma_start3A_48 = arith.constant 0 : i32
    %dma_start3A_49 = tpu.memref_slice %arg4[%dma_start3A_47, %dma_start3A_48] : memref<10x64xf32, #tpu.memory_space<vmem>> -> memref<1x64xf32, #tpu.memory_space<vmem>>
    %dma_start3A_50 = arith.constant 10000 : i32
    %dma_start3A_51 = arith.constant 0 : i32
    %dma_start3A_52 = tpu.memref_slice %arg2[%dma_start3A_50, %dma_start3A_51] : memref<100000x64xf32, #tpu.memory_space<any>> -> memref<1x64xf32, #tpu.memory_space<any>>
    tpu.enqueue_dma source(%dma_start3A_52 : memref<1x64xf32, #tpu.memory_space<any>>) target(%dma_start3A_49 : memref<1x64xf32, #tpu.memory_space<vmem>>) target_semaphore(%dma_start3A_46 : memref<!tpu.dma_semaphore, #tpu.memory_space<semaphore_mem>>)
    %dma_start3A_53 = arith.constant 6 : i32
    %dma_start3A_54 = tpu.memref_slice %arg8[%dma_start3A_53] : memref<10x!tpu.dma_semaphore, #tpu.memory_space<semaphore_mem>> -> memref<1x!tpu.dma_semaphore, #tpu.memory_space<semaphore_mem>>
    %dma_start3A_55 = tpu.memref_squeeze %dma_start3A_54 : memref<1x!tpu.dma_semaphore, #tpu.memory_space<semaphore_mem>> -> memref<!tpu.dma_semaphore, #tpu.memory_space<semaphore_mem>>
    %dma_start3A_56 = arith.constant 6 : i32
    %dma_start3A_57 = arith.constant 0 : i32
    %dma_start3A_58 = tpu.memref_slice %arg4[%dma_start3A_56, %dma_start3A_57] : memref<10x64xf32, #tpu.memory_space<vmem>> -> memref<1x64xf32, #tpu.memory_space<vmem>>
    %dma_start3A_59 = arith.constant 25000 : i32
    %dma_start3A_60 = arith.constant 0 : i32
    %dma_start3A_61 = tpu.memref_slice %arg2[%dma_start3A_59, %dma_start3A_60] : memref<100000x64xf32, #tpu.memory_space<any>> -> memref<1x64xf32, #tpu.memory_space<any>>
    tpu.enqueue_dma source(%dma_start3A_61 : memref<1x64xf32, #tpu.memory_space<any>>) target(%dma_start3A_58 : memref<1x64xf32, #tpu.memory_space<vmem>>) target_semaphore(%dma_start3A_55 : memref<!tpu.dma_semaphore, #tpu.memory_space<semaphore_mem>>)
    %dma_start3A_62 = arith.constant 7 : i32
    %dma_start3A_63 = tpu.memref_slice %arg8[%dma_start3A_62] : memref<10x!tpu.dma_semaphore, #tpu.memory_space<semaphore_mem>> -> memref<1x!tpu.dma_semaphore, #tpu.memory_space<semaphore_mem>>
    %dma_start3A_64 = tpu.memref_squeeze %dma_start3A_63 : memref<1x!tpu.dma_semaphore, #tpu.memory_space<semaphore_mem>> -> memref<!tpu.dma_semaphore, #tpu.memory_space<semaphore_mem>>
    %dma_start3A_65 = arith.constant 7 : i32
    %dma_start3A_66 = arith.constant 0 : i32
    %dma_start3A_67 = tpu.memref_slice %arg4[%dma_start3A_65, %dma_start3A_66] : memref<10x64xf32, #tpu.memory_space<vmem>> -> memref<1x64xf32, #tpu.memory_space<vmem>>
    %dma_start3A_68 = arith.constant 50000 : i32
    %dma_start3A_69 = arith.constant 0 : i32
    %dma_start3A_70 = tpu.memref_slice %arg2[%dma_start3A_68, %dma_start3A_69] : memref<100000x64xf32, #tpu.memory_space<any>> -> memref<1x64xf32, #tpu.memory_space<any>>
    tpu.enqueue_dma source(%dma_start3A_70 : memref<1x64xf32, #tpu.memory_space<any>>) target(%dma_start3A_67 : memref<1x64xf32, #tpu.memory_space<vmem>>) target_semaphore(%dma_start3A_64 : memref<!tpu.dma_semaphore, #tpu.memory_space<semaphore_mem>>)
    %dma_start3A_71 = arith.constant 8 : i32
    %dma_start3A_72 = tpu.memref_slice %arg8[%dma_start3A_71] : memref<10x!tpu.dma_semaphore, #tpu.memory_space<semaphore_mem>> -> memref<1x!tpu.dma_semaphore, #tpu.memory_space<semaphore_mem>>
    %dma_start3A_73 = tpu.memref_squeeze %dma_start3A_72 : memref<1x!tpu.dma_semaphore, #tpu.memory_space<semaphore_mem>> -> memref<!tpu.dma_semaphore, #tpu.memory_space<semaphore_mem>>
    %dma_start3A_74 = arith.constant 8 : i32
    %dma_start3A_75 = arith.constant 0 : i32
    %dma_start3A_76 = tpu.memref_slice %arg4[%dma_start3A_74, %dma_start3A_75] : memref<10x64xf32, #tpu.memory_space<vmem>> -> memref<1x64xf32, #tpu.memory_space<vmem>>
    %dma_start3A_77 = arith.constant 75000 : i32
    %dma_start3A_78 = arith.constant 0 : i32
    %dma_start3A_79 = tpu.memref_slice %arg2[%dma_start3A_77, %dma_start3A_78] : memref<100000x64xf32, #tpu.memory_space<any>> -> memref<1x64xf32, #tpu.memory_space<any>>
    tpu.enqueue_dma source(%dma_start3A_79 : memref<1x64xf32, #tpu.memory_space<any>>) target(%dma_start3A_76 : memref<1x64xf32, #tpu.memory_space<vmem>>) target_semaphore(%dma_start3A_73 : memref<!tpu.dma_semaphore, #tpu.memory_space<semaphore_mem>>)
    %dma_start3A_80 = arith.constant 9 : i32
    %dma_start3A_81 = tpu.memref_slice %arg8[%dma_start3A_80] : memref<10x!tpu.dma_semaphore, #tpu.memory_space<semaphore_mem>> -> memref<1x!tpu.dma_semaphore, #tpu.memory_space<semaphore_mem>>
    %dma_start3A_82 = tpu.memref_squeeze %dma_start3A_81 : memref<1x!tpu.dma_semaphore, #tpu.memory_space<semaphore_mem>> -> memref<!tpu.dma_semaphore, #tpu.memory_space<semaphore_mem>>
    %dma_start3A_83 = arith.constant 9 : i32
    %dma_start3A_84 = arith.constant 0 : i32
    %dma_start3A_85 = tpu.memref_slice %arg4[%dma_start3A_83, %dma_start3A_84] : memref<10x64xf32, #tpu.memory_space<vmem>> -> memref<1x64xf32, #tpu.memory_space<vmem>>
    %dma_start3A_86 = arith.constant 99999 : i32
    %dma_start3A_87 = arith.constant 0 : i32
    %dma_start3A_88 = tpu.memref_slice %arg2[%dma_start3A_86, %dma_start3A_87] : memref<100000x64xf32, #tpu.memory_space<any>> -> memref<1x64xf32, #tpu.memory_space<any>>
    tpu.enqueue_dma source(%dma_start3A_88 : memref<1x64xf32, #tpu.memory_space<any>>) target(%dma_start3A_85 : memref<1x64xf32, #tpu.memory_space<vmem>>) target_semaphore(%dma_start3A_82 : memref<!tpu.dma_semaphore, #tpu.memory_space<semaphore_mem>>)
    %iota3A = tpu.iota {dimensions = array<i32: 0>} : vector<784x128xi32>
    %iota3A_89 = tpu.iota {dimensions = array<i32: 1>} : vector<784x128xi32>
    %lt3A = arith.constant 488 : i32
    %lt3A_90 = vector.broadcast %lt3A : i32 to vector<784x128xi32>
    %lt3A_91 = arith.cmpi slt, %iota3A, %lt3A_90 : vector<784x128xi32>
    %mul3A = arith.constant 128 : i32
    %mul3A_92 = vector.broadcast %mul3A : i32 to vector<784x128xi32>
    %mul3A_93 = arith.muli %iota3A, %mul3A_92 : vector<784x128xi32>
    %add3A = arith.addi %mul3A_93, %iota3A_89 : vector<784x128xi32>
    %sub3A = arith.constant 488 : i32
    %sub3A_94 = vector.broadcast %sub3A : i32 to vector<784x128xi32>
    %sub3A_95 = arith.subi %iota3A, %sub3A_94 : vector<784x128xi32>
    %mul3A_96 = arith.constant 128 : i32
    %mul3A_97 = vector.broadcast %mul3A_96 : i32 to vector<784x128xi32>
    %mul3A_98 = arith.muli %sub3A_95, %mul3A_97 : vector<784x128xi32>
    %add3A_99 = arith.constant 62112 : i32
    %add3A_100 = vector.broadcast %add3A_99 : i32 to vector<784x128xi32>
    %add3A_101 = arith.addi %add3A_100, %mul3A_98 : vector<784x128xi32>
    %add3A_102 = arith.addi %add3A_101, %iota3A_89 : vector<784x128xi32>
    %select_n3A = arith.select %lt3A_91, %add3A, %add3A_102 : vector<784x128xi1>, vector<784x128xi32>
    %get3A = arith.constant 0 : index
    %get3A_103 = arith.constant 0 : index
    %get3A_104 = vector.load %arg0[%get3A, %get3A_103] : memref<488x128xf32, #tpu.memory_space<vmem>>, vector<488x128xf32>
    %get3A_105 = arith.constant 0 : index
    %get3A_106 = arith.constant 0 : index
    %get3A_107 = vector.load %arg1[%get3A_105, %get3A_106] : memref<296x128xf32, #tpu.memory_space<vmem>>, vector<296x128xf32>
    %concatenate3A = tpu.concatenate %get3A_104, %get3A_107 in 0 : vector<488x128xf32>, vector<296x128xf32> -> vector<784x128xf32>
    %ge3A = arith.constant 488 : i32
    %ge3A_108 = vector.broadcast %ge3A : i32 to vector<784x128xi32>
    %ge3A_109 = arith.cmpi sge, %iota3A, %ge3A_108 : vector<784x128xi32>
    %mul3A_110 = arith.constant 128 : i32
    %mul3A_111 = vector.broadcast %mul3A_110 : i32 to vector<784x128xi32>
    %mul3A_112 = arith.muli %iota3A, %mul3A_111 : vector<784x128xi32>
    %add3A_113 = arith.addi %mul3A_112, %iota3A_89 : vector<784x128xi32>
    %lt3A_114 = arith.constant 62112 : i32
    %lt3A_115 = vector.broadcast %lt3A_114 : i32 to vector<784x128xi32>
    %lt3A_116 = arith.cmpi slt, %add3A_113, %lt3A_115 : vector<784x128xi32>
    %or3A = arith.ori %ge3A_109, %lt3A_116 : vector<784x128xi1>
    %sqrt3A = math.sqrt %concatenate3A : vector<784x128xf32>
    %jit3A = arith.constant -1.000000e+00 : f32
    %broadcast_in_dim3A = vector.broadcast %jit3A : f32 to vector<784x128xf32>
    %select_n3A_117 = arith.select %or3A, %sqrt3A, %broadcast_in_dim3A : vector<784x128xi1>, vector<784x128xf32>
    %broadcast_in_dim3A_118 = arith.constant 0.000000e+00 : f32
    %broadcast_in_dim3A_119 = vector.broadcast %broadcast_in_dim3A_118 : f32 to vector<64x64xf32>
    %swap3A = arith.constant 0 : index
    %swap3A_120 = arith.constant 0 : index
    %swap3A_121 = vector.load %arg3[%swap3A, %swap3A_120] : memref<64x64xf32, #tpu.memory_space<vmem>>, vector<64x64xf32>
    tpu.vector_store %arg3[%swap3A, %swap3A_120], %broadcast_in_dim3A_119 {strides = array<i32>} : memref<64x64xf32, #tpu.memory_space<vmem>>, vector<64x64xf32>,
    %broadcast_in_dim3A_122 = arith.constant 0.000000e+00 : f32
    %broadcast_in_dim3A_123 = vector.broadcast %broadcast_in_dim3A_122 : f32 to vector<1x64xf32>
    %swap3A_124 = arith.constant 0 : index
    %swap3A_125 = arith.constant 0 : index
    %swap3A_126 = vector.load %arg7[%swap3A_124, %swap3A_125] : memref<1x64xf32, #tpu.memory_space<vmem>>, vector<1x64xf32>
    tpu.vector_store %arg7[%swap3A_124, %swap3A_125], %broadcast_in_dim3A_123 {strides = array<i32>} : memref<1x64xf32, #tpu.memory_space<vmem>>, vector<1x64xf32>,
    %reduce_max3A = vector.shape_cast %select_n3A_117 : vector<784x128xf32> to vector<1x784x128xf32>
    %reduce_max3A_127 = arith.constant dense<0xFF800000> : vector<1xf32>
    %reduce_max3A_128 = vector.multi_reduction <maximumf>, %reduce_max3A, %reduce_max3A_127 [1, 2] : vector<1x784x128xf32> to vector<1xf32>
    %reduce_max3A_129 = vector.shape_cast %reduce_max3A_128 : vector<1xf32> to vector<1x1x1xf32>
    %reduce_max3A_130 = vector.extract %reduce_max3A_129[0, 0, 0] : f32 from vector<1x1x1xf32>
    %eq3A = vector.broadcast %reduce_max3A_130 : f32 to vector<784x128xf32>
    %eq3A_131 = arith.cmpf oeq, %select_n3A_117, %eq3A : vector<784x128xf32>
    %jit3A_132 = arith.constant 2147483647 : i32
    %broadcast_in_dim3A_133 = vector.broadcast %jit3A_132 : i32 to vector<784x128xi32>
    %select_n3A_134 = arith.select %eq3A_131, %select_n3A, %broadcast_in_dim3A_133 : vector<784x128xi1>, vector<784x128xi32>
    %reduce_min3A = vector.shape_cast %select_n3A_134 : vector<784x128xi32> to vector<1x784x128xi32>
    %reduce_min3A_135 = arith.constant dense<2147483647> : vector<1xi32>
    %reduce_min3A_136 = vector.multi_reduction <minsi>, %reduce_min3A, %reduce_min3A_135 [1, 2] : vector<1x784x128xi32> to vector<1xi32>
    %reduce_min3A_137 = vector.shape_cast %reduce_min3A_136 : vector<1xi32> to vector<1x1x1xi32>
    %reduce_min3A_138 = vector.extract %reduce_min3A_137[0, 0, 0] : i32 from vector<1x1x1xi32>
    %dma_start3A_139 = arith.constant 0 : i32
    %dma_start3A_140 = tpu.memref_slice %arg2[%reduce_min3A_138, %dma_start3A_139] : memref<100000x64xf32, #tpu.memory_space<any>> -> memref<1x64xf32, #tpu.memory_space<any>>
    tpu.enqueue_dma source(%dma_start3A_140 : memref<1x64xf32, #tpu.memory_space<any>>) target(%arg5 : memref<1x64xf32, #tpu.memory_space<vmem>>) target_semaphore(%arg9 : memref<!tpu.dma_semaphore, #tpu.memory_space<semaphore_mem>>)
    %eq3A_141 = vector.broadcast %reduce_min3A_138 : i32 to vector<784x128xi32>
    %eq3A_142 = arith.cmpi eq, %select_n3A, %eq3A_141 : vector<784x128xi32>
    %jit3A_143 = arith.constant 0xFF800000 : f32
    %broadcast_in_dim3A_144 = vector.broadcast %jit3A_143 : f32 to vector<784x128xf32>
    %select_n3A_145 = arith.select %eq3A_142, %broadcast_in_dim3A_144, %select_n3A_117 : vector<784x128xi1>, vector<784x128xf32>
    %reduce_max3A_146 = vector.shape_cast %select_n3A_145 : vector<784x128xf32> to vector<1x784x128xf32>
    %reduce_max3A_147 = arith.constant dense<0xFF800000> : vector<1xf32>
    %reduce_max3A_148 = vector.multi_reduction <maximumf>, %reduce_max3A_146, %reduce_max3A_147 [1, 2] : vector<1x784x128xf32> to vector<1xf32>
    %reduce_max3A_149 = vector.shape_cast %reduce_max3A_148 : vector<1xf32> to vector<1x1x1xf32>
    %reduce_max3A_150 = vector.extract %reduce_max3A_149[0, 0, 0] : f32 from vector<1x1x1xf32>
    %eq3A_151 = vector.broadcast %reduce_max3A_150 : f32 to vector<784x128xf32>
    %eq3A_152 = arith.cmpf oeq, %select_n3A_145, %eq3A_151 : vector<784x128xf32>
    %jit3A_153 = arith.constant 2147483647 : i32
    %broadcast_in_dim3A_154 = vector.broadcast %jit3A_153 : i32 to vector<784x128xi32>
    %select_n3A_155 = arith.select %eq3A_152, %select_n3A, %broadcast_in_dim3A_154 : vector<784x128xi1>, vector<784x128xi32>
    %reduce_min3A_156 = vector.shape_cast %select_n3A_155 : vector<784x128xi32> to vector<1x784x128xi32>
    %reduce_min3A_157 = arith.constant dense<2147483647> : vector<1xi32>
    %reduce_min3A_158 = vector.multi_reduction <minsi>, %reduce_min3A_156, %reduce_min3A_157 [1, 2] : vector<1x784x128xi32> to vector<1xi32>
    %reduce_min3A_159 = vector.shape_cast %reduce_min3A_158 : vector<1xi32> to vector<1x1x1xi32>
    %reduce_min3A_160 = vector.extract %reduce_min3A_159[0, 0, 0] : i32 from vector<1x1x1xi32>
    %dma_start3A_161 = arith.constant 0 : i32
    %dma_start3A_162 = tpu.memref_slice %arg2[%reduce_min3A_160, %dma_start3A_161] : memref<100000x64xf32, #tpu.memory_space<any>> -> memref<1x64xf32, #tpu.memory_space<any>>
    tpu.enqueue_dma source(%dma_start3A_162 : memref<1x64xf32, #tpu.memory_space<any>>) target(%arg6 : memref<1x64xf32, #tpu.memory_space<vmem>>) target_semaphore(%arg10 : memref<!tpu.dma_semaphore, #tpu.memory_space<semaphore_mem>>)
    %dma_wait3A = arith.constant 0 : i32
    %dma_wait3A_163 = tpu.memref_slice %arg2[%reduce_min3A_138, %dma_wait3A] : memref<100000x64xf32, #tpu.memory_space<any>> -> memref<1x64xf32, #tpu.memory_space<any>>
    tpu.wait_dma2 semaphore(%arg9 : memref<!tpu.dma_semaphore, #tpu.memory_space<semaphore_mem>>) src(%dma_wait3A_163 : memref<1x64xf32, #tpu.memory_space<any>>) dst(%arg5 : memref<1x64xf32, #tpu.memory_space<vmem>>)
    %get3A_164 = arith.constant 0 : index
    %get3A_165 = arith.constant 0 : index
    %get3A_166 = vector.load %arg7[%get3A_164, %get3A_165] : memref<1x64xf32, #tpu.memory_space<vmem>>, vector<1x64xf32>
    %get3A_167 = arith.constant 0 : index
    %get3A_168 = arith.constant 0 : index
    %get3A_169 = vector.load %arg5[%get3A_167, %get3A_168] : memref<1x64xf32, #tpu.memory_space<vmem>>, vector<1x64xf32>
    %add3A_170 = arith.addf %get3A_166, %get3A_169 : vector<1x64xf32>
    %swap3A_171 = arith.constant 0 : index
    %swap3A_172 = arith.constant 0 : index
    %swap3A_173 = vector.load %arg7[%swap3A_171, %swap3A_172] : memref<1x64xf32, #tpu.memory_space<vmem>>, vector<1x64xf32>
    tpu.vector_store %arg7[%swap3A_171, %swap3A_172], %add3A_170 {strides = array<i32>} : memref<1x64xf32, #tpu.memory_space<vmem>>, vector<1x64xf32>,
    %eq3A_174 = vector.broadcast %reduce_min3A_160 : i32 to vector<784x128xi32>
    %eq3A_175 = arith.cmpi eq, %select_n3A, %eq3A_174 : vector<784x128xi32>
    %jit3A_176 = arith.constant 0xFF800000 : f32
    %broadcast_in_dim3A_177 = vector.broadcast %jit3A_176 : f32 to vector<784x128xf32>
    %select_n3A_178 = arith.select %eq3A_175, %broadcast_in_dim3A_177, %select_n3A_145 : vector<784x128xi1>, vector<784x128xf32>
    %reduce_max3A_179 = vector.shape_cast %select_n3A_178 : vector<784x128xf32> to vector<1x784x128xf32>
    %reduce_max3A_180 = arith.constant dense<0xFF800000> : vector<1xf32>
    %reduce_max3A_181 = vector.multi_reduction <maximumf>, %reduce_max3A_179, %reduce_max3A_180 [1, 2] : vector<1x784x128xf32> to vector<1xf32>
    %reduce_max3A_182 = vector.shape_cast %reduce_max3A_181 : vector<1xf32> to vector<1x1x1xf32>
    %reduce_max3A_183 = vector.extract %reduce_max3A_182[0, 0, 0] : f32 from vector<1x1x1xf32>
    %eq3A_184 = vector.broadcast %reduce_max3A_183 : f32 to vector<784x128xf32>
    %eq3A_185 = arith.cmpf oeq, %select_n3A_178, %eq3A_184 : vector<784x128xf32>
    %jit3A_186 = arith.constant 2147483647 : i32
    %broadcast_in_dim3A_187 = vector.broadcast %jit3A_186 : i32 to vector<784x128xi32>
    %select_n3A_188 = arith.select %eq3A_185, %select_n3A, %broadcast_in_dim3A_187 : vector<784x128xi1>, vector<784x128xi32>
    %reduce_min3A_189 = vector.shape_cast %select_n3A_188 : vector<784x128xi32> to vector<1x784x128xi32>
    %reduce_min3A_190 = arith.constant dense<2147483647> : vector<1xi32>
    %reduce_min3A_191 = vector.multi_reduction <minsi>, %reduce_min3A_189, %reduce_min3A_190 [1, 2] : vector<1x784x128xi32> to vector<1xi32>
    %reduce_min3A_192 = vector.shape_cast %reduce_min3A_191 : vector<1xi32> to vector<1x1x1xi32>
    %reduce_min3A_193 = vector.extract %reduce_min3A_192[0, 0, 0] : i32 from vector<1x1x1xi32>
    %dma_start3A_194 = arith.constant 0 : i32
    %dma_start3A_195 = tpu.memref_slice %arg2[%reduce_min3A_193, %dma_start3A_194] : memref<100000x64xf32, #tpu.memory_space<any>> -> memref<1x64xf32, #tpu.memory_space<any>>
    tpu.enqueue_dma source(%dma_start3A_195 : memref<1x64xf32, #tpu.memory_space<any>>) target(%arg5 : memref<1x64xf32, #tpu.memory_space<vmem>>) target_semaphore(%arg9 : memref<!tpu.dma_semaphore, #tpu.memory_space<semaphore_mem>>)
    %dma_wait3A_196 = arith.constant 0 : i32
    %dma_wait3A_197 = tpu.memref_slice %arg2[%reduce_min3A_160, %dma_wait3A_196] : memref<100000x64xf32, #tpu.memory_space<any>> -> memref<1x64xf32, #tpu.memory_space<any>>
    tpu.wait_dma2 semaphore(%arg10 : memref<!tpu.dma_semaphore, #tpu.memory_space<semaphore_mem>>) src(%dma_wait3A_197 : memref<1x64xf32, #tpu.memory_space<any>>) dst(%arg6 : memref<1x64xf32, #tpu.memory_space<vmem>>)
    %get3A_198 = arith.constant 0 : index
    %get3A_199 = arith.constant 0 : index
    %get3A_200 = vector.load %arg7[%get3A_198, %get3A_199] : memref<1x64xf32, #tpu.memory_space<vmem>>, vector<1x64xf32>
    %get3A_201 = arith.constant 0 : index
    %get3A_202 = arith.constant 0 : index
    %get3A_203 = vector.load %arg6[%get3A_201, %get3A_202] : memref<1x64xf32, #tpu.memory_space<vmem>>, vector<1x64xf32>
    %add3A_204 = arith.addf %get3A_200, %get3A_203 : vector<1x64xf32>
    %swap3A_205 = arith.constant 0 : index
    %swap3A_206 = arith.constant 0 : index
    %swap3A_207 = vector.load %arg7[%swap3A_205, %swap3A_206] : memref<1x64xf32, #tpu.memory_space<vmem>>, vector<1x64xf32>
    tpu.vector_store %arg7[%swap3A_205, %swap3A_206], %add3A_204 {strides = array<i32>} : memref<1x64xf32, #tpu.memory_space<vmem>>, vector<1x64xf32>,
    %eq3A_208 = vector.broadcast %reduce_min3A_193 : i32 to vector<784x128xi32>
    %eq3A_209 = arith.cmpi eq, %select_n3A, %eq3A_208 : vector<784x128xi32>
    %jit3A_210 = arith.constant 0xFF800000 : f32
    %broadcast_in_dim3A_211 = vector.broadcast %jit3A_210 : f32 to vector<784x128xf32>
    %select_n3A_212 = arith.select %eq3A_209, %broadcast_in_dim3A_211, %select_n3A_178 : vector<784x128xi1>, vector<784x128xf32>
    %reduce_max3A_213 = vector.shape_cast %select_n3A_212 : vector<784x128xf32> to vector<1x784x128xf32>
    %reduce_max3A_214 = arith.constant dense<0xFF800000> : vector<1xf32>
    %reduce_max3A_215 = vector.multi_reduction <maximumf>, %reduce_max3A_213, %reduce_max3A_214 [1, 2] : vector<1x784x128xf32> to vector<1xf32>
    %reduce_max3A_216 = vector.shape_cast %reduce_max3A_215 : vector<1xf32> to vector<1x1x1xf32>
    %reduce_max3A_217 = vector.extract %reduce_max3A_216[0, 0, 0] : f32 from vector<1x1x1xf32>
    %eq3A_218 = vector.broadcast %reduce_max3A_217 : f32 to vector<784x128xf32>
    %eq3A_219 = arith.cmpf oeq, %select_n3A_212, %eq3A_218 : vector<784x128xf32>
    %jit3A_220 = arith.constant 2147483647 : i32
    %broadcast_in_dim3A_221 = vector.broadcast %jit3A_220 : i32 to vector<784x128xi32>
    %select_n3A_222 = arith.select %eq3A_219, %select_n3A, %broadcast_in_dim3A_221 : vector<784x128xi1>, vector<784x128xi32>
    %reduce_min3A_223 = vector.shape_cast %select_n3A_222 : vector<784x128xi32> to vector<1x784x128xi32>
    %reduce_min3A_224 = arith.constant dense<2147483647> : vector<1xi32>
    %reduce_min3A_225 = vector.multi_reduction <minsi>, %reduce_min3A_223, %reduce_min3A_224 [1, 2] : vector<1x784x128xi32> to vector<1xi32>
    %reduce_min3A_226 = vector.shape_cast %reduce_min3A_225 : vector<1xi32> to vector<1x1x1xi32>
    %reduce_min3A_227 = vector.extract %reduce_min3A_226[0, 0, 0] : i32 from vector<1x1x1xi32>
    %dma_start3A_228 = arith.constant 0 : i32
    %dma_start3A_229 = tpu.memref_slice %arg2[%reduce_min3A_227, %dma_start3A_228] : memref<100000x64xf32, #tpu.memory_space<any>> -> memref<1x64xf32, #tpu.memory_space<any>>
    tpu.enqueue_dma source(%dma_start3A_229 : memref<1x64xf32, #tpu.memory_space<any>>) target(%arg6 : memref<1x64xf32, #tpu.memory_space<vmem>>) target_semaphore(%arg10 : memref<!tpu.dma_semaphore, #tpu.memory_space<semaphore_mem>>)
    %dma_wait3A_230 = arith.constant 0 : i32
    %dma_wait3A_231 = tpu.memref_slice %arg2[%reduce_min3A_193, %dma_wait3A_230] : memref<100000x64xf32, #tpu.memory_space<any>> -> memref<1x64xf32, #tpu.memory_space<any>>
    tpu.wait_dma2 semaphore(%arg9 : memref<!tpu.dma_semaphore, #tpu.memory_space<semaphore_mem>>) src(%dma_wait3A_231 : memref<1x64xf32, #tpu.memory_space<any>>) dst(%arg5 : memref<1x64xf32, #tpu.memory_space<vmem>>)
    %get3A_232 = arith.constant 0 : index
    %get3A_233 = arith.constant 0 : index
    %get3A_234 = vector.load %arg7[%get3A_232, %get3A_233] : memref<1x64xf32, #tpu.memory_space<vmem>>, vector<1x64xf32>
    %get3A_235 = arith.constant 0 : index
    %get3A_236 = arith.constant 0 : index
    %get3A_237 = vector.load %arg5[%get3A_235, %get3A_236] : memref<1x64xf32, #tpu.memory_space<vmem>>, vector<1x64xf32>
    %add3A_238 = arith.addf %get3A_234, %get3A_237 : vector<1x64xf32>
    %swap3A_239 = arith.constant 0 : index
    %swap3A_240 = arith.constant 0 : index
    %swap3A_241 = vector.load %arg7[%swap3A_239, %swap3A_240] : memref<1x64xf32, #tpu.memory_space<vmem>>, vector<1x64xf32>
    tpu.vector_store %arg7[%swap3A_239, %swap3A_240], %add3A_238 {strides = array<i32>} : memref<1x64xf32, #tpu.memory_space<vmem>>, vector<1x64xf32>,
    %eq3A_242 = vector.broadcast %reduce_min3A_227 : i32 to vector<784x128xi32>
    %eq3A_243 = arith.cmpi eq, %select_n3A, %eq3A_242 : vector<784x128xi32>
    %jit3A_244 = arith.constant 0xFF800000 : f32
    %broadcast_in_dim3A_245 = vector.broadcast %jit3A_244 : f32 to vector<784x128xf32>
    %select_n3A_246 = arith.select %eq3A_243, %broadcast_in_dim3A_245, %select_n3A_212 : vector<784x128xi1>, vector<784x128xf32>
    %reduce_max3A_247 = vector.shape_cast %select_n3A_246 : vector<784x128xf32> to vector<1x784x128xf32>
    %reduce_max3A_248 = arith.constant dense<0xFF800000> : vector<1xf32>
    %reduce_max3A_249 = vector.multi_reduction <maximumf>, %reduce_max3A_247, %reduce_max3A_248 [1, 2] : vector<1x784x128xf32> to vector<1xf32>
    %reduce_max3A_250 = vector.shape_cast %reduce_max3A_249 : vector<1xf32> to vector<1x1x1xf32>
    %reduce_max3A_251 = vector.extract %reduce_max3A_250[0, 0, 0] : f32 from vector<1x1x1xf32>
    %eq3A_252 = vector.broadcast %reduce_max3A_251 : f32 to vector<784x128xf32>
    %eq3A_253 = arith.cmpf oeq, %select_n3A_246, %eq3A_252 : vector<784x128xf32>
    %jit3A_254 = arith.constant 2147483647 : i32
    %broadcast_in_dim3A_255 = vector.broadcast %jit3A_254 : i32 to vector<784x128xi32>
    %select_n3A_256 = arith.select %eq3A_253, %select_n3A, %broadcast_in_dim3A_255 : vector<784x128xi1>, vector<784x128xi32>
    %reduce_min3A_257 = vector.shape_cast %select_n3A_256 : vector<784x128xi32> to vector<1x784x128xi32>
    %reduce_min3A_258 = arith.constant dense<2147483647> : vector<1xi32>
    %reduce_min3A_259 = vector.multi_reduction <minsi>, %reduce_min3A_257, %reduce_min3A_258 [1, 2] : vector<1x784x128xi32> to vector<1xi32>
    %reduce_min3A_260 = vector.shape_cast %reduce_min3A_259 : vector<1xi32> to vector<1x1x1xi32>
    %reduce_min3A_261 = vector.extract %reduce_min3A_260[0, 0, 0] : i32 from vector<1x1x1xi32>
    %dma_start3A_262 = arith.constant 0 : i32
    %dma_start3A_263 = tpu.memref_slice %arg2[%reduce_min3A_261, %dma_start3A_262] : memref<100000x64xf32, #tpu.memory_space<any>> -> memref<1x64xf32, #tpu.memory_space<any>>
    tpu.enqueue_dma source(%dma_start3A_263 : memref<1x64xf32, #tpu.memory_space<any>>) target(%arg5 : memref<1x64xf32, #tpu.memory_space<vmem>>) target_semaphore(%arg9 : memref<!tpu.dma_semaphore, #tpu.memory_space<semaphore_mem>>)
    %dma_wait3A_264 = arith.constant 0 : i32
    %dma_wait3A_265 = tpu.memref_slice %arg2[%reduce_min3A_227, %dma_wait3A_264] : memref<100000x64xf32, #tpu.memory_space<any>> -> memref<1x64xf32, #tpu.memory_space<any>>
    tpu.wait_dma2 semaphore(%arg10 : memref<!tpu.dma_semaphore, #tpu.memory_space<semaphore_mem>>) src(%dma_wait3A_265 : memref<1x64xf32, #tpu.memory_space<any>>) dst(%arg6 : memref<1x64xf32, #tpu.memory_space<vmem>>)
    %get3A_266 = arith.constant 0 : index
    %get3A_267 = arith.constant 0 : index
    %get3A_268 = vector.load %arg7[%get3A_266, %get3A_267] : memref<1x64xf32, #tpu.memory_space<vmem>>, vector<1x64xf32>
    %get3A_269 = arith.constant 0 : index
    %get3A_270 = arith.constant 0 : index
    %get3A_271 = vector.load %arg6[%get3A_269, %get3A_270] : memref<1x64xf32, #tpu.memory_space<vmem>>, vector<1x64xf32>
    %add3A_272 = arith.addf %get3A_268, %get3A_271 : vector<1x64xf32>
    %swap3A_273 = arith.constant 0 : index
    %swap3A_274 = arith.constant 0 : index
    %swap3A_275 = vector.load %arg7[%swap3A_273, %swap3A_274] : memref<1x64xf32, #tpu.memory_space<vmem>>, vector<1x64xf32>
    tpu.vector_store %arg7[%swap3A_273, %swap3A_274], %add3A_272 {strides = array<i32>} : memref<1x64xf32, #tpu.memory_space<vmem>>, vector<1x64xf32>,
    %eq3A_276 = vector.broadcast %reduce_min3A_261 : i32 to vector<784x128xi32>
    %eq3A_277 = arith.cmpi eq, %select_n3A, %eq3A_276 : vector<784x128xi32>
    %jit3A_278 = arith.constant 0xFF800000 : f32
    %broadcast_in_dim3A_279 = vector.broadcast %jit3A_278 : f32 to vector<784x128xf32>
    %select_n3A_280 = arith.select %eq3A_277, %broadcast_in_dim3A_279, %select_n3A_246 : vector<784x128xi1>, vector<784x128xf32>
    %reduce_max3A_281 = vector.shape_cast %select_n3A_280 : vector<784x128xf32> to vector<1x784x128xf32>
    %reduce_max3A_282 = arith.constant dense<0xFF800000> : vector<1xf32>
    %reduce_max3A_283 = vector.multi_reduction <maximumf>, %reduce_max3A_281, %reduce_max3A_282 [1, 2] : vector<1x784x128xf32> to vector<1xf32>
    %reduce_max3A_284 = vector.shape_cast %reduce_max3A_283 : vector<1xf32> to vector<1x1x1xf32>
    %reduce_max3A_285 = vector.extract %reduce_max3A_284[0, 0, 0] : f32 from vector<1x1x1xf32>
    %eq3A_286 = vector.broadcast %reduce_max3A_285 : f32 to vector<784x128xf32>
    %eq3A_287 = arith.cmpf oeq, %select_n3A_280, %eq3A_286 : vector<784x128xf32>
    %jit3A_288 = arith.constant 2147483647 : i32
    %broadcast_in_dim3A_289 = vector.broadcast %jit3A_288 : i32 to vector<784x128xi32>
    %select_n3A_290 = arith.select %eq3A_287, %select_n3A, %broadcast_in_dim3A_289 : vector<784x128xi1>, vector<784x128xi32>
    %reduce_min3A_291 = vector.shape_cast %select_n3A_290 : vector<784x128xi32> to vector<1x784x128xi32>
    %reduce_min3A_292 = arith.constant dense<2147483647> : vector<1xi32>
    %reduce_min3A_293 = vector.multi_reduction <minsi>, %reduce_min3A_291, %reduce_min3A_292 [1, 2] : vector<1x784x128xi32> to vector<1xi32>
    %reduce_min3A_294 = vector.shape_cast %reduce_min3A_293 : vector<1xi32> to vector<1x1x1xi32>
    %reduce_min3A_295 = vector.extract %reduce_min3A_294[0, 0, 0] : i32 from vector<1x1x1xi32>
    %dma_start3A_296 = arith.constant 0 : i32
    %dma_start3A_297 = tpu.memref_slice %arg2[%reduce_min3A_295, %dma_start3A_296] : memref<100000x64xf32, #tpu.memory_space<any>> -> memref<1x64xf32, #tpu.memory_space<any>>
    tpu.enqueue_dma source(%dma_start3A_297 : memref<1x64xf32, #tpu.memory_space<any>>) target(%arg6 : memref<1x64xf32, #tpu.memory_space<vmem>>) target_semaphore(%arg10 : memref<!tpu.dma_semaphore, #tpu.memory_space<semaphore_mem>>)
    %dma_wait3A_298 = arith.constant 0 : i32
    %dma_wait3A_299 = tpu.memref_slice %arg2[%reduce_min3A_261, %dma_wait3A_298] : memref<100000x64xf32, #tpu.memory_space<any>> -> memref<1x64xf32, #tpu.memory_space<any>>
    tpu.wait_dma2 semaphore(%arg9 : memref<!tpu.dma_semaphore, #tpu.memory_space<semaphore_mem>>) src(%dma_wait3A_299 : memref<1x64xf32, #tpu.memory_space<any>>) dst(%arg5 : memref<1x64xf32, #tpu.memory_space<vmem>>)
    %get3A_300 = arith.constant 0 : index
    %get3A_301 = arith.constant 0 : index
    %get3A_302 = vector.load %arg7[%get3A_300, %get3A_301] : memref<1x64xf32, #tpu.memory_space<vmem>>, vector<1x64xf32>
    %get3A_303 = arith.constant 0 : index
    %get3A_304 = arith.constant 0 : index
    %get3A_305 = vector.load %arg5[%get3A_303, %get3A_304] : memref<1x64xf32, #tpu.memory_space<vmem>>, vector<1x64xf32>
    %add3A_306 = arith.addf %get3A_302, %get3A_305 : vector<1x64xf32>
    %swap3A_307 = arith.constant 0 : index
    %swap3A_308 = arith.constant 0 : index
    %swap3A_309 = vector.load %arg7[%swap3A_307, %swap3A_308] : memref<1x64xf32, #tpu.memory_space<vmem>>, vector<1x64xf32>
    tpu.vector_store %arg7[%swap3A_307, %swap3A_308], %add3A_306 {strides = array<i32>} : memref<1x64xf32, #tpu.memory_space<vmem>>, vector<1x64xf32>,
    %eq3A_310 = vector.broadcast %reduce_min3A_295 : i32 to vector<784x128xi32>
    %eq3A_311 = arith.cmpi eq, %select_n3A, %eq3A_310 : vector<784x128xi32>
    %jit3A_312 = arith.constant 0xFF800000 : f32
    %broadcast_in_dim3A_313 = vector.broadcast %jit3A_312 : f32 to vector<784x128xf32>
    %select_n3A_314 = arith.select %eq3A_311, %broadcast_in_dim3A_313, %select_n3A_280 : vector<784x128xi1>, vector<784x128xf32>
    %reduce_max3A_315 = vector.shape_cast %select_n3A_314 : vector<784x128xf32> to vector<1x784x128xf32>
    %reduce_max3A_316 = arith.constant dense<0xFF800000> : vector<1xf32>
    %reduce_max3A_317 = vector.multi_reduction <maximumf>, %reduce_max3A_315, %reduce_max3A_316 [1, 2] : vector<1x784x128xf32> to vector<1xf32>
    %reduce_max3A_318 = vector.shape_cast %reduce_max3A_317 : vector<1xf32> to vector<1x1x1xf32>
    %reduce_max3A_319 = vector.extract %reduce_max3A_318[0, 0, 0] : f32 from vector<1x1x1xf32>
    %eq3A_320 = vector.broadcast %reduce_max3A_319 : f32 to vector<784x128xf32>
    %eq3A_321 = arith.cmpf oeq, %select_n3A_314, %eq3A_320 : vector<784x128xf32>
    %jit3A_322 = arith.constant 2147483647 : i32
    %broadcast_in_dim3A_323 = vector.broadcast %jit3A_322 : i32 to vector<784x128xi32>
    %select_n3A_324 = arith.select %eq3A_321, %select_n3A, %broadcast_in_dim3A_323 : vector<784x128xi1>, vector<784x128xi32>
    %reduce_min3A_325 = vector.shape_cast %select_n3A_324 : vector<784x128xi32> to vector<1x784x128xi32>
    %reduce_min3A_326 = arith.constant dense<2147483647> : vector<1xi32>
    %reduce_min3A_327 = vector.multi_reduction <minsi>, %reduce_min3A_325, %reduce_min3A_326 [1, 2] : vector<1x784x128xi32> to vector<1xi32>
    %reduce_min3A_328 = vector.shape_cast %reduce_min3A_327 : vector<1xi32> to vector<1x1x1xi32>
    %reduce_min3A_329 = vector.extract %reduce_min3A_328[0, 0, 0] : i32 from vector<1x1x1xi32>
    %dma_start3A_330 = arith.constant 0 : i32
    %dma_start3A_331 = tpu.memref_slice %arg2[%reduce_min3A_329, %dma_start3A_330] : memref<100000x64xf32, #tpu.memory_space<any>> -> memref<1x64xf32, #tpu.memory_space<any>>
    tpu.enqueue_dma source(%dma_start3A_331 : memref<1x64xf32, #tpu.memory_space<any>>) target(%arg5 : memref<1x64xf32, #tpu.memory_space<vmem>>) target_semaphore(%arg9 : memref<!tpu.dma_semaphore, #tpu.memory_space<semaphore_mem>>)
    %dma_wait3A_332 = arith.constant 0 : i32
    %dma_wait3A_333 = tpu.memref_slice %arg2[%reduce_min3A_295, %dma_wait3A_332] : memref<100000x64xf32, #tpu.memory_space<any>> -> memref<1x64xf32, #tpu.memory_space<any>>
    tpu.wait_dma2 semaphore(%arg10 : memref<!tpu.dma_semaphore, #tpu.memory_space<semaphore_mem>>) src(%dma_wait3A_333 : memref<1x64xf32, #tpu.memory_space<any>>) dst(%arg6 : memref<1x64xf32, #tpu.memory_space<vmem>>)
    %get3A_334 = arith.constant 0 : index
    %get3A_335 = arith.constant 0 : index
    %get3A_336 = vector.load %arg7[%get3A_334, %get3A_335] : memref<1x64xf32, #tpu.memory_space<vmem>>, vector<1x64xf32>
    %get3A_337 = arith.constant 0 : index
    %get3A_338 = arith.constant 0 : index
    %get3A_339 = vector.load %arg6[%get3A_337, %get3A_338] : memref<1x64xf32, #tpu.memory_space<vmem>>, vector<1x64xf32>
    %add3A_340 = arith.addf %get3A_336, %get3A_339 : vector<1x64xf32>
    %swap3A_341 = arith.constant 0 : index
    %swap3A_342 = arith.constant 0 : index
    %swap3A_343 = vector.load %arg7[%swap3A_341, %swap3A_342] : memref<1x64xf32, #tpu.memory_space<vmem>>, vector<1x64xf32>
    tpu.vector_store %arg7[%swap3A_341, %swap3A_342], %add3A_340 {strides = array<i32>} : memref<1x64xf32, #tpu.memory_space<vmem>>, vector<1x64xf32>,
    %eq3A_344 = vector.broadcast %reduce_min3A_329 : i32 to vector<784x128xi32>
    %eq3A_345 = arith.cmpi eq, %select_n3A, %eq3A_344 : vector<784x128xi32>
    %jit3A_346 = arith.constant 0xFF800000 : f32
    %broadcast_in_dim3A_347 = vector.broadcast %jit3A_346 : f32 to vector<784x128xf32>
    %select_n3A_348 = arith.select %eq3A_345, %broadcast_in_dim3A_347, %select_n3A_314 : vector<784x128xi1>, vector<784x128xf32>
    %reduce_max3A_349 = vector.shape_cast %select_n3A_348 : vector<784x128xf32> to vector<1x784x128xf32>
    %reduce_max3A_350 = arith.constant dense<0xFF800000> : vector<1xf32>
    %reduce_max3A_351 = vector.multi_reduction <maximumf>, %reduce_max3A_349, %reduce_max3A_350 [1, 2] : vector<1x784x128xf32> to vector<1xf32>
    %reduce_max3A_352 = vector.shape_cast %reduce_max3A_351 : vector<1xf32> to vector<1x1x1xf32>
    %reduce_max3A_353 = vector.extract %reduce_max3A_352[0, 0, 0] : f32 from vector<1x1x1xf32>
    %eq3A_354 = vector.broadcast %reduce_max3A_353 : f32 to vector<784x128xf32>
    %eq3A_355 = arith.cmpf oeq, %select_n3A_348, %eq3A_354 : vector<784x128xf32>
    %jit3A_356 = arith.constant 2147483647 : i32
    %broadcast_in_dim3A_357 = vector.broadcast %jit3A_356 : i32 to vector<784x128xi32>
    %select_n3A_358 = arith.select %eq3A_355, %select_n3A, %broadcast_in_dim3A_357 : vector<784x128xi1>, vector<784x128xi32>
    %reduce_min3A_359 = vector.shape_cast %select_n3A_358 : vector<784x128xi32> to vector<1x784x128xi32>
    %reduce_min3A_360 = arith.constant dense<2147483647> : vector<1xi32>
    %reduce_min3A_361 = vector.multi_reduction <minsi>, %reduce_min3A_359, %reduce_min3A_360 [1, 2] : vector<1x784x128xi32> to vector<1xi32>
    %reduce_min3A_362 = vector.shape_cast %reduce_min3A_361 : vector<1xi32> to vector<1x1x1xi32>
    %reduce_min3A_363 = vector.extract %reduce_min3A_362[0, 0, 0] : i32 from vector<1x1x1xi32>
    %dma_start3A_364 = arith.constant 0 : i32
    %dma_start3A_365 = tpu.memref_slice %arg2[%reduce_min3A_363, %dma_start3A_364] : memref<100000x64xf32, #tpu.memory_space<any>> -> memref<1x64xf32, #tpu.memory_space<any>>
    tpu.enqueue_dma source(%dma_start3A_365 : memref<1x64xf32, #tpu.memory_space<any>>) target(%arg6 : memref<1x64xf32, #tpu.memory_space<vmem>>) target_semaphore(%arg10 : memref<!tpu.dma_semaphore, #tpu.memory_space<semaphore_mem>>)
    %dma_wait3A_366 = arith.constant 0 : i32
    %dma_wait3A_367 = tpu.memref_slice %arg2[%reduce_min3A_329, %dma_wait3A_366] : memref<100000x64xf32, #tpu.memory_space<any>> -> memref<1x64xf32, #tpu.memory_space<any>>
    tpu.wait_dma2 semaphore(%arg9 : memref<!tpu.dma_semaphore, #tpu.memory_space<semaphore_mem>>) src(%dma_wait3A_367 : memref<1x64xf32, #tpu.memory_space<any>>) dst(%arg5 : memref<1x64xf32, #tpu.memory_space<vmem>>)
    %get3A_368 = arith.constant 0 : index
    %get3A_369 = arith.constant 0 : index
    %get3A_370 = vector.load %arg7[%get3A_368, %get3A_369] : memref<1x64xf32, #tpu.memory_space<vmem>>, vector<1x64xf32>
    %get3A_371 = arith.constant 0 : index
    %get3A_372 = arith.constant 0 : index
    %get3A_373 = vector.load %arg5[%get3A_371, %get3A_372] : memref<1x64xf32, #tpu.memory_space<vmem>>, vector<1x64xf32>
    %add3A_374 = arith.addf %get3A_370, %get3A_373 : vector<1x64xf32>
    %swap3A_375 = arith.constant 0 : index
    %swap3A_376 = arith.constant 0 : index
    %swap3A_377 = vector.load %arg7[%swap3A_375, %swap3A_376] : memref<1x64xf32, #tpu.memory_space<vmem>>, vector<1x64xf32>
    tpu.vector_store %arg7[%swap3A_375, %swap3A_376], %add3A_374 {strides = array<i32>} : memref<1x64xf32, #tpu.memory_space<vmem>>, vector<1x64xf32>,
    %eq3A_378 = vector.broadcast %reduce_min3A_363 : i32 to vector<784x128xi32>
    %eq3A_379 = arith.cmpi eq, %select_n3A, %eq3A_378 : vector<784x128xi32>
    %jit3A_380 = arith.constant 0xFF800000 : f32
    %broadcast_in_dim3A_381 = vector.broadcast %jit3A_380 : f32 to vector<784x128xf32>
    %select_n3A_382 = arith.select %eq3A_379, %broadcast_in_dim3A_381, %select_n3A_348 : vector<784x128xi1>, vector<784x128xf32>
    %reduce_max3A_383 = vector.shape_cast %select_n3A_382 : vector<784x128xf32> to vector<1x784x128xf32>
    %reduce_max3A_384 = arith.constant dense<0xFF800000> : vector<1xf32>
    %reduce_max3A_385 = vector.multi_reduction <maximumf>, %reduce_max3A_383, %reduce_max3A_384 [1, 2] : vector<1x784x128xf32> to vector<1xf32>
    %reduce_max3A_386 = vector.shape_cast %reduce_max3A_385 : vector<1xf32> to vector<1x1x1xf32>
    %reduce_max3A_387 = vector.extract %reduce_max3A_386[0, 0, 0] : f32 from vector<1x1x1xf32>
    %eq3A_388 = vector.broadcast %reduce_max3A_387 : f32 to vector<784x128xf32>
    %eq3A_389 = arith.cmpf oeq, %select_n3A_382, %eq3A_388 : vector<784x128xf32>
    %jit3A_390 = arith.constant 2147483647 : i32
    %broadcast_in_dim3A_391 = vector.broadcast %jit3A_390 : i32 to vector<784x128xi32>
    %select_n3A_392 = arith.select %eq3A_389, %select_n3A, %broadcast_in_dim3A_391 : vector<784x128xi1>, vector<784x128xi32>
    %reduce_min3A_393 = vector.shape_cast %select_n3A_392 : vector<784x128xi32> to vector<1x784x128xi32>
    %reduce_min3A_394 = arith.constant dense<2147483647> : vector<1xi32>
    %reduce_min3A_395 = vector.multi_reduction <minsi>, %reduce_min3A_393, %reduce_min3A_394 [1, 2] : vector<1x784x128xi32> to vector<1xi32>
    %reduce_min3A_396 = vector.shape_cast %reduce_min3A_395 : vector<1xi32> to vector<1x1x1xi32>
    %reduce_min3A_397 = vector.extract %reduce_min3A_396[0, 0, 0] : i32 from vector<1x1x1xi32>
    %dma_start3A_398 = arith.constant 0 : i32
    %dma_start3A_399 = tpu.memref_slice %arg2[%reduce_min3A_397, %dma_start3A_398] : memref<100000x64xf32, #tpu.memory_space<any>> -> memref<1x64xf32, #tpu.memory_space<any>>
    tpu.enqueue_dma source(%dma_start3A_399 : memref<1x64xf32, #tpu.memory_space<any>>) target(%arg5 : memref<1x64xf32, #tpu.memory_space<vmem>>) target_semaphore(%arg9 : memref<!tpu.dma_semaphore, #tpu.memory_space<semaphore_mem>>)
    %dma_wait3A_400 = arith.constant 0 : i32
    %dma_wait3A_401 = tpu.memref_slice %arg2[%reduce_min3A_363, %dma_wait3A_400] : memref<100000x64xf32, #tpu.memory_space<any>> -> memref<1x64xf32, #tpu.memory_space<any>>
    tpu.wait_dma2 semaphore(%arg10 : memref<!tpu.dma_semaphore, #tpu.memory_space<semaphore_mem>>) src(%dma_wait3A_401 : memref<1x64xf32, #tpu.memory_space<any>>) dst(%arg6 : memref<1x64xf32, #tpu.memory_space<vmem>>)
    %get3A_402 = arith.constant 0 : index
    %get3A_403 = arith.constant 0 : index
    %get3A_404 = vector.load %arg7[%get3A_402, %get3A_403] : memref<1x64xf32, #tpu.memory_space<vmem>>, vector<1x64xf32>
    %get3A_405 = arith.constant 0 : index
    %get3A_406 = arith.constant 0 : index
    %get3A_407 = vector.load %arg6[%get3A_405, %get3A_406] : memref<1x64xf32, #tpu.memory_space<vmem>>, vector<1x64xf32>
    %add3A_408 = arith.addf %get3A_404, %get3A_407 : vector<1x64xf32>
    %swap3A_409 = arith.constant 0 : index
    %swap3A_410 = arith.constant 0 : index
    %swap3A_411 = vector.load %arg7[%swap3A_409, %swap3A_410] : memref<1x64xf32, #tpu.memory_space<vmem>>, vector<1x64xf32>
    tpu.vector_store %arg7[%swap3A_409, %swap3A_410], %add3A_408 {strides = array<i32>} : memref<1x64xf32, #tpu.memory_space<vmem>>, vector<1x64xf32>,
    %eq3A_412 = vector.broadcast %reduce_min3A_397 : i32 to vector<784x128xi32>
    %eq3A_413 = arith.cmpi eq, %select_n3A, %eq3A_412 : vector<784x128xi32>
    %jit3A_414 = arith.constant 0xFF800000 : f32
    %broadcast_in_dim3A_415 = vector.broadcast %jit3A_414 : f32 to vector<784x128xf32>
    %select_n3A_416 = arith.select %eq3A_413, %broadcast_in_dim3A_415, %select_n3A_382 : vector<784x128xi1>, vector<784x128xf32>
    %reduce_max3A_417 = vector.shape_cast %select_n3A_416 : vector<784x128xf32> to vector<1x784x128xf32>
    %reduce_max3A_418 = arith.constant dense<0xFF800000> : vector<1xf32>
    %reduce_max3A_419 = vector.multi_reduction <maximumf>, %reduce_max3A_417, %reduce_max3A_418 [1, 2] : vector<1x784x128xf32> to vector<1xf32>
    %reduce_max3A_420 = vector.shape_cast %reduce_max3A_419 : vector<1xf32> to vector<1x1x1xf32>
    %reduce_max3A_421 = vector.extract %reduce_max3A_420[0, 0, 0] : f32 from vector<1x1x1xf32>
    %eq3A_422 = vector.broadcast %reduce_max3A_421 : f32 to vector<784x128xf32>
    %eq3A_423 = arith.cmpf oeq, %select_n3A_416, %eq3A_422 : vector<784x128xf32>
    %jit3A_424 = arith.constant 2147483647 : i32
    %broadcast_in_dim3A_425 = vector.broadcast %jit3A_424 : i32 to vector<784x128xi32>
    %select_n3A_426 = arith.select %eq3A_423, %select_n3A, %broadcast_in_dim3A_425 : vector<784x128xi1>, vector<784x128xi32>
    %reduce_min3A_427 = vector.shape_cast %select_n3A_426 : vector<784x128xi32> to vector<1x784x128xi32>
    %reduce_min3A_428 = arith.constant dense<2147483647> : vector<1xi32>
    %reduce_min3A_429 = vector.multi_reduction <minsi>, %reduce_min3A_427, %reduce_min3A_428 [1, 2] : vector<1x784x128xi32> to vector<1xi32>
    %reduce_min3A_430 = vector.shape_cast %reduce_min3A_429 : vector<1xi32> to vector<1x1x1xi32>
    %reduce_min3A_431 = vector.extract %reduce_min3A_430[0, 0, 0] : i32 from vector<1x1x1xi32>
    %dma_start3A_432 = arith.constant 0 : i32
    %dma_start3A_433 = tpu.memref_slice %arg2[%reduce_min3A_431, %dma_start3A_432] : memref<100000x64xf32, #tpu.memory_space<any>> -> memref<1x64xf32, #tpu.memory_space<any>>
    tpu.enqueue_dma source(%dma_start3A_433 : memref<1x64xf32, #tpu.memory_space<any>>) target(%arg6 : memref<1x64xf32, #tpu.memory_space<vmem>>) target_semaphore(%arg10 : memref<!tpu.dma_semaphore, #tpu.memory_space<semaphore_mem>>)
    %dma_wait3A_434 = arith.constant 0 : i32
    %dma_wait3A_435 = tpu.memref_slice %arg2[%reduce_min3A_397, %dma_wait3A_434] : memref<100000x64xf32, #tpu.memory_space<any>> -> memref<1x64xf32, #tpu.memory_space<any>>
    tpu.wait_dma2 semaphore(%arg9 : memref<!tpu.dma_semaphore, #tpu.memory_space<semaphore_mem>>) src(%dma_wait3A_435 : memref<1x64xf32, #tpu.memory_space<any>>) dst(%arg5 : memref<1x64xf32, #tpu.memory_space<vmem>>)
    %get3A_436 = arith.constant 0 : index
    %get3A_437 = arith.constant 0 : index
    %get3A_438 = vector.load %arg7[%get3A_436, %get3A_437] : memref<1x64xf32, #tpu.memory_space<vmem>>, vector<1x64xf32>
    %get3A_439 = arith.constant 0 : index
    %get3A_440 = arith.constant 0 : index
    %get3A_441 = vector.load %arg5[%get3A_439, %get3A_440] : memref<1x64xf32, #tpu.memory_space<vmem>>, vector<1x64xf32>
    %add3A_442 = arith.addf %get3A_438, %get3A_441 : vector<1x64xf32>
    %swap3A_443 = arith.constant 0 : index
    %swap3A_444 = arith.constant 0 : index
    %swap3A_445 = vector.load %arg7[%swap3A_443, %swap3A_444] : memref<1x64xf32, #tpu.memory_space<vmem>>, vector<1x64xf32>
    tpu.vector_store %arg7[%swap3A_443, %swap3A_444], %add3A_442 {strides = array<i32>} : memref<1x64xf32, #tpu.memory_space<vmem>>, vector<1x64xf32>,
    %dma_wait3A_446 = arith.constant 0 : i32
    %dma_wait3A_447 = tpu.memref_slice %arg2[%reduce_min3A_431, %dma_wait3A_446] : memref<100000x64xf32, #tpu.memory_space<any>> -> memref<1x64xf32, #tpu.memory_space<any>>
    tpu.wait_dma2 semaphore(%arg10 : memref<!tpu.dma_semaphore, #tpu.memory_space<semaphore_mem>>) src(%dma_wait3A_447 : memref<1x64xf32, #tpu.memory_space<any>>) dst(%arg6 : memref<1x64xf32, #tpu.memory_space<vmem>>)
    %get3A_448 = arith.constant 0 : index
    %get3A_449 = arith.constant 0 : index
    %get3A_450 = vector.load %arg7[%get3A_448, %get3A_449] : memref<1x64xf32, #tpu.memory_space<vmem>>, vector<1x64xf32>
    %get3A_451 = arith.constant 0 : index
    %get3A_452 = arith.constant 0 : index
    %get3A_453 = vector.load %arg6[%get3A_451, %get3A_452] : memref<1x64xf32, #tpu.memory_space<vmem>>, vector<1x64xf32>
    %add3A_454 = arith.addf %get3A_450, %get3A_453 : vector<1x64xf32>
    %swap3A_455 = arith.constant 0 : index
    %swap3A_456 = arith.constant 0 : index
    %swap3A_457 = vector.load %arg7[%swap3A_455, %swap3A_456] : memref<1x64xf32, #tpu.memory_space<vmem>>, vector<1x64xf32>
    tpu.vector_store %arg7[%swap3A_455, %swap3A_456], %add3A_454 {strides = array<i32>} : memref<1x64xf32, #tpu.memory_space<vmem>>, vector<1x64xf32>,
    %get3A_458 = arith.constant 0 : index
    %get3A_459 = arith.constant 0 : index
    %get3A_460 = vector.load %arg7[%get3A_458, %get3A_459] : memref<1x64xf32, #tpu.memory_space<vmem>>, vector<1x64xf32>
    %div3A = arith.constant 1.000000e+01 : f32
    %div3A_461 = vector.broadcast %div3A : f32 to vector<1x64xf32>
    %div3A_462 = arith.divf %get3A_460, %div3A_461 : vector<1x64xf32>
    %mul3A_463 = arith.constant 1.000000e+01 : f32
    %mul3A_464 = vector.broadcast %mul3A_463 : f32 to vector<1x64xf32>
    %mul3A_465 = arith.mulf %div3A_462, %mul3A_464 : vector<1x64xf32>
    %dma_wait3A_466 = arith.constant 0 : i32
    %dma_wait3A_467 = tpu.memref_slice %arg8[%dma_wait3A_466] : memref<10x!tpu.dma_semaphore, #tpu.memory_space<semaphore_mem>> -> memref<1x!tpu.dma_semaphore, #tpu.memory_space<semaphore_mem>>
    %dma_wait3A_468 = tpu.memref_squeeze %dma_wait3A_467 : memref<1x!tpu.dma_semaphore, #tpu.memory_space<semaphore_mem>> -> memref<!tpu.dma_semaphore, #tpu.memory_space<semaphore_mem>>
    %dma_wait3A_469 = arith.constant 0 : i32
    %dma_wait3A_470 = arith.constant 0 : i32
    %dma_wait3A_471 = tpu.memref_slice %arg4[%dma_wait3A_469, %dma_wait3A_470] : memref<10x64xf32, #tpu.memory_space<vmem>> -> memref<1x64xf32, #tpu.memory_space<vmem>>
    %dma_wait3A_472 = arith.constant 5 : i32
    %dma_wait3A_473 = arith.constant 0 : i32
    %dma_wait3A_474 = tpu.memref_slice %arg2[%dma_wait3A_472, %dma_wait3A_473] : memref<100000x64xf32, #tpu.memory_space<any>> -> memref<1x64xf32, #tpu.memory_space<any>>
    tpu.wait_dma2 semaphore(%dma_wait3A_468 : memref<!tpu.dma_semaphore, #tpu.memory_space<semaphore_mem>>) src(%dma_wait3A_474 : memref<1x64xf32, #tpu.memory_space<any>>) dst(%dma_wait3A_471 : memref<1x64xf32, #tpu.memory_space<vmem>>)
    %dma_wait3A_475 = arith.constant 1 : i32
    %dma_wait3A_476 = tpu.memref_slice %arg8[%dma_wait3A_475] : memref<10x!tpu.dma_semaphore, #tpu.memory_space<semaphore_mem>> -> memref<1x!tpu.dma_semaphore, #tpu.memory_space<semaphore_mem>>
    %dma_wait3A_477 = tpu.memref_squeeze %dma_wait3A_476 : memref<1x!tpu.dma_semaphore, #tpu.memory_space<semaphore_mem>> -> memref<!tpu.dma_semaphore, #tpu.memory_space<semaphore_mem>>
    %dma_wait3A_478 = arith.constant 1 : i32
    %dma_wait3A_479 = arith.constant 0 : i32
    %dma_wait3A_480 = tpu.memref_slice %arg4[%dma_wait3A_478, %dma_wait3A_479] : memref<10x64xf32, #tpu.memory_space<vmem>> -> memref<1x64xf32, #tpu.memory_space<vmem>>
    %dma_wait3A_481 = arith.constant 17 : i32
    %dma_wait3A_482 = arith.constant 0 : i32
    %dma_wait3A_483 = tpu.memref_slice %arg2[%dma_wait3A_481, %dma_wait3A_482] : memref<100000x64xf32, #tpu.memory_space<any>> -> memref<1x64xf32, #tpu.memory_space<any>>
    tpu.wait_dma2 semaphore(%dma_wait3A_477 : memref<!tpu.dma_semaphore, #tpu.memory_space<semaphore_mem>>) src(%dma_wait3A_483 : memref<1x64xf32, #tpu.memory_space<any>>) dst(%dma_wait3A_480 : memref<1x64xf32, #tpu.memory_space<vmem>>)
    %dma_wait3A_484 = arith.constant 2 : i32
    %dma_wait3A_485 = tpu.memref_slice %arg8[%dma_wait3A_484] : memref<10x!tpu.dma_semaphore, #tpu.memory_space<semaphore_mem>> -> memref<1x!tpu.dma_semaphore, #tpu.memory_space<semaphore_mem>>
    %dma_wait3A_486 = tpu.memref_squeeze %dma_wait3A_485 : memref<1x!tpu.dma_semaphore, #tpu.memory_space<semaphore_mem>> -> memref<!tpu.dma_semaphore, #tpu.memory_space<semaphore_mem>>
    %dma_wait3A_487 = arith.constant 2 : i32
    %dma_wait3A_488 = arith.constant 0 : i32
    %dma_wait3A_489 = tpu.memref_slice %arg4[%dma_wait3A_487, %dma_wait3A_488] : memref<10x64xf32, #tpu.memory_space<vmem>> -> memref<1x64xf32, #tpu.memory_space<vmem>>
    %dma_wait3A_490 = arith.constant 123 : i32
    %dma_wait3A_491 = arith.constant 0 : i32
    %dma_wait3A_492 = tpu.memref_slice %arg2[%dma_wait3A_490, %dma_wait3A_491] : memref<100000x64xf32, #tpu.memory_space<any>> -> memref<1x64xf32, #tpu.memory_space<any>>
    tpu.wait_dma2 semaphore(%dma_wait3A_486 : memref<!tpu.dma_semaphore, #tpu.memory_space<semaphore_mem>>) src(%dma_wait3A_492 : memref<1x64xf32, #tpu.memory_space<any>>) dst(%dma_wait3A_489 : memref<1x64xf32, #tpu.memory_space<vmem>>)
    %dma_wait3A_493 = arith.constant 3 : i32
    %dma_wait3A_494 = tpu.memref_slice %arg8[%dma_wait3A_493] : memref<10x!tpu.dma_semaphore, #tpu.memory_space<semaphore_mem>> -> memref<1x!tpu.dma_semaphore, #tpu.memory_space<semaphore_mem>>
    %dma_wait3A_495 = tpu.memref_squeeze %dma_wait3A_494 : memref<1x!tpu.dma_semaphore, #tpu.memory_space<semaphore_mem>> -> memref<!tpu.dma_semaphore, #tpu.memory_space<semaphore_mem>>
    %dma_wait3A_496 = arith.constant 3 : i32
    %dma_wait3A_497 = arith.constant 0 : i32
    %dma_wait3A_498 = tpu.memref_slice %arg4[%dma_wait3A_496, %dma_wait3A_497] : memref<10x64xf32, #tpu.memory_space<vmem>> -> memref<1x64xf32, #tpu.memory_space<vmem>>
    %dma_wait3A_499 = arith.constant 999 : i32
    %dma_wait3A_500 = arith.constant 0 : i32
    %dma_wait3A_501 = tpu.memref_slice %arg2[%dma_wait3A_499, %dma_wait3A_500] : memref<100000x64xf32, #tpu.memory_space<any>> -> memref<1x64xf32, #tpu.memory_space<any>>
    tpu.wait_dma2 semaphore(%dma_wait3A_495 : memref<!tpu.dma_semaphore, #tpu.memory_space<semaphore_mem>>) src(%dma_wait3A_501 : memref<1x64xf32, #tpu.memory_space<any>>) dst(%dma_wait3A_498 : memref<1x64xf32, #tpu.memory_space<vmem>>)
    %dma_wait3A_502 = arith.constant 4 : i32
    %dma_wait3A_503 = tpu.memref_slice %arg8[%dma_wait3A_502] : memref<10x!tpu.dma_semaphore, #tpu.memory_space<semaphore_mem>> -> memref<1x!tpu.dma_semaphore, #tpu.memory_space<semaphore_mem>>
    %dma_wait3A_504 = tpu.memref_squeeze %dma_wait3A_503 : memref<1x!tpu.dma_semaphore, #tpu.memory_space<semaphore_mem>> -> memref<!tpu.dma_semaphore, #tpu.memory_space<semaphore_mem>>
    %dma_wait3A_505 = arith.constant 4 : i32
    %dma_wait3A_506 = arith.constant 0 : i32
    %dma_wait3A_507 = tpu.memref_slice %arg4[%dma_wait3A_505, %dma_wait3A_506] : memref<10x64xf32, #tpu.memory_space<vmem>> -> memref<1x64xf32, #tpu.memory_space<vmem>>
    %dma_wait3A_508 = arith.constant 4242 : i32
    %dma_wait3A_509 = arith.constant 0 : i32
    %dma_wait3A_510 = tpu.memref_slice %arg2[%dma_wait3A_508, %dma_wait3A_509] : memref<100000x64xf32, #tpu.memory_space<any>> -> memref<1x64xf32, #tpu.memory_space<any>>
    tpu.wait_dma2 semaphore(%dma_wait3A_504 : memref<!tpu.dma_semaphore, #tpu.memory_space<semaphore_mem>>) src(%dma_wait3A_510 : memref<1x64xf32, #tpu.memory_space<any>>) dst(%dma_wait3A_507 : memref<1x64xf32, #tpu.memory_space<vmem>>)
    %dma_wait3A_511 = arith.constant 5 : i32
    %dma_wait3A_512 = tpu.memref_slice %arg8[%dma_wait3A_511] : memref<10x!tpu.dma_semaphore, #tpu.memory_space<semaphore_mem>> -> memref<1x!tpu.dma_semaphore, #tpu.memory_space<semaphore_mem>>
    %dma_wait3A_513 = tpu.memref_squeeze %dma_wait3A_512 : memref<1x!tpu.dma_semaphore, #tpu.memory_space<semaphore_mem>> -> memref<!tpu.dma_semaphore, #tpu.memory_space<semaphore_mem>>
    %dma_wait3A_514 = arith.constant 5 : i32
    %dma_wait3A_515 = arith.constant 0 : i32
    %dma_wait3A_516 = tpu.memref_slice %arg4[%dma_wait3A_514, %dma_wait3A_515] : memref<10x64xf32, #tpu.memory_space<vmem>> -> memref<1x64xf32, #tpu.memory_space<vmem>>
    %dma_wait3A_517 = arith.constant 10000 : i32
    %dma_wait3A_518 = arith.constant 0 : i32
    %dma_wait3A_519 = tpu.memref_slice %arg2[%dma_wait3A_517, %dma_wait3A_518] : memref<100000x64xf32, #tpu.memory_space<any>> -> memref<1x64xf32, #tpu.memory_space<any>>
    tpu.wait_dma2 semaphore(%dma_wait3A_513 : memref<!tpu.dma_semaphore, #tpu.memory_space<semaphore_mem>>) src(%dma_wait3A_519 : memref<1x64xf32, #tpu.memory_space<any>>) dst(%dma_wait3A_516 : memref<1x64xf32, #tpu.memory_space<vmem>>)
    %dma_wait3A_520 = arith.constant 6 : i32
    %dma_wait3A_521 = tpu.memref_slice %arg8[%dma_wait3A_520] : memref<10x!tpu.dma_semaphore, #tpu.memory_space<semaphore_mem>> -> memref<1x!tpu.dma_semaphore, #tpu.memory_space<semaphore_mem>>
    %dma_wait3A_522 = tpu.memref_squeeze %dma_wait3A_521 : memref<1x!tpu.dma_semaphore, #tpu.memory_space<semaphore_mem>> -> memref<!tpu.dma_semaphore, #tpu.memory_space<semaphore_mem>>
    %dma_wait3A_523 = arith.constant 6 : i32
    %dma_wait3A_524 = arith.constant 0 : i32
    %dma_wait3A_525 = tpu.memref_slice %arg4[%dma_wait3A_523, %dma_wait3A_524] : memref<10x64xf32, #tpu.memory_space<vmem>> -> memref<1x64xf32, #tpu.memory_space<vmem>>
    %dma_wait3A_526 = arith.constant 25000 : i32
    %dma_wait3A_527 = arith.constant 0 : i32
    %dma_wait3A_528 = tpu.memref_slice %arg2[%dma_wait3A_526, %dma_wait3A_527] : memref<100000x64xf32, #tpu.memory_space<any>> -> memref<1x64xf32, #tpu.memory_space<any>>
    tpu.wait_dma2 semaphore(%dma_wait3A_522 : memref<!tpu.dma_semaphore, #tpu.memory_space<semaphore_mem>>) src(%dma_wait3A_528 : memref<1x64xf32, #tpu.memory_space<any>>) dst(%dma_wait3A_525 : memref<1x64xf32, #tpu.memory_space<vmem>>)
    %dma_wait3A_529 = arith.constant 7 : i32
    %dma_wait3A_530 = tpu.memref_slice %arg8[%dma_wait3A_529] : memref<10x!tpu.dma_semaphore, #tpu.memory_space<semaphore_mem>> -> memref<1x!tpu.dma_semaphore, #tpu.memory_space<semaphore_mem>>
    %dma_wait3A_531 = tpu.memref_squeeze %dma_wait3A_530 : memref<1x!tpu.dma_semaphore, #tpu.memory_space<semaphore_mem>> -> memref<!tpu.dma_semaphore, #tpu.memory_space<semaphore_mem>>
    %dma_wait3A_532 = arith.constant 7 : i32
    %dma_wait3A_533 = arith.constant 0 : i32
    %dma_wait3A_534 = tpu.memref_slice %arg4[%dma_wait3A_532, %dma_wait3A_533] : memref<10x64xf32, #tpu.memory_space<vmem>> -> memref<1x64xf32, #tpu.memory_space<vmem>>
    %dma_wait3A_535 = arith.constant 50000 : i32
    %dma_wait3A_536 = arith.constant 0 : i32
    %dma_wait3A_537 = tpu.memref_slice %arg2[%dma_wait3A_535, %dma_wait3A_536] : memref<100000x64xf32, #tpu.memory_space<any>> -> memref<1x64xf32, #tpu.memory_space<any>>
    tpu.wait_dma2 semaphore(%dma_wait3A_531 : memref<!tpu.dma_semaphore, #tpu.memory_space<semaphore_mem>>) src(%dma_wait3A_537 : memref<1x64xf32, #tpu.memory_space<any>>) dst(%dma_wait3A_534 : memref<1x64xf32, #tpu.memory_space<vmem>>)
    %dma_wait3A_538 = arith.constant 8 : i32
    %dma_wait3A_539 = tpu.memref_slice %arg8[%dma_wait3A_538] : memref<10x!tpu.dma_semaphore, #tpu.memory_space<semaphore_mem>> -> memref<1x!tpu.dma_semaphore, #tpu.memory_space<semaphore_mem>>
    %dma_wait3A_540 = tpu.memref_squeeze %dma_wait3A_539 : memref<1x!tpu.dma_semaphore, #tpu.memory_space<semaphore_mem>> -> memref<!tpu.dma_semaphore, #tpu.memory_space<semaphore_mem>>
    %dma_wait3A_541 = arith.constant 8 : i32
    %dma_wait3A_542 = arith.constant 0 : i32
    %dma_wait3A_543 = tpu.memref_slice %arg4[%dma_wait3A_541, %dma_wait3A_542] : memref<10x64xf32, #tpu.memory_space<vmem>> -> memref<1x64xf32, #tpu.memory_space<vmem>>
    %dma_wait3A_544 = arith.constant 75000 : i32
    %dma_wait3A_545 = arith.constant 0 : i32
    %dma_wait3A_546 = tpu.memref_slice %arg2[%dma_wait3A_544, %dma_wait3A_545] : memref<100000x64xf32, #tpu.memory_space<any>> -> memref<1x64xf32, #tpu.memory_space<any>>
    tpu.wait_dma2 semaphore(%dma_wait3A_540 : memref<!tpu.dma_semaphore, #tpu.memory_space<semaphore_mem>>) src(%dma_wait3A_546 : memref<1x64xf32, #tpu.memory_space<any>>) dst(%dma_wait3A_543 : memref<1x64xf32, #tpu.memory_space<vmem>>)
    %dma_wait3A_547 = arith.constant 9 : i32
    %dma_wait3A_548 = tpu.memref_slice %arg8[%dma_wait3A_547] : memref<10x!tpu.dma_semaphore, #tpu.memory_space<semaphore_mem>> -> memref<1x!tpu.dma_semaphore, #tpu.memory_space<semaphore_mem>>
    %dma_wait3A_549 = tpu.memref_squeeze %dma_wait3A_548 : memref<1x!tpu.dma_semaphore, #tpu.memory_space<semaphore_mem>> -> memref<!tpu.dma_semaphore, #tpu.memory_space<semaphore_mem>>
    %dma_wait3A_550 = arith.constant 9 : i32
    %dma_wait3A_551 = arith.constant 0 : i32
    %dma_wait3A_552 = tpu.memref_slice %arg4[%dma_wait3A_550, %dma_wait3A_551] : memref<10x64xf32, #tpu.memory_space<vmem>> -> memref<1x64xf32, #tpu.memory_space<vmem>>
    %dma_wait3A_553 = arith.constant 99999 : i32
    %dma_wait3A_554 = arith.constant 0 : i32
    %dma_wait3A_555 = tpu.memref_slice %arg2[%dma_wait3A_553, %dma_wait3A_554] : memref<100000x64xf32, #tpu.memory_space<any>> -> memref<1x64xf32, #tpu.memory_space<any>>
    tpu.wait_dma2 semaphore(%dma_wait3A_549 : memref<!tpu.dma_semaphore, #tpu.memory_space<semaphore_mem>>) src(%dma_wait3A_555 : memref<1x64xf32, #tpu.memory_space<any>>) dst(%dma_wait3A_552 : memref<1x64xf32, #tpu.memory_space<vmem>>)
    %get3A_556 = arith.constant 0 : index
    %get3A_557 = arith.constant 0 : index
    %get3A_558 = vector.load %arg4[%get3A_556, %get3A_557] : memref<10x64xf32, #tpu.memory_space<vmem>>, vector<10x64xf32>
    %sub3A_559 = vector.broadcast %mul3A_465 : vector<1x64xf32> to vector<10x64xf32>
    %sub3A_560 = arith.subf %sub3A_559, %get3A_558 : vector<10x64xf32>
    %mul3A_561 = arith.constant 1.000000e+00 : f32
    %mul3A_562 = vector.broadcast %mul3A_561 : f32 to vector<10x64xf32>
    %mul3A_563 = arith.mulf %sub3A_560, %mul3A_562 : vector<10x64xf32>
    %swap3A_564 = arith.constant 40 : index
    %swap3A_565 = arith.constant 0 : index
    %swap3A_566 = vector.load %arg3[%swap3A_564, %swap3A_565] : memref<64x64xf32, #tpu.memory_space<vmem>>, vector<10x64xf32>
    tpu.vector_store %arg3[%swap3A_564, %swap3A_565], %mul3A_563 {strides = array<i32>} : memref<64x64xf32, #tpu.memory_space<vmem>>, vector<10x64xf32>,
    return
  }
}

</mosaic_0001>

<sc_bundles>
// kernel: kernel.5.cloned.1.call-start
scs
__scs_entry_jumppad:
0x0: {  	(pc) =	sbr.rel $0x88, $3  }
0x1: {  	(tag) =	ssettag $0x0;
	lr =	simm.s32 $0x1  }
0x2: {  	[smem:$0x3FA0] =	sst lr;
	_ =	strace $0xD0000000  }
0x3: {  	_ = 	snop  }
0x4: {  	_ = 	snop  }
0x5: {  	_ = 	snop  }
0x6: {  	_ = 	snop  }
0x7: {  	_ = 	snop  }
__scs_overlays_trampoline_lowered:
0x8: {  	[smem:$0x3FAF] =	sst s0  }
0x9: {  	[smem:$0x3FB0] =	sst s1  }
0xa: {  	[smem:$0x3FB1] =	sst s2  }
0xb: {  	[smem:$0x3FB2] =	sst s3  }
0xc: {  	[smem:$0x3FB3] =	sst s4  }
0xd: {  	[smem:$0x3FB4] =	sst s5  }
0xe: {  	[smem:$0x3FB5] =	sst s6  }
0xf: {  	[smem:$0x3FB6] =	sst s7  }
0x10: {  	[smem:$0x3FB7] =	sst s8  }
0x11: {  	[smem:$0x3FB8] =	sst s9;
	s0 =	simm.s32 @!p0 $0x0  }
0x12: {  	s1 =	sld [smem:$0x3F9E];
	s0 =	simm.s32 @p0 $0x1  }
0x13: {  	[smem:$0x3FB9] =	sst s0;
	s0 =	simm.s32 @!p1 $0x0  }
0x14: {  	s2 =	sld [smem:$0x3F9D];
	s0 =	simm.s32 @p1 $0x1  }
0x15: {  	[smem:$0x3FBA] =	sst s0;
	s0 =	simm.s32 @!p2 $0x0  }
0x16: {  	s3 =	sld [smem:$0x3FDB];
	s0 =	simm.s32 @p2 $0x1  }
0x17: {  	s4 =	simm.s32 $0x1BF5;
	[smem:$0x3FBC] =	sst s0  }
0x18: {  	s0 =	sld [smem:$0x3F9F];
	_ =	swait.ge [sflag:s4], $0x0  }
0x19: {  	s7 =	sld [smem:$0x3FA0]  }
0x1a: {  	s8 =	sadd.s32 $0xFFFFE003, lr  }
0x1b: {  	s9 =	sadd.s32 $0xFFFFFEF7, lr;
	s5 =	simm.s32 $0xFFFFFFFF;
	p2 =	slt.u32 s8, $0xFFFFF086  }
0x1c: {  	p1 =	slt.u32 s9, $0xF7A;
	s5 =	simm.s32 @!p2 $0x0  }
0x1d: {  	s5 =	simm.s32 @p1 $0x1;
	p0 =	seq.s32 s7, s2  }
0x1e: {  	s7 =	smul.u32 @!p0 $0xF7A, s2;
	p2 =	seq.s32 @!p0 s5, $0x0  }
0x1f: {  	s9 =	smul.u32 $0xF7A, s1;
	s8 =	simm.s32 @!p0 $0x1BF5;
	p2 =	por !p2, p0  }
0x20: {  	[sflag:s8] =	ssyncset.s32 @!p0 $0xFFFFF086;
	s6 =	sadd.s32 @!p0 s3, s7;
	s7 =	simm.s32 @!p0 $0x108  }
0x21: {  	s3 =	sadd.s32 s3, s9;
	s6 =	sadd.s32 @!p0 $0x88, s6;
	s7 =	simm.s32 @p2 $0x1082  }
0x22: {  	[simem:s7], [sflag:s8] =	dma.local @!p0 [hbm:s6], $0xF7A  }
0x23: {  	s9 =	sor.u32 $0xD0000000, s2;
	s6 =	simm.s32 $0x108;
	_ =	swait.ge @!p0 [sflag:s8], $0x0  }
0x24: {  	s3 =	sadd.s32 $0x88, s3;
	s6 =	simm.s32 @!p1 $0x1082;
	[sflag:s4] =	ssyncset.s32 $0xFFFFF086  }
0x25: {  	[simem:s6], [sflag:s4] =	dma.local [hbm:s3], $0xF7A  }
0x26: {  	[smem:$0x3FA0] =	sst s1;
	(tag) =	ssettag s2;
	_ =	strace s9  }
0x27: {  	s1 =	sld [smem:$0x3FB0]  }
0x28: {  	s2 =	sld [smem:$0x3FB1]  }
0x29: {  	s4 =	sld [smem:$0x3FB3]  }
0x2a: {  	p0 =	seq.s32 s5, $0x0;
	s5 =	sld [smem:$0x3FB4]  }
0x2b: {  	s6 =	sld [smem:$0x3FB5]  }
0x2c: {  	s7 =	sld [smem:$0x3FB6]  }
0x2d: {  	s3 =	simm.s32 $0x108;
	s8 =	sld [smem:$0x3FB7]  }
0x2e: {  	s3 =	simm.s32 @!p0 $0x1082;
	s9 =	sld [smem:$0x3FB8]  }
0x2f: {  	lr =	sadd.s32 s0, s3;
	s0 =	sld [smem:$0x3FAF]  }
0x30: {  	s3 =	sld [smem:$0x3FB2]  }
0x31: {  	[smem:$0x3FBB] =	sst s10  }
0x32: {  	s10 =	sld [smem:$0x3FB9];
	_ =	sdelay $0x3  }
0x33: {  	p0 =	seq.s32 s10, $0x1;
	s10 =	sld [smem:$0x3FBB];
	_ =	sdelay $0x3  }
0x34: {  	[smem:$0x3FBB] =	sst s10  }
0x35: {  	s10 =	sld [smem:$0x3FBA];
	_ =	sdelay $0x3  }
0x36: {  	p1 =	seq.s32 s10, $0x1;
	s10 =	sld [smem:$0x3FBB];
	_ =	sdelay $0x3  }
0x37: {  	[smem:$0x3FBB] =	sst s10  }
0x38: {  	s10 =	sld [smem:$0x3FBC]  }
0x39: {  	_ = 	snop;
	(pc) =	sbr.ind lr, $3  }
0x3a: {  	_ = 	snop  }
0x3b: {  	_ = 	snop  }
0x3c: {  	p2 =	seq.s32 s10, $0x1;
	s10 =	sld [smem:$0x3FBB]  }
0x3d: {  	_ =	shalt  }
0x3e: {  	_ =	shalt  }
0x3f: {  	_ =	shalt  }
0x40: {  	_ =	shalt  }
0x41: {  	_ =	shalt  }
0x42: {  	_ =	shalt  }
0x43: {  	_ =	shalt  }
0x44: {  	_ =	shalt  }
0x45: {  	_ =	shalt  }
0x46: {  	_ =	shalt  }
0x47: {  	_ =	shalt  }
0x48: {  	_ =	shalt  }
0x49: {  	_ =	shalt  }
0x4a: {  	_ =	shalt  }
0x4b: {  	_ =	shalt  }
0x4c: {  	_ =	shalt  }
0x4d: {  	_ =	shalt  }
0x4e: {  	_ =	shalt  }
0x4f: {  	_ =	shalt  }
0x50: {  	_ =	shalt  }
0x51: {  	_ =	shalt  }
0x52: {  	_ =	shalt  }
0x53: {  	_ =	shalt  }
0x54: {  	_ =	shalt  }
0x55: {  	_ =	shalt  }
0x56: {  	_ =	shalt  }
0x57: {  	_ =	shalt  }
0x58: {  	_ =	shalt  }
0x59: {  	_ =	shalt  }
0x5a: {  	_ =	shalt  }
0x5b: {  	_ =	shalt  }
0x5c: {  	_ =	shalt  }
0x5d: {  	_ =	shalt  }
0x5e: {  	_ =	shalt  }
0x5f: {  	_ =	shalt  }
0x60: {  	_ =	shalt  }
0x61: {  	_ =	shalt  }
0x62: {  	_ =	shalt  }
0x63: {  	_ =	shalt  }
0x64: {  	_ =	shalt  }
0x65: {  	_ =	shalt  }
0x66: {  	_ =	shalt  }
0x67: {  	_ =	shalt  }
0x68: {  	_ =	shalt  }
0x69: {  	_ =	shalt  }
0x6a: {  	_ =	shalt  }
0x6b: {  	_ =	shalt  }
0x6c: {  	_ =	shalt  }
0x6d: {  	_ =	shalt  }
0x6e: {  	_ =	shalt  }
0x6f: {  	_ =	shalt  }
0x70: {  	_ =	shalt  }
0x71: {  	_ =	shalt  }
0x72: {  	_ =	shalt  }
0x73: {  	_ =	shalt  }
0x74: {  	_ =	shalt  }
0x75: {  	_ =	shalt  }
0x76: {  	_ =	shalt  }
0x77: {  	_ =	shalt  }
0x78: {  	_ =	shalt  }
0x79: {  	_ =	shalt  }
0x7a: {  	_ =	shalt  }
0x7b: {  	_ =	shalt  }
0x7c: {  	_ =	shalt  }
0x7d: {  	_ =	shalt  }
0x7e: {  	_ =	shalt  }
0x7f: {  	_ =	shalt  }
0x80: {  	_ =	shalt  }
0x81: {  	_ =	shalt  }
0x82: {  	_ =	shalt  }
0x83: {  	_ =	shalt  }
0x84: {  	_ =	shalt  }
0x85: {  	_ =	shalt  }
0x86: {  	_ =	shalt  }
0x87: {  	_ =	shalt  }
.Lfunc_end0:
.L_simem_size_0:
called_computation_lowered:
.L_overlay_start_0:
0x88: {  	s2 =	sld [smem:$0x3FD9]  }
0x89: {  	s3 =	sld [smem:$0x3FFE];
	_ =	sdelay $0x1  }
0x8a: {  	s1 =	srdreg.scid  }
0x8b: {  	s0 =	sand.u32 $0x1, s1  }
0x8c: {  	s16 =	sshll.u32 s0, $0xA;
	s2 =	sadd.s32 s3, s2  }
0x8d: {  	s2 =	sadd.s32 s2, s16  }
0x8e: {  	[smem:$0x3FC7] =	sst s2  }
0x8f: {  	_ = 	snop  }
0x90: {  	(tm) =	ssettm $0x1  }
0x91: {  	s17 =	sld [smem:$0x3FFB];
	_ =	sdelay $0x3  }
0x92: {  	_ =	strace s17  }
0x93: {  	s2 =	sld [smem:$0x3FFC];
	_ =	sdelay $0x3  }
0x94: {  	_ =	strace s2  }
0x95: {  	s2 =	sld [smem:$0x3FFD];
	_ =	sdelay $0x3  }
0x96: {  	_ =	strace s2  }
0x97: {  	_ =	strace $0x8FFFFFFF  }
0x98: {  	s18 =	sld [smem:$0x3FDB];
	_ =	sdelay $0x1  }
0x99: {  	s19 =	simm.s32 $_scs_section_size  }
0x9a: {  	s4 =	simm.s32 $_size__tile_overlayer_lowered;
	s5 =	simm.s32 $_tile_overlayer_lowered  }
0x9b: {  	s22 =	simm.s32 $0x1BFF;
	s21 =	sshll.u32 s5, $0x1;
	s2 =	sadd.s32 s19, s18  }
0x9c: {  	s6 =	simm.s32 $0x0;
	s20 =	sshll.u32 s4, $0x1;
	s4 =	sadd.s32 s21, s2  }
0x9d: {  	[timem:s6], [sflag:s22] =	dma.local [hbm:s4], s20  }
0x9e: {  	_ =	swait.ge [sflag:s22], s20  }
0x9f: {  	s3 =	ssub.s32 $0x0, s20;
	[sflag:s22] =	ssyncset.done $0x0  }
0xa0: {  	[sflag:s22] =	ssyncadd.s32 s3;
	_ =	sdelay $0x1  }
0xa1: {  	s23 =	simm.s32 $0x1B8B  }
0xa2: {  	_ =	swait.ge [sflag:s23], $0x1  }
0xa3: {  	[sflag:s23] =	ssyncset.done $0x0  }
0xa4: {  	s25 =	simm.s32 $0x1B8E;
	s24 =	sld [smem:$0x3FFE];
	[sflag:s23] =	ssyncadd.s32 $0xFFFFFFFF  }
0xa5: {  	s26 =	simm.s32 $execute0_lowered;
	[smem:$0x3FD2] =	sst s25  }
0xa6: {  	s4 =	sshll.u32 s26, $0x1;
	_ =	strace $0x80000046;
	[dreg:$0x1] =	wrdreg $0xFFFFFFFF  }
0xa7: {  	s28 =	simm.s32 $_size_execute0_lowered;
	s2 =	sadd.s32 s2, s4;
	[dreg:$0x0] =	wrdreg $0x0  }
0xa8: {  	s4 =	sshll.u32 s28, $0x1;
	[dreg:$0x2] =	wrdreg s2  }
0xa9: {  	[dreg:$0x3] =	wrdreg s4  }
0xaa: {  	[dreg:$0x4] =	wrdreg $0xC0  }
0xab: {  	_ =	task [dreg:s6], $0x5FFFF  }
0xac: {  	[dreg:$0x1] =	wrdreg $0xFFFFFFFF  }
0xad: {  	[dreg:$0x0] =	wrdreg $0x60  }
0xae: {  	[dreg:$0x2] =	wrdreg s24  }
0xaf: {  	[dreg:$0x3] =	wrdreg $0x9  }
0xb0: {  	_ =	task.clear_ibuf [dreg:s6], $0x4FFFF;
	_ =	strace $0x90000046  }
0xb1: {  	s29 =	simm.s32 $0x9;
	_ =	strace $0x80000048  }
0xb2: {  	_ =	swait.ge [sflag:s29], $0x1  }
0xb3: {  	[sflag:s29] =	ssyncadd.s32 $0xFFFFFFFF  }
0xb4: {  	_ =	strace $0x90000048  }
0xb5: {  	_ =	sfence  }
0xb6: {  	s30 =	sld [smem:$0x0];
	_ =	sdelay $0x2  }
0xb7: {  	s31 =	sshll.u32 s1, $0xD;
	s1 =	sshrl.u32 s1, $0x2  }
0xb8: {  	s3 =	sand.u32 $0x4000, s31;
	s1 =	sadd.s32 s1, s30  }
0xb9: {  	s0 =	sor.u32 s3, s0;
	s1 =	sshll.u32 s1, $0x11  }
0xba: {  	s0 =	sor.u32 s1, s0  }
0xbb: {  	s0 =	sadd.s32 $0x8F2B, s0  }
0xbc: {  	[sflag:s0] =	ssyncadd.remote.s32 $0x1  }
0xbd: {  	_ =	sfence.sel $0xFFFF  }
0xbe: {  	[dreg:$0x0] =	wrdreg $0xFFFFFFFF;
	(pc) =	sbr.abs _section_cstart, $3  }
0xbf: {  	[dreg:$0x1] =	wrdreg $0xFFFFFFFF  }
0xc0: {  	_ =	task.clear_ibuf [dreg:s6], $0x2FFFF;
	_ =	strace $0x9FFFFFFF  }
0xc1: {  	(tm) =	ssettm $0x7FFFFFFF  }
tec
execute0_lowered:
.L_overlay_start_1:
0x0: {  	(tag) =	ssettag $0x1  }
0x1: {  	v0 =	vlaneseq.u32  }
0x2: {  	v1 =	vand.u32 $0x1, v0  }
0x3: {  	v61 =	vmul.u32 $0x40, v0;
	v0 =	vmul.u32 $0x40, v1;
	_ =	sdelay $0x1  }
0x4: {  	v62 =	vor.u32 $0xFFFFFF80, v0;
	v0 =	vor.u32 $0x6, v61  }
0x5: {  	[tilespmem:$0x1FC10] =	vst v0;
	v0 =	vor.u32 $0x7, v61  }
0x6: {  	[tilespmem:$0x1FC20] =	vst v0;
	v0 =	vor.u32 $0xB, v61  }
0x7: {  	[tilespmem:$0x1FC30] =	vst v0;
	v0 =	vor.u32 $0xC, v61  }
0x8: {  	[tilespmem:$0x1FC40] =	vst v0;
	v0 =	vor.u32 $0xD, v61  }
0x9: {  	[tilespmem:$0x1FC50] =	vst v0;
	v0 =	vor.u32 $0xE, v61  }
0xa: {  	s5 =	rddreg [dreg:$0x0];
	s2 =	simm.s32 $0x0;
	[tilespmem:$0x1FC60] =	vst v0;
	v0 =	vor.u32 $0xF, v61  }
0xb: {  	s1 =	srdreg.scid;
	[smem:$0x7FF] =	sst s2;
	[tilespmem:$0x1FC70] =	vst v0  }
0xc: {  	s4 =	sand.u32 $0x1, s1;
	s1 =	rddreg [dreg:$0x1];
	_ =	strace $0x80000047;
	[tilespmem:$0x1FC80] =	vst v61  }
0xd: {  	v63 =	vor.u32 $0x1, v61;
	[tilespmem:$0x1FC90] =	vst v62  }
0xe: {  	v0 =	vor.u32 $0x38, v61;
	[tilespmem:$0x1FCA0] =	vst v63  }
0xf: {  	v1 =	vor.u32 $0x39, v61;
	[tilespmem:$0x1FCB0] =	vst v0  }
0x10: {  	v2 =	vor.u32 $0x3A, v61;
	[tilespmem:$0x1FCC0] =	vst v1  }
0x11: {  	v4 =	vor.u32 $0x3B, v61;
	[tilespmem:$0x1FCD0] =	vst v2  }
0x12: {  	v5 =	vor.u32 $0x3C, v61;
	[tilespmem:$0x1FCE0] =	vst v4  }
0x13: {  	v9 =	vor.u32 $0x3D, v61;
	[tilespmem:$0x1FCF0] =	vst v5  }
0x14: {  	v6 =	vor.u32 $0x30, v61;
	[tilespmem:$0x1FD00] =	vst v9  }
0x15: {  	v10 =	vor.u32 $0x31, v61;
	[tilespmem:$0x1FD10] =	vst v6  }
0x16: {  	v11 =	vor.u32 $0x32, v61;
	[tilespmem:$0x1FD20] =	vst v10  }
0x17: {  	v12 =	vor.u32 $0x33, v61;
	[tilespmem:$0x1FD30] =	vst v11  }
0x18: {  	v13 =	vor.u32 $0x34, v61;
	[tilespmem:$0x1FD40] =	vst v12  }
0x19: {  	v15 =	vor.u32 $0x28, v61;
	[tilespmem:$0x1FD50] =	vst v13  }
0x1a: {  	v16 =	vor.u32 $0x29, v61;
	[tilespmem:$0x1FD60] =	vst v15  }
0x1b: {  	v17 =	vor.u32 $0x2A, v61;
	[tilespmem:$0x1FD70] =	vst v16  }
0x1c: {  	v20 =	vor.u32 $0x35, v61;
	[tilespmem:$0x1FD80] =	vst v17  }
0x1d: {  	v18 =	vor.u32 $0x2B, v61;
	[tilespmem:$0x1FD90] =	vst v20  }
0x1e: {  	v19 =	vor.u32 $0x2C, v61;
	[tilespmem:$0x1FDA0] =	vst v18  }
0x1f: {  	v21 =	vor.u32 $0x2D, v61;
	[tilespmem:$0x1FDB0] =	vst v19  }
0x20: {  	v7 =	vor.u32 $0x20, v61;
	[tilespmem:$0x1FDC0] =	vst v21  }
0x21: {  	v22 =	vor.u32 $0x21, v61;
	[tilespmem:$0x1FDD0] =	vst v7  }
0x22: {  	v24 =	vor.u32 $0x22, v61;
	[tilespmem:$0x1FDE0] =	vst v22  }
0x23: {  	v26 =	vor.u32 $0x23, v61;
	[tilespmem:$0x1FDF0] =	vst v24  }
0x24: {  	v29 =	vor.u32 $0x36, v61;
	[tilespmem:$0x1FE00] =	vst v26  }
0x25: {  	v28 =	vor.u32 $0x24, v61;
	[tilespmem:$0x1FE10] =	vst v29  }
0x26: {  	v31 =	vor.u32 $0x2E, v61;
	[tilespmem:$0x1FE20] =	vst v28  }
0x27: {  	v30 =	vor.u32 $0x25, v61;
	[tilespmem:$0x1FE30] =	vst v31  }
0x28: {  	v32 =	vor.u32 $0x26, v61;
	[tilespmem:$0x1FE40] =	vst v30  }
0x29: {  	v55 =	vor.u32 $0x18, v61;
	[tilespmem:$0x1FE50] =	vst v32  }
0x2a: {  	v33 =	vor.u32 $0x19, v61;
	[tilespmem:$0x1FE60] =	vst v55  }
0x2b: {  	v34 =	vor.u32 $0x1A, v61;
	[tilespmem:$0x1FE70] =	vst v33  }
0x2c: {  	v35 =	vor.u32 $0x1B, v61;
	[tilespmem:$0x1FE80] =	vst v34  }
0x2d: {  	v39 =	vor.u32 $0x27, v61;
	[tilespmem:$0x1FE90] =	vst v35  }
0x2e: {  	v37 =	vor.u32 $0x1C, v61;
	[tilespmem:$0x1FEA0] =	vst v39  }
0x2f: {  	v38 =	vor.u32 $0x1D, v61;
	[tilespmem:$0x1FEB0] =	vst v37  }
0x30: {  	v40 =	vor.u32 $0x1E, v61;
	[tilespmem:$0x1FEC0] =	vst v38  }
0x31: {  	v46 =	vor.u32 $0x2F, v61;
	[tilespmem:$0x1FED0] =	vst v40  }
0x32: {  	v36 =	vor.u32 $0x8, v61;
	[tilespmem:$0x1FEE0] =	vst v46  }
0x33: {  	v44 =	vor.u32 $0x1F, v61;
	[tilespmem:$0x1FEF0] =	vst v36  }
0x34: {  	v52 =	vor.u32 $0x37, v61;
	[tilespmem:$0x1FF00] =	vst v44  }
0x35: {  	v41 =	vor.u32 $0x10, v61;
	[tilespmem:$0x1FF10] =	vst v52  }
0x36: {  	v43 =	vor.u32 $0x11, v61;
	[tilespmem:$0x1FF20] =	vst v41  }
0x37: {  	v42 =	vor.u32 $0x9, v61;
	[tilespmem:$0x1FF30] =	vst v43  }
0x38: {  	v45 =	vor.u32 $0x12, v61;
	[tilespmem:$0x1FF40] =	vst v42  }
0x39: {  	v47 =	vor.u32 $0x13, v61;
	[tilespmem:$0x1FF50] =	vst v45  }
0x3a: {  	s0 =	stileid.u32;
	v48 =	vor.u32 $0x14, v61;
	[tilespmem:$0x1FF60] =	vst v47  }
0x3b: {  	s30 =	sshll.u32 s0, $0x1;
	v49 =	vor.u32 $0x15, v61;
	[tilespmem:$0x1FF70] =	vst v48  }
0x3c: {  	s9 =	simm.s32 $0x1;
	s3 =	sor.u32 s4, s30;
	v50 =	vor.u32 $0x16, v61;
	[tilespmem:$0x1FF80] =	vst v49  }
0x3d: {  	s10 =	simm.s32 $0x12800;
	s11 =	simm.s32 $0x2;
	v51 =	vor.u32 $0x17, v61;
	s6 =	smul.u32 $0x12800, s3;
	[tilespmem:$0x1FF90] =	vst v50  }
0x3e: {  	s12 =	simm.s32 $0x12A80;
	s13 =	simm.s32 $0x3;
	v56 =	vor.u32 $0xA, v61;
	s3 =	smul.u32 $0x4A0, s3;
	[tilespmem:$0x1FFA0] =	vst v51  }
0x3f: {  	s14 =	simm.s32 $0x4;
	s15 =	simm.s32 $0x0;
	v57 =	vor.u32 $0x2, v61;
	s6 =	sshrl.u32 s6, $0x3;
	[tilespmem:$0x1FFB0] =	vst v56  }
0x40: {  	s8 =	ssub.s32 $0x2, s4;
	v58 =	vor.u32 $0x3, v61;
	s7 =	sshrl.u32 s3, $0x3;
	s6 =	sadd.s32 s6, s5;
	[tilespmem:$0x1FFC0] =	vst v57  }
0x41: {  	v59 =	vor.u32 $0x4, v61;
	s31 =	sshrl.u32 s8, $0x1;
	s7 =	sadd.s32 s7, s5;
	s3 =	sadd.s32 $0x200700, s6;
	[tilespmem:$0x1FFD0] =	vst v58  }
0x42: {  	v60 =	vor.u32 $0x5, v61;
	s8 =	ssub.s32 s8, s31;
	s4 =	sadd.s32 $0x201980, s6;
	s5 =	sadd.s32 $0x24A800, s7;
	[tilespmem:$0x1FFE0] =	vst v59  }
0x43: {  	s6 =	sadd.s32 $0x24A84A, s7;
	s7 =	smax.u32 s8, $0x1;
	s8 =	simm.s32 $0x9400;
	[tilespmem:$0x1FFF0] =	vst v60  }
.LBB2_1:
0x44: {  	[tilespmem:s2], [sflag:$0x1] =	stream.linear.gather [hbm4b:s3+s2], $0x9400, $0x38;
	[tilespmem:$0x12D00] =	vst v63  }
0x45: {  	v0 =	vor.u32 s2, v0  }
0x46: {  	v1 =	vor.u32 s2, v1;
	[tilespmem:s8], [sflag:$0x2] =	stream.linear.gather [hbm4b:s4+s2], $0x9400, $0x38;
	[tilespmem:$0x12D00] =	vst v63  }
0x47: {  	v2 =	vor.u32 s2, v2;
	_ =	swait.ge [sflag:s9], $0x9400  }
0x48: {  	v3 =	vor.u32 s2, v4;
	[sflag:s9] =	ssyncset.done $0x0  }
0x49: {  	v4 =	vor.u32 s2, v5;
	[sflag:s9] =	ssyncadd.s32 $0xFFFF6C00  }
0x4a: {  	v6 =	vor.u32 s2, v6;
	v5 =	vld.idx.msk [tilespmem:v0+s2+$0x0], $0xffff  }
0x4b: {  	v53 =	vor.u32 s2, v10;
	v0 =	vor.u32 s2, v9;
	v9 =	vld.idx.msk [tilespmem:v1+s2+$0x0], $0xffff  }
0x4c: {  	v54 =	vor.u32 s2, v11;
	v10 =	vld.idx.msk [tilespmem:v2+s2+$0x0], $0xffff  }
0x4d: {  	v22 =	vor.u32 s2, v22;
	v11 =	vld.idx.msk [tilespmem:v3+s2+$0x0], $0xffff  }
0x4e: {  	v24 =	vor.u32 s2, v24;
	v3 =	vor.u32 s2, v12;
	v12 =	vld.idx.msk [tilespmem:v4+s2+$0x0], $0xffff  }
0x4f: {  	v26 =	vor.u32 s2, v26;
	v14 =	vld.idx.msk [tilespmem:v6+s2+$0x0], $0xffff  }
0x50: {  	v28 =	vor.u32 s2, v28;
	v6 =	vor.u32 s2, v15;
	v15 =	vld.idx.msk [tilespmem:v53+s2+$0x0], $0xffff  }
0x51: {  	v36 =	vor.u32 s2, v36;
	v53 =	vor.u32 s2, v16;
	v16 =	vld.idx.msk [tilespmem:v54+s2+$0x0], $0xffff  }
0x52: {  	v41 =	vor.u32 s2, v41;
	v22 =	vld.idx.msk [tilespmem:v22+s2+$0x0], $0xffff  }
0x53: {  	v43 =	vor.u32 s2, v43;
	v24 =	vld.idx.msk [tilespmem:v24+s2+$0x0], $0xffff  }
0x54: {  	v33 =	vor.u32 s2, v33;
	v26 =	vld.idx.msk [tilespmem:v26+s2+$0x0], $0xffff  }
0x55: {  	v34 =	vor.u32 s2, v34;
	v28 =	vld.idx.msk [tilespmem:v28+s2+$0x0], $0xffff  }
0x56: {  	v35 =	vor.u32 s2, v35;
	v36 =	vld.idx.msk [tilespmem:v36+s2+$0x0], $0xffff  }
0x57: {  	v45 =	vor.u32 s2, v45;
	v41 =	vld.idx.msk [tilespmem:v41+s2+$0x0], $0xffff  }
0x58: {  	v47 =	vor.u32 s2, v47;
	v43 =	vld.idx.msk [tilespmem:v43+s2+$0x0], $0xffff  }
0x59: {  	v37 =	vor.u32 s2, v37;
	v33 =	vld.idx.msk [tilespmem:v33+s2+$0x0], $0xffff  }
0x5a: {  	v38 =	vor.u32 s2, v38;
	v34 =	vld.idx.msk [tilespmem:v34+s2+$0x0], $0xffff  }
0x5b: {  	v48 =	vor.u32 s2, v48;
	v35 =	vld.idx.msk [tilespmem:v35+s2+$0x0], $0xffff  }
0x5c: {  	v49 =	vor.u32 s2, v49;
	v45 =	vld.idx.msk [tilespmem:v45+s2+$0x0], $0xffff  }
0x5d: {  	v8 =	vor.u32 s2, v32;
	v47 =	vld.idx.msk [tilespmem:v47+s2+$0x0], $0xffff  }
0x5e: {  	v37 =	vld.idx.msk [tilespmem:v37+s2+$0x0], $0xffff  }
0x5f: {  	v38 =	vld.idx.msk [tilespmem:v38+s2+$0x0], $0xffff  }
0x60: {  	v4 =	vor.u32 s2, v13;
	v48 =	vld.idx.msk [tilespmem:v48+s2+$0x0], $0xffff  }
0x61: {  	v49 =	vld.idx.msk [tilespmem:v49+s2+$0x0], $0xffff  }
0x62: {  	v8 =	vld.idx.msk [tilespmem:v8+s2+$0x0], $0xffff  }
0x63: {  	v54 =	vor.u32 s2, v17;
	v13 =	vld.idx.msk [tilespmem:v0+s2+$0x0], $0xffff  }
0x64: {  	v0 =	vor.u32 s2, v20;
	v17 =	vld.idx.msk [tilespmem:v3+s2+$0x0], $0xffff  }
0x65: {  	v3 =	vor.u32 s2, v18;
	v18 =	vld.idx.msk [tilespmem:v4+s2+$0x0], $0xffff  }
0x66: {  	v4 =	vor.u32 s2, v19;
	v20 =	vld.idx.msk [tilespmem:v6+s2+$0x0], $0xffff  }
0x67: {  	v6 =	vor.u32 s2, v21;
	v21 =	vld.idx.msk [tilespmem:v53+s2+$0x0], $0xffff  }
0x68: {  	v7 =	vor.u32 s2, v7;
	v23 =	vld.idx.msk [tilespmem:v54+s2+$0x0], $0xffff  }
0x69: {  	v53 =	vor.u32 s2, v29;
	v54 =	vor.u32 s2, v52;
	v52 =	vor.u32 s2, v61;
	v19 =	vld.idx.msk [tilespmem:v0+s2+$0x0], $0xffff  }
0x6a: {  	[tilespmem:$0x1FB70] =	vst v53;
	v32 =	vand.u32 v62, v52;
	v53 =	vor.u32 s2, v57;
	v25 =	vld.idx.msk [tilespmem:v3+s2+$0x0], $0xffff  }
0x6b: {  	v52 =	vmul.f32 v5, v5;
	v5 =	vmul.f32 v12, v12;
	v12 =	vor.u32 s2, v56;
	v27 =	vld.idx.msk [tilespmem:v4+s2+$0x0], $0xffff  }
0x6c: {  	v29 =	vld.idx.msk [tilespmem:v6+s2+$0x0], $0xffff  }
0x6d: {  	v6 =	vor.u32 s2, v30;
	v30 =	vld.idx.msk [tilespmem:v7+s2+$0x0], $0xffff  }
0x6e: {  	v7 =	vor.u32 s2, v39;
	v39 =	vor.u32 s2, v63;
	v0 =	vld [tilespmem:$0x1FC30]  }
0x6f: {  	v42 =	vor.u32 s2, v42;
	[tilespmem:$0x1FB80] =	vst v54;
	v54 =	vmul.f32 v9, v9;
	v9 =	vmul.f32 v18, v18;
	v18 =	vld.idx.msk [tilespmem:v53+s2+$0x0], $0xffff  }
0x70: {  	v4 =	vor.u32 s2, v31;
	v31 =	vor.u32 s2, v55;
	v12 =	vld.idx.msk [tilespmem:v12+s2+$0x0], $0xffff  }
0x71: {  	v46 =	vor.u32 s2, v46;
	v32 =	vld.idx.msk [tilespmem:v32+s2+$0x0], $0xffff  }
0x72: {  	[tilespmem:$0x1FB60] =	vst v46;
	v46 =	vld.idx.msk [tilespmem:v6+s2+$0x0], $0xffff  }
0x73: {  	v3 =	vmul.f32 v10, v10;
	v10 =	vld.idx.msk [tilespmem:v39+s2+$0x0], $0xffff  }
0x74: {  	v39 =	vld.idx.msk [tilespmem:v42+s2+$0x0], $0xffff;
	v6 =	vmul.f32 v13, v13;
	v13 =	vmul.f32 v14, v14  }
0x75: {  	v42 =	vor.u32 s2, v58;
	v14 =	vld.idx.msk [tilespmem:v31+s2+$0x0], $0xffff;
	v18 =	vmul.f32 v18, v18;
	v12 =	vmul.f32 v12, v12  }
0x76: {  	v0 =	vor.u32 s2, v0;
	v7 =	vld.idx.msk [tilespmem:v7+s2+$0x0], $0xffff  }
0x77: {  	v45 =	vmul.f32 v45, v45;
	v4 =	vld.idx.msk [tilespmem:v4+s2+$0x0], $0xffff;
	v12 =	vadd.f32 v12, v18  }
0x78: {  	v31 =	vor.u32 s2, v59;
	v18 =	vld [tilespmem:$0x1FC60]  }
0x79: {  	v34 =	vmul.f32 v34, v34;
	v53 =	vmul.f32 v10, v10;
	v10 =	vld [tilespmem:$0x1FC10];
	v12 =	vadd.f32 v45, v12  }
0x7a: {  	v50 =	vor.u32 s2, v50;
	v16 =	vmul.f32 v16, v16;
	v39 =	vmul.f32 v39, v39;
	v42 =	vld.idx.msk [tilespmem:v42+s2+$0x0], $0xffff  }
0x7b: {  	v36 =	vmul.f32 v36, v36;
	v24 =	vmul.f32 v24, v24;
	v0 =	vld.idx.msk [tilespmem:v0+s2+$0x0], $0xffff;
	v12 =	vadd.f32 v34, v12  }
0x7c: {  	v43 =	vmul.f32 v43, v43;
	v22 =	vmul.f32 v22, v22;
	v39 =	vadd.f32 v39, v53;
	v53 =	vld [tilespmem:$0x1FC20]  }
0x7d: {  	v23 =	vmul.f32 v23, v23;
	v31 =	vld.idx.msk [tilespmem:v31+s2+$0x0], $0xffff;
	v18 =	vor.u32 s2, v18;
	v12 =	vadd.f32 v24, v12  }
0x7e: {  	v40 =	vor.u32 s2, v40;
	v32 =	vmul.f32 v32, v32;
	v24 =	vmul.f32 v38, v38;
	v38 =	vld [tilespmem:$0x1FD20]  }
0x7f: {  	v33 =	vmul.f32 v33, v33;
	v56 =	vor.u32 s2, v60;
	v12 =	vadd.f32 v23, v12;
	v23 =	vld.idx.msk [tilespmem:v50+s2+$0x0], $0xffff  }
0x80: {  	v32 =	vadd.f32 v36, v32;
	v39 =	vadd.f32 v43, v39;
	v36 =	vor.u32 s2, v10;
	v50 =	vld [tilespmem:$0x1FB60]  }
0x81: {  	v10 =	vmul.f32 v19, v19;
	v19 =	vmul.f32 v41, v41;
	v41 =	vor.u32 s2, v53;
	v53 =	vld [tilespmem:$0x1FC40]  }
0x82: {  	v42 =	vmul.f32 v42, v42;
	v0 =	vmul.f32 v0, v0;
	v33 =	vadd.f32 v33, v39;
	v18 =	vld.idx.msk [tilespmem:v18+s2+$0x0], $0xffff  }
0x83: {  	v14 =	vmul.f32 v14, v14;
	v19 =	vadd.f32 v19, v32;
	v12 =	vadd.f32 v16, v12;
	v16 =	vld.idx.msk [tilespmem:v40+s2+$0x0], $0xffff  }
0x84: {  	v47 =	vmul.f32 v47, v47;
	v0 =	vadd.f32 v0, v42;
	v40 =	vld [tilespmem:$0x1FD40]  }
0x85: {  	v21 =	vmul.f32 v21, v21;
	v22 =	vadd.f32 v22, v33;
	v14 =	vadd.f32 v14, v19;
	v19 =	vld [tilespmem:$0x1FC70]  }
0x86: {  	v30 =	vmul.f32 v30, v30;
	v0 =	vadd.f32 v47, v0;
	v47 =	vmul.f32 v46, v46;
	v46 =	vld [tilespmem:$0x1FD80]  }
0x87: {  	v21 =	vadd.f32 v21, v22;
	v22 =	vmul.f32 v37, v37;
	v37 =	vld [tilespmem:$0x1FD10]  }
0x88: {  	v35 =	vmul.f32 v35, v35;
	v14 =	vadd.f32 v30, v14;
	v30 =	vld.idx.msk [tilespmem:v56+s2+$0x0], $0xffff  }
0x89: {  	v56 =	vld [tilespmem:$0x1FCC0]  }
0x8a: {  	v20 =	vmul.f32 v20, v20;
	v0 =	vadd.f32 v35, v0;
	v35 =	vld [tilespmem:$0x1FCF0]  }
0x8b: {  	v32 =	vor.u32 s2, v53;
	v53 =	vld [tilespmem:$0x1FC50]  }
0x8c: {  	v15 =	vmul.f32 v15, v15;
	v26 =	vmul.f32 v26, v26;
	v14 =	vadd.f32 v20, v14;
	v20 =	vld.idx.msk [tilespmem:v36+s2+$0x0], $0xffff  }
0x8d: {  	v51 =	vor.u32 s2, v51;
	v36 =	vld [tilespmem:$0x1FD00]  }
0x8e: {  	v15 =	vadd.f32 v15, v21;
	v0 =	vadd.f32 v26, v0;
	v26 =	vmul.f32 v49, v49;
	v49 =	vld [tilespmem:$0x1FDB0]  }
0x8f: {  	v12 =	vadd.f32 v3, v12;
	v3 =	vld.idx.msk [tilespmem:v50+s2+$0x0], $0xffff  }
0x90: {  	v15 =	vadd.f32 v54, v15;
	v54 =	vld [tilespmem:$0x1FCB0]  }
0x91: {  	v25 =	vmul.f32 v25, v25;
	v19 =	vor.u32 s2, v19;
	v50 =	vld [tilespmem:$0x1FDC0]  }
0x92: {  	v13 =	vadd.f32 v13, v14;
	v14 =	vld.idx.msk [tilespmem:v41+s2+$0x0], $0xffff;
	v43 =	vor.u32 s2, v53  }
0x93: {  	v0 =	vadd.f32 v25, v0;
	v25 =	vld.idx.msk [tilespmem:v51+s2+$0x0], $0xffff  }
0x94: {  	v44 =	vor.u32 s2, v44;
	v11 =	vmul.f32 v11, v11;
	v51 =	vld [tilespmem:$0x1FB70]  }
0x95: {  	v1 =	vor.u32 $0x3E, v61;
	v28 =	vmul.f32 v28, v28;
	v8 =	vmul.f32 v8, v8;
	v32 =	vld.idx.msk [tilespmem:v32+s2+$0x0], $0xffff  }
0x96: {  	v2 =	vor.u32 $0x3F, v61;
	v17 =	vmul.f32 v17, v17;
	v31 =	vmul.f32 v31, v31;
	v19 =	vld.idx.msk [tilespmem:v19+s2+$0x0], $0xffff  }
0x97: {  	v39 =	vor.u32 s2, v2;
	v23 =	vmul.f32 v23, v23;
	v21 =	vmul.f32 v48, v48;
	v45 =	vld.idx.msk [tilespmem:v43+s2+$0x0], $0xffff  }
0x98: {  	v18 =	vmul.f32 v18, v18;
	v16 =	vmul.f32 v16, v16;
	v0 =	vadd.f32 v17, v0;
	v53 =	vld [tilespmem:$0x1FB80]  }
0x99: {  	v42 =	vor.u32 s2, v1;
	v30 =	vmul.f32 v30, v30;
	v17 =	vld.idx.msk [tilespmem:v44+s2+$0x0], $0xffff;
	v20 =	vmul.f32 v20, v20  }
0x9a: {  	v13 =	vadd.f32 v52, v13;
	v44 =	vld [tilespmem:$0x1FD60];
	v0 =	vadd.f32 v11, v0;
	v32 =	vmul.f32 v32, v32  }
0x9b: {  	v14 =	vmul.f32 v14, v14;
	v18 =	vadd.f32 v18, v20;
	v43 =	vld [tilespmem:$0x1FD90];
	v19 =	vmul.f32 v19, v19  }
0x9c: {  	v0 =	vadd.f32 v0, v12;
	v52 =	vld.idx.msk [tilespmem:v51+s2+$0x0], $0xffff;
	v11 =	vadd.f32 v32, v31;
	v33 =	vmul.f32 v45, v45  }
0x9d: {  	v18 =	vadd.f32 v23, v18;
	v51 =	vld [tilespmem:$0x1FDD0];
	v14 =	vadd.f32 v19, v14;
	v19 =	vmul.f32 v25, v25  }
0x9e: {  	v27 =	vmul.f32 v27, v27;
	v32 =	vld [tilespmem:$0x1FCD0];
	v11 =	vadd.f32 v21, v11;
	v30 =	vadd.f32 v33, v30  }
0x9f: {  	v17 =	vmul.f32 v17, v17;
	v16 =	vadd.f32 v16, v18;
	v21 =	vld.idx.msk [tilespmem:v42+s2+$0x0], $0xffff;
	v14 =	vadd.f32 v19, v14  }
0xa0: {  	v7 =	vmul.f32 v7, v7;
	v19 =	vld.idx.msk [tilespmem:v53+s2+$0x0], $0xffff;
	v11 =	vadd.f32 v22, v11;
	v20 =	vadd.f32 v26, v30  }
0xa1: {  	v4 =	vmul.f32 v4, v4;
	v8 =	vadd.f32 v8, v16;
	v53 =	vld [tilespmem:$0x1FDF0];
	v14 =	vadd.f32 v17, v14  }
0xa2: {  	v3 =	vmul.f32 v3, v3;
	v17 =	vld.idx.msk [tilespmem:v39+s2+$0x0], $0xffff;
	v11 =	vadd.f32 v28, v11;
	v20 =	vadd.f32 v24, v20  }
0xa3: {  	[tilespmem:$0x1FC00] =	vst v2;
	v42 =	vld [tilespmem:$0x1FD50];
	v2 =	vmul.f32 v52, v52;
	v4 =	vadd.f32 v4, v8;
	v7 =	vadd.f32 v7, v14  }
0xa4: {  	v29 =	vmul.f32 v29, v29;
	v33 =	vld [tilespmem:$0x1FCE0];
	v11 =	vadd.f32 v27, v11;
	v18 =	vadd.f32 v47, v20  }
0xa5: {  	v52 =	vld [tilespmem:$0x1FDE0];
	v2 =	vadd.f32 v2, v4;
	v3 =	vadd.f32 v3, v7;
	v7 =	vmul.f32 v19, v19  }
0xa6: {  	s16 =	simm.s32 $0x400;
	v45 =	vld [tilespmem:$0x1FD70];
	v8 =	vadd.f32 v9, v11;
	v14 =	vadd.f32 v29, v18  }
0xa7: {  	v39 =	vld [tilespmem:$0x1FD30];
	v12 =	vor.u32 s16, v53;
	v4 =	vmul.f32 v17, v17;
	v3 =	vadd.f32 v7, v3  }
0xa8: {  	v53 =	vld [tilespmem:$0x1FF20];
	v5 =	vadd.f32 v5, v8;
	v9 =	vadd.f32 v10, v14;
	v10 =	vmul.f32 v21, v21  }
0xa9: {  	v34 =	vor.u32 s16, v33;
	v33 =	vld [tilespmem:$0x1FF10];
	v3 =	vadd.f32 v4, v3;
	v4 =	vadd.f32 v15, v13  }
0xaa: {  	v11 =	vor.u32 s16, v52;
	v52 =	vld [tilespmem:$0x1FED0];
	v6 =	vadd.f32 v6, v9;
	v2 =	vadd.f32 v10, v2  }
0xab: {  	v19 =	vor.u32 s16, v55;
	v55 =	vld [tilespmem:$0x1FF30];
	v0 =	vadd.f32 v0, v4  }
0xac: {  	v4 =	vor.u32 s16, v56;
	v56 =	vld [tilespmem:$0x1FE20];
	v5 =	vadd.f32 v6, v5;
	v2 =	vadd.f32 v3, v2  }
0xad: {  	v3 =	vor.u32 s16, v54;
	v54 =	vld [tilespmem:$0x1FE00]  }
0xae: {  	v47 =	vld [tilespmem:$0x1FDA0];
	v2 =	vadd.f32 v2, v5  }
0xaf: {  	v6 =	vor.u32 s16, v35;
	v35 =	vld [tilespmem:$0x1FE30]  }
0xb0: {  	v5 =	vor.u32 s16, v32;
	v32 =	vld [tilespmem:$0x1FE10];
	v0 =	vadd.f32 v2, v0  }
0xb1: {  	v17 =	vor.u32 s16, v56;
	v56 =	vld [tilespmem:$0x1FF00]  }
0xb2: {  	v14 =	vor.u32 s16, v54;
	v54 =	vld [tilespmem:$0x1FF40];
	[tilespmem:s10+$0x0] =	vst v0  }
0xb3: {  	v7 =	vor.u32 s16, v39;
	v9 =	vld.idx.msk [tilespmem:v3+s2+$0x0], $0xffff  }
0xb4: {  	v41 =	vor.u32 s16, v40;
	v10 =	vld.idx.msk [tilespmem:v4+s2+$0x0], $0xffff  }
0xb5: {  	v8 =	vor.u32 s16, v42;
	v5 =	vld.idx.msk [tilespmem:v5+s2+$0x0], $0xffff  }
0xb6: {  	v48 =	vor.u32 s16, v47;
	v13 =	vld.idx.msk [tilespmem:v34+s2+$0x0], $0xffff  }
0xb7: {  	v6 =	vld.idx.msk [tilespmem:v6+s2+$0x0], $0xffff  }
0xb8: {  	v24 =	vld.idx.msk [tilespmem:v7+s2+$0x0], $0xffff  }
0xb9: {  	v29 =	vld.idx.msk [tilespmem:v41+s2+$0x0], $0xffff  }
0xba: {  	v31 =	vld.idx.msk [tilespmem:v8+s2+$0x0], $0xffff  }
0xbb: {  	v42 =	vld.idx.msk [tilespmem:v48+s2+$0x0], $0xffff  }
0xbc: {  	v34 =	vld [tilespmem:$0x1FE40]  }
0xbd: {  	v3 =	vor.u32 s16, v37;
	v37 =	vld [tilespmem:$0x1FEE0]  }
0xbe: {  	v4 =	vor.u32 s16, v38;
	v38 =	vld [tilespmem:$0x1FE50]  }
0xbf: {  	v41 =	vld [tilespmem:$0x1FEA0]  }
0xc0: {  	[tilespmem:$0x1FBF0] =	vst v1;
	v1 =	vld.idx.msk [tilespmem:v12+s2+$0x0], $0xffff  }
0xc1: {  	v0 =	vor.u32 s16, v36;
	v7 =	vor.u32 s16, v46;
	v46 =	vld [tilespmem:$0x1FE90]  }
0xc2: {  	v8 =	vor.u32 s16, v49;
	v49 =	vld [tilespmem:$0x1FEF0]  }
0xc3: {  	v20 =	vld.idx.msk [tilespmem:v17+s2+$0x0], $0xffff  }
0xc4: {  	v12 =	vor.u32 s16, v56;
	v56 =	vld [tilespmem:$0x1FFB0]  }
0xc5: {  	v48 =	vld.idx.msk [tilespmem:v14+s2+$0x0], $0xffff  }
0xc6: {  	v15 =	vld.idx.msk [tilespmem:v0+s2+$0x0], $0xffff  }
0xc7: {  	v0 =	vor.u32 s16, v43;
	v43 =	vld [tilespmem:$0x1FE70]  }
0xc8: {  	v16 =	vld.idx.msk [tilespmem:v3+s2+$0x0], $0xffff  }
0xc9: {  	v23 =	vld.idx.msk [tilespmem:v4+s2+$0x0], $0xffff  }
0xca: {  	v3 =	vor.u32 s16, v44;
	v44 =	vld.idx.msk [tilespmem:v7+s2+$0x0], $0xffff  }
0xcb: {  	v28 =	vor.u32 s16, v63;
	v2 =	vld.idx.msk [tilespmem:v8+s2+$0x0], $0xffff  }
0xcc: {  	v4 =	vor.u32 s16, v45;
	v45 =	vld [tilespmem:$0x1FE80]  }
0xcd: {  	v8 =	vor.u32 s16, v38;
	v38 =	vld [tilespmem:$0x1FF60]  }
0xce: {  	v14 =	vor.u32 s16, v49;
	v49 =	vld [tilespmem:$0x1FF80]  }
0xcf: {  	[tilespmem:$0x1FBE0] =	vst v48;
	v48 =	vld.idx.msk [tilespmem:v19+s2+$0x0], $0xffff  }
0xd0: {  	v19 =	vmul.f32 v10, v10;
	v10 =	vld.idx.msk [tilespmem:v28+s2+$0x0], $0xffff  }
0xd1: {  	v36 =	vld.idx.msk [tilespmem:v0+s2+$0x0], $0xffff;
	v0 =	vor.u32 s16, v50  }
0xd2: {  	v50 =	vld [tilespmem:$0x1FEB0]  }
0xd3: {  	v18 =	vor.u32 s16, v34;
	v27 =	vor.u32 s16, v43;
	v43 =	vld [tilespmem:$0x1FF70]  }
0xd4: {  	v40 =	vld.idx.msk [tilespmem:v3+s2+$0x0], $0xffff  }
0xd5: {  	v3 =	vor.u32 s16, v51;
	v39 =	vld.idx.msk [tilespmem:v4+s2+$0x0], $0xffff  }
0xd6: {  	v0 =	vld.idx.msk [tilespmem:v0+s2+$0x0], $0xffff  }
0xd7: {  	v51 =	vld [tilespmem:$0x1FEC0]  }
0xd8: {  	v4 =	vor.u32 s16, v35;
	v30 =	vor.u32 s16, v45;
	v21 =	vld.idx.msk [tilespmem:v18+s2+$0x0], $0xffff  }
0xd9: {  	v35 =	vor.u32 s16, v55;
	v45 =	vor.u32 s16, v50;
	v50 =	vor.u32 s16, v38;
	v38 =	vld.idx.msk [tilespmem:v27+s2+$0x0], $0xffff  }
0xda: {  	v47 =	vld.idx.msk [tilespmem:v3+s2+$0x0], $0xffff  }
0xdb: {  	v34 =	vor.u32 s16, v46;
	v3 =	vld.idx.msk [tilespmem:v11+s2+$0x0], $0xffff;
	[tilespmem:$0x1FBD0] =	vst v0;
	v0 =	vor.u32 s16, v32  }
0xdc: {  	v11 =	vor.u32 s16, v61;
	v46 =	vor.u32 s16, v51;
	v51 =	vld [tilespmem:$0x1FF90];
	[tilespmem:$0x1FB90] =	vst v0;
	v0 =	vor.u32 s16, v33  }
0xdd: {  	v22 =	vand.u32 v62, v11;
	[tilespmem:$0x1FBA0] =	vst v0;
	v0 =	vor.u32 s16, v37;
	v37 =	vld [tilespmem:$0x1FF50]  }
0xde: {  	v55 =	vmul.f32 v6, v6;
	v25 =	vld.idx.msk [tilespmem:v35+s2+$0x0], $0xffff  }
0xdf: {  	v32 =	vor.u32 s16, v53;
	v53 =	vor.u32 s16, v49;
	v49 =	vld [tilespmem:$0x1FC30];
	v33 =	vor.u32 s16, v54  }
0xe0: {  	[tilespmem:$0x1FBC0] =	vst v55;
	v55 =	vor.u32 s16, v58;
	v54 =	vld [tilespmem:$0x1FFA0]  }
0xe1: {  	v7 =	vor.u32 s16, v41;
	v35 =	vld [tilespmem:$0x1FC10]  }
0xe2: {  	v27 =	vmul.f32 v23, v23;
	v23 =	vmul.f32 v29, v29;
	v41 =	vor.u32 s16, v37;
	v37 =	vld.idx.msk [tilespmem:v22+s2+$0x0], $0xffff  }
0xe3: {  	v18 =	vor.u32 s16, v51;
	v51 =	vor.u32 s16, v57;
	v22 =	vmul.f32 v9, v9;
	v9 =	vld.idx.msk [tilespmem:v14+s2+$0x0], $0xffff  }
0xe4: {  	v29 =	vmul.f32 v10, v10;
	v10 =	vmul.f32 v36, v36;
	v26 =	vor.u32 s16, v49;
	v33 =	vld.idx.msk [tilespmem:v33+s2+$0x0], $0xffff  }
0xe5: {  	v36 =	vmul.f32 v39, v39;
	v39 =	vld.idx.msk [tilespmem:v55+s2+$0x0], $0xffff;
	v17 =	vor.u32 s16, v54;
	v54 =	vor.u32 s16, v56  }
0xe6: {  	v49 =	vld [tilespmem:$0x1FC40]  }
0xe7: {  	v28 =	vmul.f32 v16, v16;
	v56 =	vld.idx.msk [tilespmem:v32+s2+$0x0], $0xffff  }
0xe8: {  	v51 =	vld.idx.msk [tilespmem:v51+s2+$0x0], $0xffff;
	v16 =	vmul.f32 v37, v37;
	v37 =	vmul.f32 v9, v9  }
0xe9: {  	v26 =	vld.idx.msk [tilespmem:v26+s2+$0x0], $0xffff;
	v9 =	vmul.f32 v31, v31;
	v31 =	vmul.f32 v33, v33  }
0xea: {  	v11 =	vor.u32 s16, v52;
	v52 =	vor.u32 s16, v43;
	v54 =	vld.idx.msk [tilespmem:v54+s2+$0x0], $0xffff  }
0xeb: {  	v6 =	vmul.f32 v15, v15;
	v25 =	vmul.f32 v25, v25;
	v33 =	vld.idx.msk [tilespmem:v30+s2+$0x0], $0xffff;
	v15 =	vadd.f32 v31, v29  }
0xec: {  	v14 =	vmul.f32 v5, v5;
	v56 =	vmul.f32 v56, v56;
	v30 =	vld.idx.msk [tilespmem:v34+s2+$0x0], $0xffff;
	v16 =	vadd.f32 v37, v16  }
0xed: {  	v5 =	vor.u32 s16, v49;
	v37 =	vld [tilespmem:$0x1FC20];
	v49 =	vadd.f32 v25, v15;
	v15 =	vmul.f32 v2, v2  }
0xee: {  	v55 =	vadd.f32 v56, v16;
	v2 =	vld.idx.msk [tilespmem:v50+s2+$0x0], $0xffff;
	v50 =	vmul.f32 v47, v47;
	v47 =	vmul.f32 v48, v48  }
0xef: {  	v31 =	vmul.f32 v44, v44;
	v44 =	vld.idx.msk [tilespmem:v52+s2+$0x0], $0xffff  }
0xf0: {  	v52 =	vadd.f32 v47, v55;
	v47 =	vld [tilespmem:$0x1FBE0]  }
0xf1: {  	v55 =	vld [tilespmem:$0x1FBF0]  }
0xf2: {  	v34 =	vor.u32 s16, v37;
	v37 =	vmul.f32 v40, v40;
	v40 =	vmul.f32 v51, v51;
	v51 =	vld [tilespmem:$0x1FC50]  }
0xf3: {  	v29 =	vmul.f32 v42, v42;
	v26 =	vmul.f32 v26, v26;
	v56 =	vld.idx.msk [tilespmem:v41+s2+$0x0], $0xffff  }
0xf4: {  	v42 =	vmul.f32 v54, v54;
	v54 =	vld [tilespmem:$0x1FBD0];
	v25 =	vmul.f32 v39, v39  }
0xf5: {  	v39 =	vmul.f32 v47, v47;
	v47 =	vld.idx.msk [tilespmem:v53+s2+$0x0], $0xffff  }
0xf6: {  	v53 =	vadd.f32 v26, v25;
	v26 =	vor.u32 s16, v55;
	v55 =	vld [tilespmem:$0x1FC00]  }
0xf7: {  	v43 =	vor.u32 s16, v59;
	v41 =	vor.u32 s16, v51;
	v51 =	vadd.f32 v42, v40;
	v40 =	vld [tilespmem:$0x1FC60]  }
0xf8: {  	v42 =	vld [tilespmem:$0x1FC70]  }
0xf9: {  	v13 =	vmul.f32 v13, v13;
	v24 =	vmul.f32 v24, v24;
	v32 =	vor.u32 s16, v60  }
0xfa: {  	v45 =	vld.idx.msk [tilespmem:v45+s2+$0x0], $0xffff;
	v16 =	vmul.f32 v54, v54;
	v54 =	vmul.f32 v38, v38  }
0xfb: {  	v35 =	vor.u32 s16, v35;
	v46 =	vld.idx.msk [tilespmem:v46+s2+$0x0], $0xffff;
	v48 =	vmul.f32 v3, v3;
	v56 =	vmul.f32 v56, v56  }
0xfc: {  	v43 =	vld.idx.msk [tilespmem:v43+s2+$0x0], $0xffff;
	v54 =	vadd.f32 v54, v49;
	v25 =	vor.u32 s16, v55;
	v40 =	vor.u32 s16, v40  }
0xfd: {  	s17 =	simm.s32 $0x800;
	[tilespmem:$0x1FBB0] =	vst v0;
	v49 =	vld.idx.msk [tilespmem:v5+s2+$0x0], $0xffff;
	v55 =	vmul.f32 v2, v2;
	v38 =	vor.u32 s16, v42;
	v42 =	vmul.f32 v1, v1;
	s16 =	simm.s32 $0x12800  }
.LBB2_2:
0xfe: {  	v32 =	vld.idx.msk [tilespmem:v32+s2+$0x0], $0xffff  }
0xff: {  	v41 =	vld.idx.msk [tilespmem:v41+s2+$0x0], $0xffff  }
0x100: {  	v35 =	vld.idx.msk [tilespmem:v35+s2+$0x0], $0xffff  }
0x101: {  	v40 =	vld.idx.msk [tilespmem:v40+s2+$0x0], $0xffff  }
0x102: {  	v34 =	vld.idx.msk [tilespmem:v34+s2+$0x0], $0xffff  }
0x103: {  	v18 =	vld.idx.msk [tilespmem:v18+s2+$0x0], $0xffff  }
0x104: {  	v17 =	vld.idx.msk [tilespmem:v17+s2+$0x0], $0xffff  }
0x105: {  	v11 =	vld.idx.msk [tilespmem:v11+s2+$0x0], $0xffff  }
0x106: {  	v12 =	vld.idx.msk [tilespmem:v12+s2+$0x0], $0xffff  }
0x107: {  	v0 =	vld [tilespmem:$0x1FBB0]  }
0x108: {  	v26 =	vld.idx.msk [tilespmem:v26+s2+$0x0], $0xffff  }
0x109: {  	v1 =	vld [tilespmem:$0x1FBC0]  }
0x10a: {  	v51 =	vadd.f32 v56, v51;
	v50 =	vadd.f32 v50, v52;
	v56 =	vld [tilespmem:$0x1FB90]  }
0x10b: {  	v52 =	vmul.f32 v44, v44;
	v44 =	vld [tilespmem:$0x1FD40]  }
0x10c: {  	v37 =	vadd.f32 v37, v50;
	v50 =	vld.idx.msk [tilespmem:v38+s2+$0x0], $0xffff  }
0x10d: {  	v38 =	vld [tilespmem:$0x1FCF0]  }
0x10e: {  	v48 =	vadd.f32 v48, v54;
	v8 =	vld.idx.msk [tilespmem:v8+s2+$0x0], $0xffff  }
0x10f: {  	v33 =	vmul.f32 v33, v33;
	v7 =	vld.idx.msk [tilespmem:v7+s2+$0x0], $0xffff  }
0x110: {  	v36 =	vadd.f32 v36, v48;
	v4 =	vld.idx.msk [tilespmem:v4+s2+$0x0], $0xffff  }
0x111: {  	v33 =	vadd.f32 v33, v51;
	v51 =	vmul.f32 v46, v46;
	v46 =	vld [tilespmem:$0x1FD90]  }
0x112: {  	v27 =	vadd.f32 v27, v36;
	v36 =	vld [tilespmem:$0x1FCD0]  }
0x113: {  	v2 =	vadd.f32 v55, v53;
	v30 =	vmul.f32 v30, v30;
	v28 =	vadd.f32 v28, v37;
	v37 =	vld [tilespmem:$0x1FCE0]  }
0x114: {  	v33 =	vadd.f32 v42, v33;
	v54 =	vmul.f32 v40, v40;
	v40 =	vld [tilespmem:$0x1FD10]  }
0x115: {  	v42 =	vld [tilespmem:$0x1FD20];
	v30 =	vadd.f32 v30, v2  }
0x116: {  	v31 =	vadd.f32 v31, v33;
	v33 =	vld [tilespmem:$0x1FCB0]  }
0x117: {  	v19 =	vadd.f32 v19, v27;
	v27 =	vmul.f32 v43, v43;
	v43 =	vld [tilespmem:$0x1FD30];
	v30 =	vadd.f32 v39, v30  }
0x118: {  	v20 =	vmul.f32 v20, v20;
	v22 =	vadd.f32 v22, v28;
	v28 =	vmul.f32 v47, v47;
	v47 =	vld [tilespmem:$0x1FD60]  }
0x119: {  	v21 =	vmul.f32 v21, v21;
	v45 =	vmul.f32 v45, v45;
	v3 =	vld.idx.msk [tilespmem:v0+s2+$0x0], $0xffff;
	v29 =	vadd.f32 v29, v30  }
0x11a: {  	v53 =	vmul.f32 v41, v41;
	v24 =	vadd.f32 v24, v31;
	v31 =	vmul.f32 v32, v32;
	v32 =	vld [tilespmem:$0x1FBA0]  }
0x11b: {  	v18 =	vmul.f32 v18, v18;
	v17 =	vmul.f32 v17, v17;
	v39 =	vld [tilespmem:$0x1FD00];
	v23 =	vadd.f32 v23, v29  }
0x11c: {  	v55 =	vmul.f32 v50, v50;
	v50 =	vld [tilespmem:$0x1FD80];
	v30 =	vmul.f32 v49, v49;
	v14 =	vadd.f32 v14, v24  }
0x11d: {  	v2 =	vld.idx.msk [tilespmem:v56+s2+$0x0], $0xffff;
	v24 =	vmul.f32 v34, v34;
	v29 =	vmul.f32 v35, v35;
	v13 =	vadd.f32 v13, v23  }
0x11e: {  	v11 =	vmul.f32 v11, v11;
	v56 =	vld [tilespmem:$0x1FDF0];
	v23 =	vadd.f32 v30, v27;
	v27 =	vadd.f32 v53, v31  }
0x11f: {  	v12 =	vmul.f32 v12, v12;
	v49 =	vld [tilespmem:$0x1FD70];
	v24 =	vadd.f32 v55, v24;
	v29 =	vadd.f32 v54, v29  }
0x120: {  	v8 =	vmul.f32 v8, v8;
	v35 =	vld [tilespmem:$0x1FCC0];
	v23 =	vadd.f32 v52, v23;
	v27 =	vadd.f32 v28, v27  }
0x121: {  	v34 =	vor.u32 s17, v33;
	v33 =	vld [tilespmem:$0x1FE20];
	v17 =	vadd.f32 v17, v24;
	v18 =	vadd.f32 v18, v29  }
0x122: {  	v7 =	vmul.f32 v7, v7;
	v0 =	vld.idx.msk [tilespmem:v32+s2+$0x0], $0xffff;
	v23 =	vadd.f32 v45, v23;
	v24 =	vadd.f32 v51, v27  }
0x123: {  	v48 =	vor.u32 s17, v47;
	v47 =	vld [tilespmem:$0x1FEA0];
	v12 =	vadd.f32 v12, v17;
	v11 =	vadd.f32 v11, v18  }
0x124: {  	v4 =	vmul.f32 v4, v4;
	v17 =	vld.idx.msk [tilespmem:v25+s2+$0x0], $0xffff;
	v18 =	vadd.f32 v20, v23;
	v20 =	vadd.f32 v21, v24  }
0x125: {  	v3 =	vmul.f32 v3, v3;
	v55 =	vld [tilespmem:$0x1FDE0];
	v7 =	vadd.f32 v7, v12;
	v8 =	vadd.f32 v8, v11  }
0x126: {  	v2 =	vmul.f32 v2, v2;
	v53 =	vld [tilespmem:$0x1FDC0];
	v11 =	vadd.f32 v15, v18;
	v12 =	vadd.f32 v16, v20  }
0x127: {  	v54 =	vld [tilespmem:$0x1FDD0];
	v3 =	vadd.f32 v3, v7;
	v4 =	vadd.f32 v4, v8;
	v0 =	vmul.f32 v0, v0  }
0x128: {  	v52 =	vld [tilespmem:$0x1FDB0];
	v7 =	vadd.f32 v9, v11;
	v8 =	vadd.f32 v10, v12;
	v9 =	vmul.f32 v26, v26  }
0x129: {  	v32 =	vld [tilespmem:$0x1FE00];
	v2 =	vadd.f32 v2, v4;
	v0 =	vadd.f32 v0, v3;
	v3 =	vmul.f32 v17, v17  }
0x12a: {  	v45 =	vld [tilespmem:$0x1FD50];
	v4 =	vadd.f32 v1, v7;
	v5 =	vadd.f32 v6, v8  }
0x12b: {  	v51 =	vld [tilespmem:$0x1FDA0];
	v2 =	vadd.f32 v9, v2;
	v0 =	vadd.f32 v3, v0  }
0x12c: {  	v18 =	vor.u32 s17, v33;
	v33 =	vld [tilespmem:$0x1FF60];
	v3 =	vadd.f32 v19, v22;
	v6 =	vadd.f32 v13, v14  }
0x12d: {  	v11 =	vor.u32 s17, v54;
	v54 =	vld [tilespmem:$0x1FF20];
	v4 =	vadd.f32 v5, v4;
	v0 =	vadd.f32 v0, v2  }
0x12e: {  	v12 =	vor.u32 s17, v55;
	v55 =	vld [tilespmem:$0x1FF30]  }
0x12f: {  	v17 =	vor.u32 s17, v32;
	v32 =	vld [tilespmem:$0x1FF50];
	v3 =	vadd.f32 v6, v3;
	v0 =	vadd.f32 v0, v4  }
0x130: {  	v8 =	vor.u32 s17, v45;
	v45 =	vld [tilespmem:$0x1FE60];
	v4 =	vor.u32 s17, v35  }
0x131: {  	v14 =	vor.u32 s17, v56;
	v56 =	vld [tilespmem:$0x1FF00];
	v5 =	vor.u32 s17, v36;
	v0 =	vadd.f32 v0, v3  }
0x132: {  	s16 =	sadd.s32 $0x10, s16;
	v6 =	vor.u32 s17, v38;
	v35 =	vld [tilespmem:$0x1FF10]  }
0x133: {  	v41 =	vor.u32 s17, v40;
	v3 =	vor.u32 s17, v37;
	v37 =	vld [tilespmem:$0x1FE40];
	[tilespmem:s16+$0x0] =	vst v0  }
0x134: {  	v7 =	vor.u32 s17, v43;
	v9 =	vld.idx.msk [tilespmem:v34+s2+$0x0], $0xffff  }
0x135: {  	v10 =	vld.idx.msk [tilespmem:v4+s2+$0x0], $0xffff  }
0x136: {  	v5 =	vld.idx.msk [tilespmem:v5+s2+$0x0], $0xffff  }
0x137: {  	v6 =	vld.idx.msk [tilespmem:v6+s2+$0x0], $0xffff  }
0x138: {  	v16 =	vld.idx.msk [tilespmem:v41+s2+$0x0], $0xffff  }
0x139: {  	v24 =	vld.idx.msk [tilespmem:v7+s2+$0x0], $0xffff  }
0x13a: {  	v26 =	vld.idx.msk [tilespmem:v8+s2+$0x0], $0xffff  }
0x13b: {  	v31 =	vld.idx.msk [tilespmem:v48+s2+$0x0], $0xffff  }
0x13c: {  	v34 =	vld [tilespmem:$0x1FE10]  }
0x13d: {  	v43 =	vld.idx.msk [tilespmem:v11+s2+$0x0], $0xffff  }
0x13e: {  	v41 =	vld [tilespmem:$0x1FE30]  }
0x13f: {  	v48 =	vld [tilespmem:$0x1FE70]  }
0x140: {  	v7 =	vor.u32 s17, v50;
	v50 =	vld [tilespmem:$0x1FE90]  }
0x141: {  	v22 =	vor.u32 s17, v45;
	v45 =	vld.idx.msk [tilespmem:v14+s2+$0x0], $0xffff  }
0x142: {  	v0 =	vor.u32 s17, v39;
	v8 =	vor.u32 s17, v52;
	v52 =	vld [tilespmem:$0x1FEC0]  }
0x143: {  	v20 =	vld.idx.msk [tilespmem:v18+s2+$0x0], $0xffff  }
0x144: {  	v4 =	vor.u32 s17, v42;
	v13 =	vld.idx.msk [tilespmem:v3+s2+$0x0], $0xffff  }
0x145: {  	v3 =	vor.u32 s17, v44;
	v44 =	vld [tilespmem:$0x1FEE0]  }
0x146: {  	v19 =	vor.u32 s17, v37;
	v37 =	vld [tilespmem:$0x1FF80]  }
0x147: {  	v15 =	vld.idx.msk [tilespmem:v0+s2+$0x0], $0xffff  }
0x148: {  	v0 =	vor.u32 s17, v46;
	v46 =	vld [tilespmem:$0x1FE50]  }
0x149: {  	v23 =	vld.idx.msk [tilespmem:v4+s2+$0x0], $0xffff  }
0x14a: {  	v38 =	vld.idx.msk [tilespmem:v7+s2+$0x0], $0xffff  }
0x14b: {  	v40 =	vld.idx.msk [tilespmem:v8+s2+$0x0], $0xffff  }
0x14c: {  	v4 =	vor.u32 s17, v49;
	v49 =	vld [tilespmem:$0x1FE80]  }
0x14d: {  	v27 =	vor.u32 s17, v48;
	v48 =	vld [tilespmem:$0x1FFA0]  }
0x14e: {  	v30 =	vor.u32 s17, v50;
	v50 =	vld [tilespmem:$0x1FEF0]  }
0x14f: {  	v25 =	vld.idx.msk [tilespmem:v3+s2+$0x0], $0xffff  }
0x150: {  	v3 =	vor.u32 s17, v51;
	v51 =	vld [tilespmem:$0x1FEB0]  }
0x151: {  	v21 =	vld.idx.msk [tilespmem:v19+s2+$0x0], $0xffff  }
0x152: {  	v14 =	vor.u32 s17, v54;
	v54 =	vor.u32 s17, v37;
	v37 =	vor.u32 s17, v63;
	v63 =	vld [tilespmem:$0x1FC10]  }
0x153: {  	v29 =	vld.idx.msk [tilespmem:v0+s2+$0x0], $0xffff  }
0x154: {  	v0 =	vor.u32 s17, v53;
	v53 =	vld [tilespmem:$0x1FED0]  }
0x155: {  	v36 =	vld.idx.msk [tilespmem:v4+s2+$0x0], $0xffff  }
0x156: {  	v28 =	vor.u32 s17, v49;
	v49 =	vld.idx.msk [tilespmem:v17+s2+$0x0], $0xffff  }
0x157: {  	v30 =	vld.idx.msk [tilespmem:v30+s2+$0x0], $0xffff  }
0x158: {  	v8 =	vmov v59;
	v4 =	vor.u32 s17, v59;
	v59 =	vld.idx.msk [tilespmem:v14+s2+$0x0], $0xffff  }
0x159: {  	v39 =	vld.idx.msk [tilespmem:v3+s2+$0x0], $0xffff  }
0x15a: {  	v3 =	vld [tilespmem:$0x1FC50]  }
0x15b: {  	v42 =	vld.idx.msk [tilespmem:v0+s2+$0x0], $0xffff  }
0x15c: {  	v0 =	vor.u32 s17, v34;
	v34 =	vor.u32 s17, v55;
	v55 =	vld.idx.msk [tilespmem:v22+s2+$0x0], $0xffff  }
0x15d: {  	v22 =	vmul.f32 v9, v9;
	v9 =	vmul.f32 v26, v26;
	v26 =	vld [tilespmem:$0x1FC60]  }
0x15e: {  	[tilespmem:$0x1FB90] =	vst v0;
	v0 =	vor.u32 s17, v35;
	v35 =	vld [tilespmem:$0x1FF70]  }
0x15f: {  	[tilespmem:$0x1FBA0] =	vst v0;
	v0 =	vor.u32 s17, v41;
	v41 =	vld [tilespmem:$0x1FF90]  }
0x160: {  	[tilespmem:$0x1FB30] =	vst v0;
	v0 =	vor.u32 s17, v44;
	v44 =	vld.idx.msk [tilespmem:v12+s2+$0x0], $0xffff  }
0x161: {  	v14 =	vmul.f32 v5, v5;
	v12 =	vor.u32 s17, v56;
	v56 =	vld.idx.msk [tilespmem:v27+s2+$0x0], $0xffff  }
0x162: {  	v17 =	vor.u32 s17, v61;
	v27 =	vmul.f32 v23, v23;
	v23 =	vmul.f32 v25, v25;
	v25 =	vld.idx.msk [tilespmem:v37+s2+$0x0], $0xffff  }
0x163: {  	v37 =	vld [tilespmem:$0x1FC20];
	[tilespmem:$0x1FBB0] =	vst v0;
	v0 =	vor.u32 s17, v46;
	v46 =	vor.u32 s17, v51;
	v51 =	vor.u32 s17, v32  }
0x164: {  	[tilespmem:$0x1FB40] =	vst v0;
	v0 =	vor.u32 s17, v47;
	v47 =	vor.u32 s17, v52;
	v52 =	vor.u32 s17, v33;
	v33 =	vld.idx.msk [tilespmem:v28+s2+$0x0], $0xffff  }
0x165: {  	v5 =	vmovc v60;
	v11 =	vor.u32 s17, v53;
	v32 =	vor.u32 s17, v60;
	v60 =	vld.idx.msk [tilespmem:v34+s2+$0x0], $0xffff;
	v53 =	vor.u32 s17, v35  }
0x166: {  	v7 =	vmovc v58;
	v35 =	vand.u32 v62, v17;
	v17 =	vor.u32 s17, v48;
	v48 =	vor.u32 s17, v58;
	v58 =	vld [tilespmem:$0x1FF40]  }
0x167: {  	v19 =	vmul.f32 v10, v10;
	v50 =	vor.u32 s17, v50;
	v61 =	vmul.f32 v6, v6;
	v62 =	vld [tilespmem:$0x1FFB0]  }
0x168: {  	v10 =	vmul.f32 v29, v29;
	v29 =	vmul.f32 v39, v39;
	v34 =	vld [tilespmem:$0x1FC30]  }
0x169: {  	v39 =	vmul.f32 v49, v49;
	v18 =	vor.u32 s17, v41;
	v41 =	vor.u32 s17, v57;
	v49 =	vld.idx.msk [tilespmem:v51+s2+$0x0], $0xffff  }
0x16a: {  	v51 =	vmul.f32 v25, v25;
	v25 =	vld [tilespmem:$0x1FC00]  }
0x16b: {  	[tilespmem:$0x1FBC0] =	vst v61;
	v58 =	vor.u32 s17, v58;
	v61 =	vld.idx.msk [tilespmem:v35+s2+$0x0], $0xffff  }
0x16c: {  	v6 =	vmul.f32 v15, v15;
	v15 =	vor.u32 s17, v62;
	v62 =	vld.idx.msk [tilespmem:v50+s2+$0x0], $0xffff  }
0x16d: {  	v35 =	vor.u32 s17, v63;
	v63 =	vor.u32 s17, v34;
	v50 =	vld [tilespmem:$0x1FC40]  }
0x16e: {  	v1 =	vld.idx.msk [tilespmem:v41+s2+$0x0], $0xffff  }
0x16f: {  	v41 =	vor.u32 s17, v3;
	v3 =	vld.idx.msk [tilespmem:v48+s2+$0x0], $0xffff  }
0x170: {  	v58 =	vld.idx.msk [tilespmem:v58+s2+$0x0], $0xffff  }
0x171: {  	v2 =	vld.idx.msk [tilespmem:v15+s2+$0x0], $0xffff  }
0x172: {  	v28 =	vmul.f32 v16, v16;
	[tilespmem:$0x1FB50] =	vst v0;
	v0 =	vor.u32 s17, v50;
	v50 =	vmul.f32 v43, v43;
	v43 =	vld.idx.msk [tilespmem:v63+s2+$0x0], $0xffff  }
0x173: {  	v16 =	vmul.f32 v42, v42;
	v42 =	vmul.f32 v45, v45;
	v63 =	vld [tilespmem:$0x1FCA0]  }
0x174: {  	v48 =	vmul.f32 v44, v44;
	v15 =	vmul.f32 v40, v40;
	v40 =	vor.u32 s17, v26;
	v26 =	vld [tilespmem:$0x1FC70]  }
0x175: {  	v44 =	vmul.f32 v61, v61;
	v45 =	vmul.f32 v62, v62;
	v62 =	vld [tilespmem:$0x1FC90]  }
0x176: {  	v61 =	vld.idx.msk [tilespmem:v52+s2+$0x0], $0xffff  }
0x177: {  	v44 =	vadd.f32 v45, v44;
	v45 =	vld.idx.msk [tilespmem:v46+s2+$0x0], $0xffff  }
0x178: {  	v24 =	vmul.f32 v24, v24;
	v52 =	vmul.f32 v59, v59;
	v46 =	vld.idx.msk [tilespmem:v47+s2+$0x0], $0xffff  }
0x179: {  	v13 =	vmul.f32 v13, v13;
	v55 =	vmul.f32 v55, v55;
	v34 =	vor.u32 s17, v37;
	v47 =	vld.idx.msk [tilespmem:v54+s2+$0x0], $0xffff  }
0x17a: {  	v37 =	vmul.f32 v31, v31;
	v52 =	vadd.f32 v52, v44;
	v44 =	vld.idx.msk [tilespmem:v53+s2+$0x0], $0xffff;
	v58 =	vmul.f32 v58, v58  }
0x17b: {  	v31 =	vmul.f32 v38, v38;
	v59 =	vmul.f32 v56, v56;
	v38 =	vor.u32 s17, v26;
	v26 =	vld [tilespmem:$0x1FBF0]  }
0x17c: {  	p0 =	sne.s32 s17, $0x9000;
	v53 =	vmul.f32 v43, v43;
	v43 =	vld.idx.msk [tilespmem:v4+s2+$0x0], $0xffff;
	v51 =	vadd.f32 v58, v51;
	v58 =	vmul.f32 v60, v60  }
.Ltmp0:
0x17d: {  	v56 =	vmul.f32 v49, v49;
	v1 =	vmul.f32 v1, v1;
	v4 =	vld [tilespmem:$0x1FB30];
	(pc) =	sbr.rel @p0 .LBB2_2-.Ltmp0, $4  }
0x17e: {  	v3 =	vmul.f32 v3, v3;
	v49 =	vld.idx.msk [tilespmem:v0+s2+$0x0], $0xffff;
	v60 =	vmov v5;
	v5 =	vadd.f32 v58, v51  }
0x17f: {  	v2 =	vmul.f32 v2, v2;
	v52 =	vadd.f32 v55, v52;
	v55 =	vmul.f32 v61, v61;
	v61 =	vld [tilespmem:$0x1FC80]  }
0x180: {  	v36 =	vmul.f32 v36, v36;
	v25 =	vor.u32 s17, v25;
	v54 =	vadd.f32 v59, v5;
	v59 =	vmovc v8;
	v8 =	vld [tilespmem:$0x1FB40]  }
0x181: {  	v53 =	vadd.f32 v53, v3;
	v51 =	vadd.f32 v2, v1;
	v26 =	vor.u32 s17, v26;
	s17 =	sadd.s32 $0x400, s17;
	v58 =	vmovc v7;
	v7 =	vld [tilespmem:$0x1FB50]  }
0x182: {  	_ =	sdelay $0x2  }
0x183: {  	v1 =	vmul.f32 v33, v33;
	v0 =	vadd.f32 v56, v51  }
0x184: {  	v3 =	vld.idx.msk [tilespmem:v32+s2+$0x0], $0xffff  }
0x185: {  	v5 =	vld [tilespmem:$0x1FBB0];
	v0 =	vadd.f32 v1, v0  }
0x186: {  	v41 =	vld.idx.msk [tilespmem:v41+s2+$0x0], $0xffff  }
0x187: {  	v0 =	vadd.f32 v42, v0;
	_ =	sdelay $0x1  }
0x188: {  	v0 =	vadd.f32 v31, v0;
	_ =	sdelay $0x1  }
0x189: {  	v3 =	vmul.f32 v3, v3;
	v0 =	vadd.f32 v24, v0;
	v24 =	vmul.f32 v41, v41;
	_ =	sdelay $0x1  }
0x18a: {  	v3 =	vadd.f32 v24, v3;
	v24 =	vld.idx.msk [tilespmem:v5+s2+$0x0], $0xffff  }
0x18b: {  	v2 =	vadd.f32 v50, v52;
	v5 =	vld [tilespmem:$0x1FB90]  }
0x18c: {  	v30 =	vmul.f32 v30, v30  }
0x18d: {  	v50 =	vmul.f32 v20, v20;
	v20 =	vld.idx.msk [tilespmem:v35+s2+$0x0], $0xffff;
	v56 =	vadd.f32 v55, v53;
	v2 =	vadd.f32 v37, v2  }
0x18e: {  	v48 =	vadd.f32 v48, v54;
	v52 =	vld.idx.msk [tilespmem:v40+s2+$0x0], $0xffff  }
0x18f: {  	v18 =	vld.idx.msk [tilespmem:v18+s2+$0x0], $0xffff;
	v30 =	vadd.f32 v30, v56;
	v2 =	vadd.f32 v28, v2  }
0x190: {  	v17 =	vld.idx.msk [tilespmem:v17+s2+$0x0], $0xffff;
	v51 =	vadd.f32 v36, v48  }
0x191: {  	v28 =	vld.idx.msk [tilespmem:v34+s2+$0x0], $0xffff;
	v30 =	vadd.f32 v39, v30;
	v2 =	vadd.f32 v22, v2;
	v22 =	vmul.f32 v47, v47  }
0x192: {  	v55 =	vld.idx.msk [tilespmem:v38+s2+$0x0], $0xffff;
	v27 =	vadd.f32 v27, v51  }
0x193: {  	v21 =	vmul.f32 v21, v21;
	v29 =	vadd.f32 v29, v30;
	v3 =	vadd.f32 v22, v3;
	v22 =	vld.idx.msk [tilespmem:v5+s2+$0x0], $0xffff  }
0x194: {  	v56 =	vmul.f32 v44, v44;
	v20 =	vmul.f32 v20, v20;
	v19 =	vadd.f32 v19, v27;
	v5 =	vld [tilespmem:$0x1FBA0]  }
0x195: {  	v11 =	vld.idx.msk [tilespmem:v11+s2+$0x0], $0xffff;
	v27 =	vmul.f32 v43, v43;
	v30 =	vmul.f32 v49, v49;
	v23 =	vadd.f32 v23, v29  }
0x196: {  	v12 =	vld.idx.msk [tilespmem:v12+s2+$0x0], $0xffff;
	v29 =	vmul.f32 v52, v52;
	v0 =	vadd.f32 v14, v0;
	v14 =	vmul.f32 v28, v28  }
0x197: {  	v8 =	vld.idx.msk [tilespmem:v8+s2+$0x0], $0xffff;
	v28 =	vmul.f32 v55, v55;
	v13 =	vadd.f32 v13, v23;
	v23 =	vadd.f32 v30, v27  }
0x198: {  	v53 =	vmul.f32 v45, v45;
	v7 =	vld.idx.msk [tilespmem:v7+s2+$0x0], $0xffff;
	v18 =	vmul.f32 v18, v18;
	v20 =	vadd.f32 v29, v20  }
0x199: {  	v4 =	vld.idx.msk [tilespmem:v4+s2+$0x0], $0xffff;
	v17 =	vmul.f32 v17, v17;
	v14 =	vadd.f32 v28, v14;
	v23 =	vadd.f32 v56, v23  }
0x19a: {  	v54 =	vmul.f32 v46, v46;
	v11 =	vmul.f32 v11, v11;
	v18 =	vadd.f32 v18, v20  }
0x19b: {  	v12 =	vmul.f32 v12, v12;
	v14 =	vadd.f32 v17, v14;
	v20 =	vadd.f32 v53, v23  }
0x19c: {  	v8 =	vmul.f32 v8, v8;
	v3 =	vadd.f32 v54, v3;
	v11 =	vadd.f32 v11, v18;
	v17 =	vld.idx.msk [tilespmem:v5+s2+$0x0], $0xffff  }
0x19d: {  	v7 =	vmul.f32 v7, v7;
	v23 =	vld.idx.msk [tilespmem:v26+s2+$0x0], $0xffff;
	v12 =	vadd.f32 v12, v14;
	v1 =	vadd.f32 v50, v20  }
0x19e: {  	v4 =	vmul.f32 v4, v4;
	v14 =	vld.idx.msk [tilespmem:v25+s2+$0x0], $0xffff;
	v3 =	vadd.f32 v21, v3;
	v8 =	vadd.f32 v8, v11  }
0x19f: {  	v11 =	vmul.f32 v24, v24;
	v7 =	vadd.f32 v7, v12;
	v1 =	vadd.f32 v15, v1  }
0x1a0: {  	v3 =	vadd.f32 v16, v3;
	v4 =	vadd.f32 v4, v8;
	v12 =	vmul.f32 v22, v22;
	v5 =	vld [tilespmem:$0x1FBC0]  }
0x1a1: {  	v7 =	vadd.f32 v11, v7;
	v1 =	vadd.f32 v9, v1;
	v8 =	vmul.f32 v17, v17  }
0x1a2: {  	v3 =	vadd.f32 v10, v3;
	v9 =	vmul.f32 v23, v23;
	v4 =	vadd.f32 v12, v4  }
0x1a3: {  	v7 =	vadd.f32 v8, v7;
	v8 =	vmul.f32 v14, v14  }
0x1a4: {  	v3 =	vadd.f32 v6, v3;
	v4 =	vadd.f32 v9, v4  }
0x1a5: {  	v1 =	vadd.f32 v5, v1;
	v5 =	vadd.f32 v8, v7  }
0x1a6: {  	v2 =	vadd.f32 v19, v2;
	v0 =	vadd.f32 v13, v0  }
0x1a7: {  	v1 =	vadd.f32 v3, v1;
	v3 =	vadd.f32 v5, v4;
	_ =	sdelay $0x1  }
0x1a8: {  	v0 =	vadd.f32 v0, v2;
	v1 =	vadd.f32 v3, v1;
	_ =	sdelay $0x1  }
0x1a9: {  	v0 =	vadd.f32 v1, v0  }
0x1aa: {  	s17 =	sadd.s32 $0x10, s16  }
0x1ab: {  	s30 =	simm.s32 $0x0;
	[tilespmem:s17+$0x0] =	vst v0  }
0x1ac: {  	v38 =	vld [tilespmem:$0x1FCB0];
	[hbm4b:s5+s30] =	stream.linear.scatter [tilespmem:s10], [sflag:$0x3], $0x250, $0x38  }
0x1ad: {  	v39 =	vld [tilespmem:$0x1FCC0];
	_ =	swait.ge [sflag:s11], $0x9400  }
0x1ae: {  	v40 =	vld [tilespmem:$0x1FCD0]  }
0x1af: {  	v3 =	vld [tilespmem:$0x1FCE0]  }
0x1b0: {  	v4 =	vld [tilespmem:$0x1FCF0]  }
0x1b1: {  	v41 =	vld [tilespmem:$0x1FD00]  }
0x1b2: {  	v6 =	vld [tilespmem:$0x1FD10]  }
0x1b3: {  	v7 =	vld [tilespmem:$0x1FD20]  }
0x1b4: {  	v42 =	vld [tilespmem:$0x1FD30]  }
0x1b5: {  	v43 =	vld [tilespmem:$0x1FD90]  }
0x1b6: {  	v44 =	vld [tilespmem:$0x1FD80]  }
0x1b7: {  	v45 =	vld [tilespmem:$0x1FDC0]  }
0x1b8: {  	v46 =	vld [tilespmem:$0x1FDD0]  }
0x1b9: {  	v47 =	vld [tilespmem:$0x1FDE0]  }
0x1ba: {  	v48 =	vld [tilespmem:$0x1FDF0]  }
0x1bb: {  	v49 =	vld [tilespmem:$0x1FE00]  }
0x1bc: {  	v50 =	vld [tilespmem:$0x1FE20]  }
0x1bd: {  	v0 =	vor.u32 s30, v38;
	v51 =	vld [tilespmem:$0x1FBF0]  }
0x1be: {  	v1 =	vor.u32 s30, v39;
	v52 =	vld [tilespmem:$0x1FC00]  }
0x1bf: {  	v56 =	vor.u32 s30, v63;
	v53 =	vld [tilespmem:$0x1FEF0]  }
0x1c0: {  	[sflag:s11] =	ssyncset.done $0x0;
	v54 =	vld [tilespmem:$0x1FE80]  }
0x1c1: {  	v55 =	vld [tilespmem:$0x1FE90];
	[sflag:s11] =	ssyncadd.s32 $0xFFFF6C00  }
0x1c2: {  	v5 =	vld.idx.msk [tilespmem:v0+s8+$0x0], $0xffff  }
0x1c3: {  	v1 =	vld.idx.msk [tilespmem:v1+s8+$0x0], $0xffff  }
0x1c4: {  	v38 =	vld.idx.msk [tilespmem:v56+s8+$0x0], $0xffff  }
0x1c5: {  	v9 =	vor.u32 s30, v46;
	v46 =	vld [tilespmem:$0x1FF40]  }
0x1c6: {  	v10 =	vor.u32 s30, v47;
	v47 =	vld [tilespmem:$0x1FED0]  }
0x1c7: {  	v2 =	vor.u32 s30, v40;
	v23 =	vor.u32 s30, v48;
	v48 =	vld [tilespmem:$0x1FF00]  }
0x1c8: {  	v3 =	vor.u32 s30, v3;
	v25 =	vor.u32 s30, v49;
	v49 =	vld [tilespmem:$0x1FF20]  }
0x1c9: {  	v27 =	vor.u32 s30, v50;
	v50 =	vld [tilespmem:$0x1FF30]  }
0x1ca: {  	v4 =	vor.u32 s30, v4;
	v35 =	vor.u32 s30, v53;
	v53 =	vld [tilespmem:$0x1FF70]  }
0x1cb: {  	v36 =	vor.u32 s30, v54;
	v54 =	vld [tilespmem:$0x1FF80]  }
0x1cc: {  	v0 =	vor.u32 s30, v41;
	v8 =	vld.idx.msk [tilespmem:v2+s8+$0x0], $0xffff  }
0x1cd: {  	v6 =	vor.u32 s30, v6;
	v11 =	vld.idx.msk [tilespmem:v3+s8+$0x0], $0xffff  }
0x1ce: {  	v3 =	vld [tilespmem:$0x1FD40]  }
0x1cf: {  	v7 =	vor.u32 s30, v7;
	v12 =	vld.idx.msk [tilespmem:v4+s8+$0x0], $0xffff  }
0x1d0: {  	v4 =	vld [tilespmem:$0x1FD50]  }
0x1d1: {  	v13 =	vld.idx.msk [tilespmem:v0+s8+$0x0], $0xffff  }
0x1d2: {  	v14 =	vld.idx.msk [tilespmem:v6+s8+$0x0], $0xffff  }
0x1d3: {  	v6 =	vld [tilespmem:$0x1FD60]  }
0x1d4: {  	v15 =	vld.idx.msk [tilespmem:v7+s8+$0x0], $0xffff  }
0x1d5: {  	v7 =	vld [tilespmem:$0x1FD70]  }
0x1d6: {  	v30 =	vld.idx.msk [tilespmem:v9+s8+$0x0], $0xffff  }
0x1d7: {  	v32 =	vld.idx.msk [tilespmem:v10+s8+$0x0], $0xffff  }
0x1d8: {  	v10 =	vld [tilespmem:$0x1FE70]  }
0x1d9: {  	v37 =	vor.u32 s30, v55;
	v23 =	vld.idx.msk [tilespmem:v23+s8+$0x0], $0xffff  }
0x1da: {  	v25 =	vld.idx.msk [tilespmem:v25+s8+$0x0], $0xffff  }
0x1db: {  	v2 =	vor.u32 s30, v42;
	v27 =	vld.idx.msk [tilespmem:v27+s8+$0x0], $0xffff  }
0x1dc: {  	v0 =	vor.u32 s30, v43;
	v35 =	vld.idx.msk [tilespmem:v35+s8+$0x0], $0xffff  }
0x1dd: {  	v36 =	vld.idx.msk [tilespmem:v36+s8+$0x0], $0xffff  }
0x1de: {  	v9 =	vor.u32 s30, v61;
	v37 =	vld.idx.msk [tilespmem:v37+s8+$0x0], $0xffff  }
0x1df: {  	v41 =	vor.u32 s30, v46;
	v34 =	vand.u32 v62, v9;
	v9 =	vld [tilespmem:$0x1FE50]  }
0x1e0: {  	v16 =	vld.idx.msk [tilespmem:v2+s8+$0x0], $0xffff  }
0x1e1: {  	v43 =	vor.u32 s30, v48;
	v48 =	vor.u32 s30, v53;
	v19 =	vld.idx.msk [tilespmem:v0+s8+$0x0], $0xffff  }
0x1e2: {  	v2 =	vor.u32 s30, v44;
	v44 =	vld [tilespmem:$0x1FEB0]  }
0x1e3: {  	v0 =	vor.u32 s30, v52;
	v52 =	vld [tilespmem:$0x1FF60]  }
0x1e4: {  	v3 =	vor.u32 s30, v3;
	v41 =	vld.idx.msk [tilespmem:v41+s8+$0x0], $0xffff  }
0x1e5: {  	v53 =	vmul.f32 v11, v11;
	v11 =	vld [tilespmem:$0x1FFA0]  }
0x1e6: {  	v4 =	vor.u32 s30, v4;
	v48 =	vld.idx.msk [tilespmem:v48+s8+$0x0], $0xffff  }
0x1e7: {  	v33 =	vor.u32 s30, v10;
	v10 =	vor.u32 s30, v9;
	v9 =	vld [tilespmem:$0x1FEA0]  }
0x1e8: {  	v6 =	vor.u32 s30, v6;
	v34 =	vld.idx.msk [tilespmem:v34+s8+$0x0], $0xffff  }
0x1e9: {  	v7 =	vor.u32 s30, v7;
	v17 =	vld.idx.msk [tilespmem:v3+s8+$0x0], $0xffff  }
0x1ea: {  	v3 =	vld [tilespmem:$0x1FDA0]  }
0x1eb: {  	v18 =	vld.idx.msk [tilespmem:v4+s8+$0x0], $0xffff  }
0x1ec: {  	v4 =	vld [tilespmem:$0x1FDB0]  }
0x1ed: {  	v20 =	vld.idx.msk [tilespmem:v6+s8+$0x0], $0xffff  }
0x1ee: {  	v21 =	vld.idx.msk [tilespmem:v7+s8+$0x0], $0xffff  }
0x1ef: {  	v22 =	vld.idx.msk [tilespmem:v2+s8+$0x0], $0xffff  }
0x1f0: {  	v6 =	vor.u32 s30, v45;
	v45 =	vld [tilespmem:$0x1FEC0]  }
0x1f1: {  	v2 =	vor.u32 s30, v51;
	v51 =	vld [tilespmem:$0x1FF50]  }
0x1f2: {  	v42 =	vor.u32 s30, v47;
	v47 =	vor.u32 s30, v52;
	v52 =	vmul.f32 v8, v8;
	v8 =	vld [tilespmem:$0x1FFB0]  }
0x1f3: {  	v33 =	vld.idx.msk [tilespmem:v33+s8+$0x0], $0xffff  }
0x1f4: {  	v39 =	vor.u32 s30, v44;
	v44 =	vor.u32 s30, v49;
	v0 =	vld.idx.msk [tilespmem:v0+s8+$0x0], $0xffff  }
0x1f5: {  	v10 =	vld.idx.msk [tilespmem:v10+s8+$0x0], $0xffff  }
0x1f6: {  	v35 =	vmul.f32 v35, v35;
	v49 =	vor.u32 s30, v54;
	v28 =	vld.idx.msk [tilespmem:v6+s8+$0x0], $0xffff  }
0x1f7: {  	v34 =	vmul.f32 v34, v34;
	v6 =	vld [tilespmem:$0x1FE60];
	v40 =	vor.u32 s30, v45;
	v45 =	vor.u32 s30, v50  }
0x1f8: {  	v50 =	vmul.f32 v5, v5;
	v5 =	vmul.f32 v12, v12;
	v12 =	vor.u32 s30, v8;
	v8 =	vld [tilespmem:$0x1FF90]  }
0x1f9: {  	v9 =	vor.u32 s30, v9;
	v44 =	vld.idx.msk [tilespmem:v44+s8+$0x0], $0xffff  }
0x1fa: {  	v34 =	vadd.f32 v35, v34;
	v35 =	vor.u32 s30, v59;
	v47 =	vld.idx.msk [tilespmem:v47+s8+$0x0], $0xffff  }
0x1fb: {  	v3 =	vor.u32 s30, v3;
	v39 =	vld.idx.msk [tilespmem:v39+s8+$0x0], $0xffff  }
0x1fc: {  	v4 =	vor.u32 s30, v4;
	v49 =	vld.idx.msk [tilespmem:v49+s8+$0x0], $0xffff  }
0x1fd: {  	v2 =	vld.idx.msk [tilespmem:v2+s8+$0x0], $0xffff  }
0x1fe: {  	v9 =	vld.idx.msk [tilespmem:v9+s8+$0x0], $0xffff  }
0x1ff: {  	v35 =	vld.idx.msk [tilespmem:v35+s8+$0x0], $0xffff  }
0x200: {  	v24 =	vld.idx.msk [tilespmem:v3+s8+$0x0], $0xffff;
	v31 =	vor.u32 s30, v6  }
0x201: {  	v26 =	vld.idx.msk [tilespmem:v4+s8+$0x0], $0xffff  }
0x202: {  	v46 =	vor.u32 s30, v51;
	v3 =	vld [tilespmem:$0x1FE40]  }
0x203: {  	v6 =	vld [tilespmem:$0x1FE30]  }
0x204: {  	v45 =	vld.idx.msk [tilespmem:v45+s8+$0x0], $0xffff  }
0x205: {  	v54 =	vor.u32 s30, v8;
	v8 =	vmul.f32 v13, v13;
	v13 =	vmul.f32 v14, v14;
	v14 =	vld.idx.msk [tilespmem:v31+s8+$0x0], $0xffff  }
0x206: {  	v51 =	vor.u32 s30, v57;
	v31 =	vor.u32 s30, v11;
	v11 =	vld [tilespmem:$0x1FC30]  }
0x207: {  	v46 =	vld.idx.msk [tilespmem:v46+s8+$0x0], $0xffff  }
0x208: {  	v55 =	vor.u32 s30, v58;
	v40 =	vld.idx.msk [tilespmem:v40+s8+$0x0], $0xffff  }
0x209: {  	v29 =	vor.u32 s30, v3;
	v3 =	vld [tilespmem:$0x1FE10]  }
0x20a: {  	v38 =	vmul.f32 v38, v38;
	v7 =	vor.u32 s30, v6;
	v6 =	vld [tilespmem:$0x1FEE0]  }
0x20b: {  	v41 =	vmul.f32 v41, v41;
	v56 =	vor.u32 s30, v11;
	v11 =	vmul.f32 v18, v18;
	v18 =	vld.idx.msk [tilespmem:v51+s8+$0x0], $0xffff  }
0x20c: {  	v45 =	vmul.f32 v45, v45;
	v51 =	vld.idx.msk [tilespmem:v12+s8+$0x0], $0xffff  }
0x20d: {  	v38 =	vadd.f32 v41, v38;
	v12 =	vmul.f32 v19, v19;
	v19 =	vmul.f32 v44, v44;
	v44 =	vld.idx.msk [tilespmem:v55+s8+$0x0], $0xffff  }
0x20e: {  	v55 =	vld [tilespmem:$0x1FC10]  }
0x20f: {  	v33 =	vmul.f32 v33, v33;
	v38 =	vadd.f32 v45, v38;
	v4 =	vor.u32 s30, v3;
	v3 =	vld [tilespmem:$0x1FF10]  }
0x210: {  	v6 =	vor.u32 s30, v6;
	v29 =	vld.idx.msk [tilespmem:v29+s8+$0x0], $0xffff;
	v14 =	vmul.f32 v14, v14;
	v19 =	vadd.f32 v19, v34  }
0x211: {  	v32 =	vmul.f32 v32, v32;
	v33 =	vadd.f32 v33, v38;
	v7 =	vld.idx.msk [tilespmem:v7+s8+$0x0], $0xffff  }
0x212: {  	v41 =	vor.u32 s30, v60;
	v14 =	vadd.f32 v14, v19;
	v19 =	vld [tilespmem:$0x1FC50]  }
0x213: {  	v21 =	vmul.f32 v21, v21;
	v32 =	vadd.f32 v32, v33;
	v34 =	vor.u32 s30, v55;
	v55 =	vld.idx.msk [tilespmem:v56+s8+$0x0], $0xffff  }
0x214: {  	v56 =	vld [tilespmem:$0x1FC20]  }
0x215: {  	v15 =	vmul.f32 v15, v15;
	v30 =	vmul.f32 v30, v30;
	v21 =	vadd.f32 v21, v32;
	v6 =	vld.idx.msk [tilespmem:v6+s8+$0x0], $0xffff  }
0x216: {  	v1 =	vmul.f32 v1, v1;
	v4 =	vld.idx.msk [tilespmem:v4+s8+$0x0], $0xffff  }
0x217: {  	v3 =	vor.u32 s30, v3;
	v15 =	vadd.f32 v15, v21;
	v14 =	vadd.f32 v30, v14;
	v30 =	vld.idx.msk [tilespmem:v41+s8+$0x0], $0xffff  }
0x218: {  	v18 =	vmul.f32 v18, v18;
	v51 =	vmul.f32 v51, v51;
	v41 =	vld [tilespmem:$0x1FDC0]  }
0x219: {  	v20 =	vmul.f32 v20, v20;
	v1 =	vadd.f32 v1, v15;
	v15 =	vld.idx.msk [tilespmem:v31+s8+$0x0], $0xffff  }
0x21a: {  	v46 =	vmul.f32 v46, v46;
	v18 =	vadd.f32 v51, v18;
	v45 =	vor.u32 s30, v56;
	v56 =	vld [tilespmem:$0x1FC40]  }
0x21b: {  	v14 =	vadd.f32 v20, v14;
	v20 =	vld.idx.msk [tilespmem:v34+s8+$0x0], $0xffff  }
0x21c: {  	v36 =	vmul.f32 v36, v36;
	v18 =	vadd.f32 v46, v18;
	v3 =	vld.idx.msk [tilespmem:v3+s8+$0x0], $0xffff  }
0x21d: {  	v44 =	vmul.f32 v44, v44;
	v19 =	vor.u32 s30, v19;
	v55 =	vmul.f32 v55, v55;
	v34 =	vld [tilespmem:$0x1FEF0]  }
0x21e: {  	v13 =	vadd.f32 v13, v14;
	v18 =	vadd.f32 v36, v18;
	v36 =	vld [tilespmem:$0x1FCE0]  }
0x21f: {  	v23 =	vmul.f32 v23, v23;
	v44 =	vadd.f32 v55, v44;
	v55 =	vld [tilespmem:$0x1FC60]  }
0x220: {  	v13 =	vadd.f32 v50, v13;
	v50 =	vld [tilespmem:$0x1FE10]  }
0x221: {  	v18 =	vadd.f32 v23, v18;
	v23 =	vmul.f32 v40, v40;
	v40 =	vld [tilespmem:$0x1FD60]  }
0x222: {  	v19 =	vld.idx.msk [tilespmem:v19+s8+$0x0], $0xffff  }
0x223: {  	v22 =	vmul.f32 v22, v22;
	v51 =	vor.u32 s30, v56;
	v56 =	vld [tilespmem:$0x1FC70]  }
0x224: {  	v14 =	vld.idx.msk [tilespmem:v45+s8+$0x0], $0xffff  }
0x225: {  	v18 =	vadd.f32 v22, v18;
	v22 =	vld.idx.msk [tilespmem:v54+s8+$0x0], $0xffff  }
0x226: {  	v16 =	vmul.f32 v16, v16;
	v45 =	vld [tilespmem:$0x1FE00]  }
0x227: {  	v47 =	vmul.f32 v47, v47;
	v54 =	vld [tilespmem:$0x1FEE0];
	v55 =	vor.u32 s30, v55  }
0x228: {  	v16 =	vadd.f32 v16, v18;
	v18 =	vld.idx.msk [tilespmem:v42+s8+$0x0], $0xffff;
	v38 =	vor.u32 s30, v56  }
0x229: {  	v25 =	vmul.f32 v25, v25;
	v37 =	vmul.f32 v37, v37;
	v42 =	vld [tilespmem:$0x1FDD0];
	v56 =	vadd.f32 v47, v44  }
0x22a: {  	v27 =	vmul.f32 v27, v27;
	v17 =	vmul.f32 v17, v17;
	v16 =	vadd.f32 v52, v16;
	v52 =	vld [tilespmem:$0x1FE60]  }
0x22b: {  	v10 =	vmul.f32 v10, v10;
	v28 =	vmul.f32 v28, v28;
	v51 =	vld.idx.msk [tilespmem:v51+s8+$0x0], $0xffff;
	v44 =	vadd.f32 v37, v56  }
0x22c: {  	v9 =	vmul.f32 v9, v9;
	v24 =	vmul.f32 v24, v24;
	v46 =	vld.idx.msk [tilespmem:v55+s8+$0x0], $0xffff  }
0x22d: {  	v29 =	vmul.f32 v29, v29;
	v30 =	vmul.f32 v30, v30;
	v25 =	vadd.f32 v25, v44;
	v21 =	vld.idx.msk [tilespmem:v38+s8+$0x0], $0xffff  }
0x22e: {  	v20 =	vmul.f32 v20, v20;
	v47 =	vmul.f32 v39, v39;
	v39 =	vld [tilespmem:$0x1FD90]  }
0x22f: {  	v19 =	vmul.f32 v19, v19;
	v14 =	vmul.f32 v14, v14;
	v37 =	vld [tilespmem:$0x1FD00];
	v24 =	vadd.f32 v24, v25  }
0x230: {  	v1 =	vadd.f32 v1, v13;
	v55 =	vmul.f32 v48, v48;
	v48 =	vld [tilespmem:$0x1FC00];
	v31 =	vmul.f32 v51, v51  }
0x231: {  	v25 =	vmul.f32 v35, v35;
	v32 =	vmul.f32 v46, v46;
	v17 =	vadd.f32 v17, v24;
	v24 =	vld.idx.msk [tilespmem:v43+s8+$0x0], $0xffff  }
0x232: {  	v19 =	vadd.f32 v19, v30;
	v56 =	vmul.f32 v49, v49;
	v49 =	vld [tilespmem:$0x1FE40];
	v21 =	vmul.f32 v21, v21  }
0x233: {  	v22 =	vmul.f32 v22, v22;
	v44 =	vld [tilespmem:$0x1FDF0];
	v25 =	vadd.f32 v31, v25;
	v20 =	vadd.f32 v32, v20  }
0x234: {  	v15 =	vmul.f32 v15, v15;
	v19 =	vadd.f32 v56, v19;
	v56 =	vld [tilespmem:$0x1FE50];
	v14 =	vadd.f32 v21, v14  }
0x235: {  	v18 =	vmul.f32 v18, v18;
	v38 =	vld [tilespmem:$0x1FD10];
	v20 =	vadd.f32 v22, v20;
	v21 =	vadd.f32 v55, v25  }
0x236: {  	v51 =	vld [tilespmem:$0x1FF10];
	v19 =	vadd.f32 v23, v19;
	v14 =	vadd.f32 v15, v14;
	v15 =	vmul.f32 v24, v24  }
0x237: {  	v26 =	vmul.f32 v26, v26;
	v35 =	vld [tilespmem:$0x1FCB0];
	v18 =	vadd.f32 v18, v20;
	v21 =	vadd.f32 v47, v21  }
0x238: {  	v7 =	vmul.f32 v7, v7;
	v46 =	vld [tilespmem:$0x1FE20];
	v19 =	vadd.f32 v29, v19;
	v14 =	vadd.f32 v15, v14  }
0x239: {  	v6 =	vmul.f32 v6, v6;
	v43 =	vld [tilespmem:$0x1FDE0];
	v10 =	vadd.f32 v10, v18;
	v15 =	vadd.f32 v27, v21  }
0x23a: {  	s31 =	simm.s32 $0x400;
	v4 =	vmul.f32 v4, v4;
	v32 =	vld [tilespmem:$0x1FEA0];
	v17 =	vadd.f32 v53, v17;
	v9 =	vadd.f32 v9, v14  }
0x23b: {  	v13 =	vor.u32 s31, v44;
	v44 =	vld [tilespmem:$0x1FEB0];
	v7 =	vadd.f32 v7, v10;
	v14 =	vadd.f32 v26, v15  }
0x23c: {  	v3 =	vmul.f32 v3, v3;
	v55 =	vld [tilespmem:$0x1FE70];
	v15 =	vadd.f32 v28, v19;
	v6 =	vadd.f32 v6, v9  }
0x23d: {  	v2 =	vmul.f32 v2, v2;
	v53 =	vld [tilespmem:$0x1FE30];
	v4 =	vadd.f32 v4, v7;
	v9 =	vadd.f32 v11, v14  }
0x23e: {  	v0 =	vmul.f32 v0, v0;
	v47 =	vld [tilespmem:$0x1FBF0];
	v10 =	vadd.f32 v12, v15;
	v3 =	vadd.f32 v3, v6  }
0x23f: {  	v18 =	vor.u32 s31, v49;
	v49 =	vld [tilespmem:$0x1FED0];
	v2 =	vadd.f32 v2, v4;
	v5 =	vadd.f32 v5, v9  }
0x240: {  	v6 =	vadd.f32 v8, v10;
	v8 =	vld [tilespmem:$0x1FD40];
	v0 =	vadd.f32 v0, v3  }
0x241: {  	v24 =	vor.u32 s31, v55;
	v55 =	vld [tilespmem:$0x1FF70];
	v3 =	vadd.f32 v17, v16  }
0x242: {  	v19 =	vor.u32 s31, v52;
	v52 =	vld [tilespmem:$0x1FF30];
	v4 =	vadd.f32 v6, v5;
	v0 =	vadd.f32 v0, v2  }
0x243: {  	v9 =	vor.u32 s31, v42;
	v42 =	vld [tilespmem:$0x1FE90]  }
0x244: {  	v5 =	vld [tilespmem:$0x1FCF0];
	v2 =	vor.u32 s31, v35;
	v1 =	vadd.f32 v3, v1;
	v0 =	vadd.f32 v0, v4  }
0x245: {  	v16 =	vor.u32 s31, v46;
	v46 =	vld [tilespmem:$0x1FEC0];
	v8 =	vor.u32 s31, v8  }
0x246: {  	v3 =	vld [tilespmem:$0x1FCC0];
	v0 =	vadd.f32 v0, v1  }
0x247: {  	s16 =	simm.s32 $0x12A80;
	v10 =	vor.u32 s31, v43;
	v4 =	vld [tilespmem:$0x1FCD0]  }
0x248: {  	[tilespmem:s16+$0x0] =	vst v0;
	v0 =	vor.u32 s31, v37;
	v37 =	vld [tilespmem:$0x1FE80]  }
0x249: {  	v6 =	vld.idx.msk [tilespmem:v2+s8+$0x0], $0xffff  }
0x24a: {  	v29 =	vld.idx.msk [tilespmem:v8+s8+$0x0], $0xffff  }
0x24b: {  	v8 =	vld [tilespmem:$0x1FDA0]  }
0x24c: {  	v5 =	vor.u32 s31, v5;
	v43 =	vld.idx.msk [tilespmem:v10+s8+$0x0], $0xffff  }
0x24d: {  	v14 =	vor.u32 s31, v45;
	v45 =	vld.idx.msk [tilespmem:v13+s8+$0x0], $0xffff  }
0x24e: {  	v1 =	vor.u32 s31, v36;
	v20 =	vld.idx.msk [tilespmem:v16+s8+$0x0], $0xffff  }
0x24f: {  	v3 =	vor.u32 s31, v3;
	v21 =	vld.idx.msk [tilespmem:v18+s8+$0x0], $0xffff  }
0x250: {  	v10 =	vor.u32 s31, v56;
	v56 =	vld [tilespmem:$0x1FF80]  }
0x251: {  	v12 =	vld.idx.msk [tilespmem:v5+s8+$0x0], $0xffff  }
0x252: {  	v2 =	vor.u32 s31, v38;
	v5 =	vld [tilespmem:$0x1FD50]  }
0x253: {  	v4 =	vor.u32 s31, v4;
	v1 =	vld.idx.msk [tilespmem:v1+s8+$0x0], $0xffff  }
0x254: {  	v7 =	vld.idx.msk [tilespmem:v3+s8+$0x0], $0xffff  }
0x255: {  	v15 =	vld.idx.msk [tilespmem:v0+s8+$0x0], $0xffff;
	v0 =	vor.u32 s31, v39  }
0x256: {  	v3 =	vld [tilespmem:$0x1FD20]  }
0x257: {  	v17 =	vld.idx.msk [tilespmem:v2+s8+$0x0], $0xffff;
	v2 =	vor.u32 s31, v40  }
0x258: {  	v11 =	vld.idx.msk [tilespmem:v4+s8+$0x0], $0xffff;
	v8 =	vor.u32 s31, v8  }
0x259: {  	v4 =	vld [tilespmem:$0x1FD30]  }
0x25a: {  	v31 =	vld.idx.msk [tilespmem:v0+s8+$0x0], $0xffff  }
0x25b: {  	v0 =	vor.u32 s31, v41;
	v41 =	vld.idx.msk [tilespmem:v9+s8+$0x0], $0xffff  }
0x25c: {  	v5 =	vor.u32 s31, v5;
	v3 =	vor.u32 s31, v3;
	v9 =	vor.u32 s31, v61;
	v33 =	vld.idx.msk [tilespmem:v2+s8+$0x0], $0xffff  }
0x25d: {  	v38 =	vld.idx.msk [tilespmem:v8+s8+$0x0], $0xffff;
	v22 =	vand.u32 v62, v9;
	v9 =	vor.u32 s31, v32;
	v32 =	vor.u32 s31, v37  }
0x25e: {  	v37 =	vor.u32 s31, v42;
	v42 =	vor.u32 s31, v44;
	v44 =	vor.u32 s31, v46;
	v46 =	vld.idx.msk [tilespmem:v19+s8+$0x0], $0xffff  }
0x25f: {  	v8 =	vor.u32 s31, v53;
	v53 =	vld [tilespmem:$0x1FF50]  }
0x260: {  	v28 =	vmul.f32 v17, v17;
	v17 =	vor.u32 s31, v58;
	v58 =	vld [tilespmem:$0x1FC30]  }
0x261: {  	v4 =	vor.u32 s31, v4;
	v30 =	vld.idx.msk [tilespmem:v5+s8+$0x0], $0xffff  }
0x262: {  	v5 =	vld [tilespmem:$0x1FDB0]  }
0x263: {  	v25 =	vld.idx.msk [tilespmem:v3+s8+$0x0], $0xffff  }
0x264: {  	v3 =	vld [tilespmem:$0x1FD70]  }
0x265: {  	v16 =	vor.u32 s31, v63;
	v40 =	vld.idx.msk [tilespmem:v0+s8+$0x0], $0xffff  }
0x266: {  	v26 =	vld.idx.msk [tilespmem:v4+s8+$0x0], $0xffff  }
0x267: {  	v0 =	vor.u32 s31, v47;
	v4 =	vld [tilespmem:$0x1FD80]  }
0x268: {  	[tilespmem:$0x1FAF0] =	vst v0;
	v0 =	vor.u32 s31, v48;
	v48 =	vld [tilespmem:$0x1FF40]  }
0x269: {  	v47 =	vld.idx.msk [tilespmem:v14+s8+$0x0], $0xffff;
	v14 =	vor.u32 s31, v49  }
0x26a: {  	v49 =	vor.u32 s31, v53;
	v53 =	vor.u32 s31, v56;
	v56 =	vld.idx.msk [tilespmem:v16+s8+$0x0], $0xffff;
	v5 =	vor.u32 s31, v5  }
0x26b: {  	[tilespmem:$0x1FB00] =	vst v0;
	v0 =	vor.u32 s31, v50;
	v50 =	vld [tilespmem:$0x1FF00]  }
0x26c: {  	[tilespmem:$0x1FB10] =	vst v0;
	v0 =	vor.u32 s31, v51;
	v51 =	vld [tilespmem:$0x1FF20]  }
0x26d: {  	v3 =	vor.u32 s31, v3;
	[tilespmem:$0x1FB20] =	vst v0;
	v0 =	vld [tilespmem:$0x1FFA0];
	v4 =	vor.u32 s31, v4;
	v27 =	vor.u32 s31, v48  }
0x26e: {  	v48 =	vor.u32 s31, v52;
	v52 =	vor.u32 s31, v55;
	v55 =	vor.u32 s31, v57;
	v57 =	vld [tilespmem:$0x1FFB0]  }
0x26f: {  	v39 =	vld.idx.msk [tilespmem:v5+s8+$0x0], $0xffff  }
0x270: {  	v5 =	vor.u32 s31, v54;
	v54 =	vld [tilespmem:$0x1FF60]  }
0x271: {  	v23 =	vor.u32 s31, v34;
	v34 =	vor.u32 s31, v51;
	v51 =	vld.idx.msk [tilespmem:v22+s8+$0x0], $0xffff  }
0x272: {  	v35 =	vld.idx.msk [tilespmem:v3+s8+$0x0], $0xffff  }
0x273: {  	v36 =	vld.idx.msk [tilespmem:v4+s8+$0x0], $0xffff  }
0x274: {  	v22 =	vmul.f32 v6, v6;
	v6 =	vmul.f32 v12, v12;
	v12 =	vld.idx.msk [tilespmem:v27+s8+$0x0], $0xffff  }
0x275: {  	v16 =	vmul.f32 v1, v1;
	v1 =	vor.u32 s31, v57;
	v57 =	vld [tilespmem:$0x1FF90]  }
0x276: {  	v48 =	vld.idx.msk [tilespmem:v48+s8+$0x0], $0xffff  }
0x277: {  	v13 =	vor.u32 s31, v50;
	v50 =	vor.u32 s31, v54;
	v54 =	vld.idx.msk [tilespmem:v23+s8+$0x0], $0xffff  }
0x278: {  	v19 =	vmul.f32 v7, v7;
	v55 =	vld.idx.msk [tilespmem:v55+s8+$0x0], $0xffff  }
0x279: {  	v7 =	vmul.f32 v15, v15;
	v27 =	vmul.f32 v25, v25;
	v15 =	vld.idx.msk [tilespmem:v34+s8+$0x0], $0xffff  }
0x27a: {  	v25 =	vmul.f32 v29, v29;
	v29 =	vmul.f32 v56, v56;
	v56 =	vor.u32 s31, v59;
	v59 =	vld.idx.msk [tilespmem:v49+s8+$0x0], $0xffff  }
0x27b: {  	v18 =	vmul.f32 v11, v11;
	v11 =	vmul.f32 v30, v30;
	v23 =	vor.u32 s31, v57;
	v57 =	vld.idx.msk [tilespmem:v24+s8+$0x0], $0xffff  }
0x27c: {  	v34 =	vmul.f32 v51, v51;
	v1 =	vld.idx.msk [tilespmem:v1+s8+$0x0], $0xffff;
	v51 =	vmul.f32 v54, v54;
	v54 =	vor.u32 s31, v58  }
0x27d: {  	v30 =	vmul.f32 v12, v12;
	v12 =	vmul.f32 v31, v31;
	v31 =	vld.idx.msk [tilespmem:v37+s8+$0x0], $0xffff  }
0x27e: {  	v37 =	vor.u32 s31, v60;
	v48 =	vmul.f32 v48, v48;
	v60 =	vld.idx.msk [tilespmem:v50+s8+$0x0], $0xffff;
	v2 =	vmul.f32 v15, v15  }
0x27f: {  	v50 =	vld [tilespmem:$0x1FC20];
	v58 =	vadd.f32 v30, v29;
	v30 =	vmul.f32 v36, v36;
	v29 =	vmul.f32 v38, v38  }
0x280: {  	v38 =	vld.idx.msk [tilespmem:v17+s8+$0x0], $0xffff;
	v15 =	vmul.f32 v39, v39;
	v17 =	vmul.f32 v40, v40  }
0x281: {  	v40 =	vmul.f32 v46, v46;
	v46 =	vmul.f32 v43, v43;
	v39 =	vld.idx.msk [tilespmem:v54+s8+$0x0], $0xffff  }
0x282: {  	v49 =	vld [tilespmem:$0x1FC40];
	v51 =	vadd.f32 v51, v34;
	v34 =	vmul.f32 v33, v33;
	v33 =	vmul.f32 v35, v35  }
0x283: {  	v36 =	vld [tilespmem:$0x1FC10];
	v35 =	vmul.f32 v55, v55;
	v1 =	vmul.f32 v1, v1  }
0x284: {  	v55 =	vadd.f32 v48, v58;
	v48 =	vmul.f32 v41, v41;
	v41 =	vld.idx.msk [tilespmem:v52+s8+$0x0], $0xffff;
	v54 =	vadd.f32 v2, v51  }
0x285: {  	v51 =	vadd.f32 v1, v35;
	v35 =	vor.u32 s31, v50;
	v1 =	vmul.f32 v57, v57;
	v50 =	vld [tilespmem:$0x1FC50]  }
0x286: {  	v43 =	vmul.f32 v38, v38;
	v52 =	vadd.f32 v40, v54;
	v54 =	vld [tilespmem:$0x1FC60];
	v57 =	vmul.f32 v39, v39  }
0x287: {  	v39 =	vmul.f32 v45, v45;
	v45 =	vld.idx.msk [tilespmem:v53+s8+$0x0], $0xffff  }
0x288: {  	v58 =	vor.u32 s31, v49;
	v53 =	vadd.f32 v57, v43;
	v57 =	vld [tilespmem:$0x1FC70]  }
0x289: {  	v32 =	vld.idx.msk [tilespmem:v32+s8+$0x0], $0xffff  }
0x28a: {  	v42 =	vld.idx.msk [tilespmem:v42+s8+$0x0], $0xffff;
	v26 =	vmul.f32 v26, v26  }
0x28b: {  	v44 =	vld.idx.msk [tilespmem:v44+s8+$0x0], $0xffff;
	v24 =	vor.u32 s31, v0;
	v36 =	vor.u32 s31, v36;
	v38 =	vmul.f32 v47, v47  }
0x28c: {  	v40 =	vld.idx.msk [tilespmem:v56+s8+$0x0], $0xffff;
	v56 =	vmul.f32 v59, v59;
	v50 =	vor.u32 s31, v50;
	v49 =	vor.u32 s31, v54  }
0x28d: {  	s17 =	simm.s32 $0x800;
	v47 =	vld.idx.msk [tilespmem:v58+s8+$0x0], $0xffff;
	v54 =	vadd.f32 v1, v55;
	v55 =	vmul.f32 v60, v60;
	v43 =	vor.u32 s31, v57  }
.LBB2_4:
0x28e: {  	_ =	sdelay $0x2  }
0x28f: {  	v1 =	vld.idx.msk [tilespmem:v37+s8+$0x0], $0xffff  }
0x290: {  	v50 =	vld.idx.msk [tilespmem:v50+s8+$0x0], $0xffff  }
0x291: {  	v36 =	vld.idx.msk [tilespmem:v36+s8+$0x0], $0xffff  }
0x292: {  	v35 =	vld.idx.msk [tilespmem:v35+s8+$0x0], $0xffff  }
0x293: {  	v57 =	vld.idx.msk [tilespmem:v43+s8+$0x0], $0xffff  }
0x294: {  	v23 =	vld.idx.msk [tilespmem:v23+s8+$0x0], $0xffff  }
0x295: {  	v24 =	vld.idx.msk [tilespmem:v24+s8+$0x0], $0xffff  }
0x296: {  	v14 =	vld.idx.msk [tilespmem:v14+s8+$0x0], $0xffff  }
0x297: {  	v13 =	vld.idx.msk [tilespmem:v13+s8+$0x0], $0xffff  }
0x298: {  	v10 =	vld.idx.msk [tilespmem:v10+s8+$0x0], $0xffff  }
0x299: {  	v9 =	vld.idx.msk [tilespmem:v9+s8+$0x0], $0xffff  }
0x29a: {  	v8 =	vld.idx.msk [tilespmem:v8+s8+$0x0], $0xffff  }
0x29b: {  	v5 =	vld.idx.msk [tilespmem:v5+s8+$0x0], $0xffff  }
0x29c: {  	v0 =	vld [tilespmem:$0x1FB10]  }
0x29d: {  	v37 =	vld [tilespmem:$0x1FAF0]  }
0x29e: {  	v43 =	vld [tilespmem:$0x1FD60]  }
0x29f: {  	v2 =	vadd.f32 v56, v51;
	v56 =	vld.idx.msk [tilespmem:v49+s8+$0x0], $0xffff  }
0x2a0: {  	v49 =	vld [tilespmem:$0x1FE20]  }
0x2a1: {  	v51 =	vld [tilespmem:$0x1FC00]  }
0x2a2: {  	v48 =	vadd.f32 v48, v52;
	v52 =	vld [tilespmem:$0x1FE40]  }
0x2a3: {  	v55 =	vadd.f32 v55, v53;
	v53 =	vld [tilespmem:$0x1FE10]  }
0x2a4: {  	v32 =	vmul.f32 v32, v32;
	v46 =	vadd.f32 v46, v54;
	v54 =	vld [tilespmem:$0x1FF10]  }
0x2a5: {  	v59 =	vmul.f32 v41, v41;
	v41 =	vld [tilespmem:$0x1FD10]  }
0x2a6: {  	v31 =	vmul.f32 v31, v31;
	v32 =	vadd.f32 v32, v2;
	v2 =	vld [tilespmem:$0x1FB00]  }
0x2a7: {  	v33 =	vadd.f32 v33, v46;
	v46 =	vld [tilespmem:$0x1FDE0]  }
0x2a8: {  	v34 =	vadd.f32 v34, v48;
	v31 =	vadd.f32 v31, v55;
	v48 =	vld [tilespmem:$0x1FE00]  }
0x2a9: {  	v20 =	vmul.f32 v20, v20;
	v55 =	vld [tilespmem:$0x1FE60]  }
0x2aa: {  	v58 =	vmul.f32 v44, v44;
	v44 =	vld [tilespmem:$0x1FDC0];
	v32 =	vadd.f32 v39, v32;
	v31 =	vadd.f32 v38, v31  }
0x2ab: {  	v21 =	vmul.f32 v21, v21;
	v28 =	vadd.f32 v28, v34;
	v27 =	vadd.f32 v27, v33;
	v38 =	vld [tilespmem:$0x1FCB0]  }
0x2ac: {  	v1 =	vmul.f32 v1, v1;
	v39 =	vld [tilespmem:$0x1FCC0];
	v30 =	vadd.f32 v30, v32;
	v29 =	vadd.f32 v29, v31  }
0x2ad: {  	v34 =	vmul.f32 v57, v57;
	v57 =	vld [tilespmem:$0x1FEE0];
	v60 =	vmul.f32 v56, v56;
	v22 =	vadd.f32 v22, v28  }
0x2ae: {  	v26 =	vadd.f32 v26, v30;
	v25 =	vadd.f32 v25, v29;
	v29 =	vmul.f32 v36, v36;
	v36 =	vld [tilespmem:$0x1FB20]  }
0x2af: {  	v56 =	vld [tilespmem:$0x1FE30];
	v19 =	vadd.f32 v19, v27;
	v27 =	vmul.f32 v40, v40;
	v31 =	vmul.f32 v47, v47  }
0x2b0: {  	v28 =	vmul.f32 v45, v45;
	v40 =	vld [tilespmem:$0x1FD00];
	v30 =	vmul.f32 v50, v50;
	v18 =	vadd.f32 v18, v26  }
0x2b1: {  	v45 =	vld [tilespmem:$0x1FDD0];
	v26 =	vmul.f32 v35, v35;
	v16 =	vadd.f32 v16, v25;
	v25 =	vadd.f32 v31, v27  }
0x2b2: {  	v23 =	vmul.f32 v23, v23;
	v47 =	vld [tilespmem:$0x1FDF0];
	v1 =	vadd.f32 v30, v1;
	v27 =	vadd.f32 v60, v29  }
0x2b3: {  	v42 =	vmul.f32 v42, v42;
	v24 =	vmul.f32 v24, v24;
	v32 =	vld [tilespmem:$0x1FE80];
	v26 =	vadd.f32 v34, v26  }
0x2b4: {  	v14 =	vmul.f32 v14, v14;
	v4 =	vld.idx.msk [tilespmem:v0+s8+$0x0], $0xffff;
	v1 =	vadd.f32 v28, v1;
	v23 =	vadd.f32 v23, v27  }
0x2b5: {  	v13 =	vmul.f32 v13, v13;
	v0 =	vld.idx.msk [tilespmem:v37+s8+$0x0], $0xffff;
	v25 =	vadd.f32 v59, v25;
	v24 =	vadd.f32 v24, v26  }
0x2b6: {  	v10 =	vmul.f32 v10, v10;
	v1 =	vadd.f32 v58, v1;
	v14 =	vadd.f32 v14, v23;
	v3 =	vld.idx.msk [tilespmem:v36+s8+$0x0], $0xffff  }
0x2b7: {  	v9 =	vmul.f32 v9, v9;
	v37 =	vld [tilespmem:$0x1FE90];
	v25 =	vadd.f32 v42, v25;
	v13 =	vadd.f32 v13, v24  }
0x2b8: {  	v8 =	vmul.f32 v8, v8;
	v2 =	vld.idx.msk [tilespmem:v2+s8+$0x0], $0xffff;
	v1 =	vadd.f32 v21, v1;
	v10 =	vadd.f32 v10, v14  }
0x2b9: {  	v5 =	vmul.f32 v5, v5;
	v59 =	vld [tilespmem:$0x1FE50];
	v20 =	vadd.f32 v20, v25;
	v9 =	vadd.f32 v9, v13  }
0x2ba: {  	v50 =	vld [tilespmem:$0x1FBF0];
	v4 =	vmul.f32 v4, v4;
	v1 =	vadd.f32 v17, v1;
	v8 =	vadd.f32 v8, v10  }
0x2bb: {  	v60 =	vld [tilespmem:$0x1FEA0];
	v13 =	vadd.f32 v15, v20;
	v5 =	vadd.f32 v5, v9;
	v3 =	vmul.f32 v3, v3  }
0x2bc: {  	v0 =	vmul.f32 v0, v0;
	v42 =	vld [tilespmem:$0x1FD90];
	v1 =	vadd.f32 v12, v1;
	v4 =	vadd.f32 v4, v8  }
0x2bd: {  	v58 =	vld [tilespmem:$0x1FE70];
	v2 =	vmul.f32 v2, v2;
	v9 =	vadd.f32 v11, v13;
	v3 =	vadd.f32 v3, v5  }
0x2be: {  	v10 =	vor.u32 s17, v59;
	v59 =	vld [tilespmem:$0x1FFA0];
	v1 =	vadd.f32 v7, v1;
	v0 =	vadd.f32 v0, v4  }
0x2bf: {  	v8 =	vor.u32 s17, v45;
	v45 =	vld [tilespmem:$0x1FEB0];
	v5 =	vadd.f32 v6, v9;
	v2 =	vadd.f32 v2, v3  }
0x2c0: {  	v4 =	vadd.f32 v16, v18;
	v7 =	vld [tilespmem:$0x1FD20];
	v3 =	vadd.f32 v19, v22  }
0x2c1: {  	v13 =	vor.u32 s17, v48;
	v48 =	vld [tilespmem:$0x1FED0];
	v1 =	vadd.f32 v1, v5;
	v0 =	vadd.f32 v2, v0  }
0x2c2: {  	v16 =	vor.u32 s17, v49;
	v18 =	vor.u32 s17, v52;
	v49 =	vld [tilespmem:$0x1FF00]  }
0x2c3: {  	v52 =	vld [tilespmem:$0x1FF30];
	v2 =	vor.u32 s17, v38;
	v3 =	vadd.f32 v4, v3;
	v0 =	vadd.f32 v0, v1  }
0x2c4: {  	v5 =	vld [tilespmem:$0x1FCF0];
	v1 =	vor.u32 s17, v39  }
0x2c5: {  	v19 =	vor.u32 s17, v55;
	v55 =	vld [tilespmem:$0x1FF70];
	v7 =	vor.u32 s17, v7;
	v0 =	vadd.f32 v0, v3  }
0x2c6: {  	s16 =	sadd.s32 $0x10, s16;
	v4 =	vld [tilespmem:$0x1FCD0]  }
0x2c7: {  	v3 =	vld [tilespmem:$0x1FCE0];
	[tilespmem:s16+$0x0] =	vst v0  }
0x2c8: {  	v6 =	vld.idx.msk [tilespmem:v2+s8+$0x0], $0xffff  }
0x2c9: {  	v1 =	vld.idx.msk [tilespmem:v1+s8+$0x0], $0xffff  }
0x2ca: {  	v22 =	vor.u32 s17, v32;
	v26 =	vld.idx.msk [tilespmem:v7+s8+$0x0], $0xffff  }
0x2cb: {  	v27 =	vor.u32 s17, v37;
	v7 =	vld [tilespmem:$0x1FD70]  }
0x2cc: {  	v9 =	vor.u32 s17, v47;
	v47 =	vld.idx.msk [tilespmem:v13+s8+$0x0], $0xffff  }
0x2cd: {  	v28 =	vor.u32 s17, v52;
	v20 =	vld.idx.msk [tilespmem:v16+s8+$0x0], $0xffff  }
0x2ce: {  	v5 =	vor.u32 s17, v5;
	v21 =	vld.idx.msk [tilespmem:v18+s8+$0x0], $0xffff  }
0x2cf: {  	v32 =	vld.idx.msk [tilespmem:v22+s8+$0x0], $0xffff  }
0x2d0: {  	v31 =	vld.idx.msk [tilespmem:v27+s8+$0x0], $0xffff  }
0x2d1: {  	v4 =	vor.u32 s17, v4;
	v18 =	vor.u32 s17, v61;
	v61 =	vld [tilespmem:$0x1FF40]  }
0x2d2: {  	v24 =	vor.u32 s17, v59;
	v59 =	vld.idx.msk [tilespmem:v28+s8+$0x0], $0xffff  }
0x2d3: {  	v0 =	vor.u32 s17, v40;
	v15 =	vld.idx.msk [tilespmem:v5+s8+$0x0], $0xffff  }
0x2d4: {  	v5 =	vld [tilespmem:$0x1FD50]  }
0x2d5: {  	v37 =	vand.u32 v62, v18;
	v62 =	vld [tilespmem:$0x1FFD0]  }
0x2d6: {  	v2 =	vor.u32 s17, v41;
	v11 =	vld.idx.msk [tilespmem:v4+s8+$0x0], $0xffff  }
0x2d7: {  	v3 =	vor.u32 s17, v3;
	v4 =	vld [tilespmem:$0x1FD30]  }
0x2d8: {  	v17 =	vld.idx.msk [tilespmem:v0+s8+$0x0], $0xffff  }
0x2d9: {  	v0 =	vor.u32 s17, v42;
	v42 =	vld.idx.msk [tilespmem:v8+s8+$0x0], $0xffff  }
0x2da: {  	v8 =	vor.u32 s17, v56;
	v56 =	vld [tilespmem:$0x1FF80]  }
0x2db: {  	v25 =	vld.idx.msk [tilespmem:v2+s8+$0x0], $0xffff  }
0x2dc: {  	v2 =	vor.u32 s17, v43;
	v12 =	vld.idx.msk [tilespmem:v3+s8+$0x0], $0xffff  }
0x2dd: {  	v7 =	vor.u32 s17, v7;
	v3 =	vld [tilespmem:$0x1FD40]  }
0x2de: {  	v34 =	vld.idx.msk [tilespmem:v0+s8+$0x0], $0xffff  }
0x2df: {  	v5 =	vor.u32 s17, v5;
	v0 =	vor.u32 s17, v44;
	v44 =	vld.idx.msk [tilespmem:v9+s8+$0x0], $0xffff  }
0x2e0: {  	v9 =	vor.u32 s17, v60;
	v60 =	vld [tilespmem:$0x1FFC0]  }
0x2e1: {  	v4 =	vor.u32 s17, v4;
	v35 =	vld.idx.msk [tilespmem:v2+s8+$0x0], $0xffff  }
0x2e2: {  	v36 =	vld.idx.msk [tilespmem:v7+s8+$0x0], $0xffff  }
0x2e3: {  	v7 =	vor.u32 s17, v46;
	v46 =	vld [tilespmem:$0x1FEC0]  }
0x2e4: {  	v33 =	vld.idx.msk [tilespmem:v5+s8+$0x0], $0xffff  }
0x2e5: {  	v5 =	vld [tilespmem:$0x1FDB0]  }
0x2e6: {  	v29 =	vld.idx.msk [tilespmem:v4+s8+$0x0], $0xffff  }
0x2e7: {  	v4 =	vld [tilespmem:$0x1FD80]  }
0x2e8: {  	v41 =	vld.idx.msk [tilespmem:v0+s8+$0x0], $0xffff  }
0x2e9: {  	v0 =	vor.u32 s17, v50;
	v50 =	vld [tilespmem:$0x1FF20]  }
0x2ea: {  	v13 =	vor.u32 s17, v49;
	v49 =	vor.u32 s17, v60;
	v60 =	vld.idx.msk [tilespmem:v37+s8+$0x0], $0xffff  }
0x2eb: {  	v3 =	vor.u32 s17, v3;
	v37 =	vld [tilespmem:$0x1FFE0]  }
0x2ec: {  	v43 =	vld.idx.msk [tilespmem:v7+s8+$0x0], $0xffff  }
0x2ed: {  	v7 =	vor.u32 s17, v58;
	v58 =	vld [tilespmem:$0x1FEF0]  }
0x2ee: {  	[tilespmem:$0x1FAF0] =	vst v0;
	v0 =	vor.u32 s17, v51;
	v51 =	vor.u32 s17, v46;
	v46 =	vor.u32 s17, v63;
	v63 =	vld [tilespmem:$0x1FFB0]  }
0x2ef: {  	[tilespmem:$0x1FB00] =	vst v0;
	v0 =	vor.u32 s17, v53;
	v53 =	vld [tilespmem:$0x1FF50]  }
0x2f0: {  	v30 =	vld.idx.msk [tilespmem:v3+s8+$0x0], $0xffff  }
0x2f1: {  	v3 =	vld [tilespmem:$0x1FDA0]  }
0x2f2: {  	v5 =	vor.u32 s17, v5;
	[tilespmem:$0x1FB10] =	vst v0;
	v0 =	vor.u32 s17, v54;
	v54 =	vld [tilespmem:$0x1FF60]  }
0x2f3: {  	[tilespmem:$0x1FB20] =	vst v0;
	v0 =	vld.idx.msk [tilespmem:v49+s8+$0x0], $0xffff  }
0x2f4: {  	v49 =	vld [tilespmem:$0x1FC60]  }
0x2f5: {  	v22 =	vmul.f32 v6, v6;
	v6 =	vmul.f32 v15, v15;
	v15 =	vor.u32 s17, v63;
	v63 =	vld.idx.msk [tilespmem:v46+s8+$0x0], $0xffff  }
0x2f6: {  	v4 =	vor.u32 s17, v4;
	v46 =	vmul.f32 v43, v43;
	v43 =	vld [tilespmem:$0x1FC50]  }
0x2f7: {  	v14 =	vor.u32 s17, v48;
	v40 =	vld.idx.msk [tilespmem:v5+s8+$0x0], $0xffff  }
0x2f8: {  	v16 =	vor.u32 s17, v50;
	v48 =	vor.u32 s17, v58;
	v5 =	vor.u32 s17, v57;
	v57 =	vld [tilespmem:$0x1FF90]  }
0x2f9: {  	v52 =	vor.u32 s17, v53;
	v53 =	vor.u32 s17, v54;
	v54 =	vor.u32 s17, v55;
	v55 =	vld.idx.msk [tilespmem:v19+s8+$0x0], $0xffff  }
0x2fa: {  	v19 =	vmul.f32 v1, v1;
	v1 =	vor.u32 s17, v61;
	v61 =	vor.u32 s17, v37;
	v37 =	vld [tilespmem:$0x1FFF0]  }
0x2fb: {  	v3 =	vor.u32 s17, v3;
	v38 =	vld.idx.msk [tilespmem:v4+s8+$0x0], $0xffff  }
0x2fc: {  	v4 =	vld [tilespmem:$0x1FC40]  }
0x2fd: {  	v58 =	vld.idx.msk [tilespmem:v16+s8+$0x0], $0xffff  }
0x2fe: {  	v50 =	vor.u32 s17, v62;
	v62 =	vld.idx.msk [tilespmem:v48+s8+$0x0], $0xffff  }
0x2ff: {  	v48 =	vld [tilespmem:$0x1FC30]  }
0x300: {  	v27 =	vmul.f32 v26, v26;
	v39 =	vld.idx.msk [tilespmem:v3+s8+$0x0], $0xffff  }
0x301: {  	v18 =	vmul.f32 v11, v11;
	v28 =	vmul.f32 v25, v25;
	v3 =	vld [tilespmem:$0x1FC10]  }
0x302: {  	v11 =	vmul.f32 v33, v33;
	v23 =	vor.u32 s17, v57;
	v57 =	vld.idx.msk [tilespmem:v7+s8+$0x0], $0xffff;
	v7 =	vmul.f32 v17, v17  }
0x303: {  	v17 =	vmul.f32 v41, v41;
	v41 =	vmul.f32 v60, v60;
	v60 =	vld [tilespmem:$0x1FC70]  }
0x304: {  	v45 =	vor.u32 s17, v45;
	v33 =	vmul.f32 v36, v36;
	v25 =	vmul.f32 v30, v30;
	v1 =	vld.idx.msk [tilespmem:v1+s8+$0x0], $0xffff  }
0x305: {  	v30 =	vmul.f32 v38, v38;
	v38 =	vmul.f32 v47, v47;
	v47 =	vld.idx.msk [tilespmem:v52+s8+$0x0], $0xffff;
	v2 =	vor.u32 s17, v48  }
0x306: {  	v26 =	vmul.f32 v29, v29;
	v48 =	vmul.f32 v42, v42;
	v36 =	vor.u32 s17, v3;
	v3 =	vld [tilespmem:$0x1FC20]  }
0x307: {  	v42 =	vmul.f32 v62, v62;
	v62 =	vld [tilespmem:$0x1FC90];
	v29 =	vmul.f32 v39, v39  }
0x308: {  	v39 =	vmul.f32 v44, v44;
	v44 =	vmul.f32 v63, v63;
	v63 =	vld [tilespmem:$0x1FCA0]  }
0x309: {  	v41 =	vadd.f32 v42, v41;
	v42 =	vld.idx.msk [tilespmem:v45+s8+$0x0], $0xffff  }
0x30a: {  	v56 =	vor.u32 s17, v56;
	v16 =	vmul.f32 v12, v12;
	v12 =	vmul.f32 v34, v34;
	v2 =	vld.idx.msk [tilespmem:v2+s8+$0x0], $0xffff  }
0x30b: {  	v34 =	vmul.f32 v35, v35;
	v1 =	vmul.f32 v1, v1;
	v35 =	vor.u32 s17, v3;
	v3 =	vld.idx.msk [tilespmem:v15+s8+$0x0], $0xffff  }
0x30c: {  	v4 =	vor.u32 s17, v4;
	v15 =	vmul.f32 v40, v40;
	v40 =	vld.idx.msk [tilespmem:v50+s8+$0x0], $0xffff  }
0x30d: {  	v0 =	vmul.f32 v0, v0;
	v45 =	vmul.f32 v59, v59;
	v1 =	vadd.f32 v1, v44;
	v44 =	vld.idx.msk [tilespmem:v51+s8+$0x0], $0xffff  }
0x30e: {  	p0 =	sne.s32 s17, $0x9000;
	v52 =	vmul.f32 v58, v58;
	v50 =	vor.u32 s17, v43;
	v43 =	vor.u32 s17, v60;
	v60 =	vld.idx.msk [tilespmem:v53+s8+$0x0], $0xffff  }
.Ltmp1:
0x30f: {  	v57 =	vmul.f32 v57, v57;
	v1 =	vadd.f32 v45, v1;
	v45 =	vld.idx.msk [tilespmem:v56+s8+$0x0], $0xffff;
	v56 =	vmul.f32 v47, v47;
	(pc) =	sbr.rel @p0 .LBB2_4-.Ltmp1, $4  }
0x310: {  	v52 =	vadd.f32 v52, v41;
	v41 =	vld.idx.msk [tilespmem:v54+s8+$0x0], $0xffff;
	v53 =	vmul.f32 v55, v55;
	v3 =	vmul.f32 v3, v3  }
0x311: {  	v49 =	vor.u32 s17, v49;
	v47 =	vld.idx.msk [tilespmem:v4+s8+$0x0], $0xffff;
	v2 =	vmul.f32 v2, v2;
	v54 =	vmul.f32 v40, v40  }
0x312: {  	v37 =	vor.u32 s17, v37;
	v52 =	vadd.f32 v53, v52;
	v40 =	vld.idx.msk [tilespmem:v61+s8+$0x0], $0xffff;
	v51 =	vadd.f32 v3, v0  }
0x313: {  	s17 =	sadd.s32 $0x400, s17;
	v61 =	vld [tilespmem:$0x1FC80];
	v55 =	vmul.f32 v60, v60;
	v53 =	vadd.f32 v2, v54;
	v54 =	vadd.f32 v57, v1  }
0x314: {  	_ =	sdelay $0x3  }
0x315: {  	v0 =	vadd.f32 v56, v51;
	v1 =	vmul.f32 v32, v32;
	v2 =	vadd.f32 v48, v52;
	v3 =	vld.idx.msk [tilespmem:v37+s8+$0x0], $0xffff  }
0x316: {  	v31 =	vmul.f32 v31, v31;
	v56 =	vld.idx.msk [tilespmem:v50+s8+$0x0], $0xffff;
	v4 =	vadd.f32 v55, v53;
	v55 =	vadd.f32 v46, v54  }
0x317: {  	v57 =	vld.idx.msk [tilespmem:v49+s8+$0x0], $0xffff;
	v0 =	vadd.f32 v1, v0;
	v2 =	vadd.f32 v34, v2  }
0x318: {  	v1 =	vmul.f32 v20, v20;
	v20 =	vld.idx.msk [tilespmem:v36+s8+$0x0], $0xffff;
	v4 =	vadd.f32 v31, v4;
	v31 =	vadd.f32 v33, v55  }
0x319: {  	v0 =	vadd.f32 v39, v0;
	v2 =	vadd.f32 v28, v2;
	v28 =	vld.idx.msk [tilespmem:v35+s8+$0x0], $0xffff  }
0x31a: {  	v4 =	vadd.f32 v38, v4;
	v27 =	vadd.f32 v27, v31;
	v31 =	vld.idx.msk [tilespmem:v43+s8+$0x0], $0xffff  }
0x31b: {  	v24 =	vld.idx.msk [tilespmem:v24+s8+$0x0], $0xffff;
	v0 =	vadd.f32 v30, v0  }
0x31c: {  	v2 =	vadd.f32 v22, v2;
	v22 =	vld.idx.msk [tilespmem:v23+s8+$0x0], $0xffff;
	v4 =	vadd.f32 v29, v4  }
0x31d: {  	v3 =	vmul.f32 v3, v3;
	v20 =	vmul.f32 v20, v20;
	v0 =	vadd.f32 v26, v0  }
0x31e: {  	v13 =	vld.idx.msk [tilespmem:v13+s8+$0x0], $0xffff;
	v26 =	vmul.f32 v56, v56;
	v4 =	vadd.f32 v25, v4;
	v25 =	vmul.f32 v57, v57  }
0x31f: {  	v0 =	vadd.f32 v18, v0;
	v18 =	vmul.f32 v28, v28;
	v28 =	vmul.f32 v31, v31  }
0x320: {  	v24 =	vmul.f32 v24, v24;
	v23 =	vmul.f32 v45, v45;
	v3 =	vadd.f32 v26, v3  }
0x321: {  	v14 =	vld.idx.msk [tilespmem:v14+s8+$0x0], $0xffff;
	v22 =	vmul.f32 v22, v22;
	v20 =	vadd.f32 v25, v20;
	v18 =	vadd.f32 v28, v18  }
0x322: {  	v3 =	vadd.f32 v23, v3;
	v23 =	vld [tilespmem:$0x1FB10]  }
0x323: {  	v13 =	vmul.f32 v13, v13;
	v20 =	vadd.f32 v22, v20;
	v22 =	vld [tilespmem:$0x1FB20];
	v18 =	vadd.f32 v24, v18  }
0x324: {  	v19 =	vadd.f32 v19, v27;
	v24 =	vld [tilespmem:$0x1FAF0]  }
0x325: {  	v27 =	vmul.f32 v40, v40;
	v29 =	vmul.f32 v47, v47;
	v13 =	vadd.f32 v13, v18;
	v18 =	vld [tilespmem:$0x1FB00]  }
0x326: {  	v10 =	vld.idx.msk [tilespmem:v10+s8+$0x0], $0xffff  }
0x327: {  	v9 =	vld.idx.msk [tilespmem:v9+s8+$0x0], $0xffff;
	v60 =	vmul.f32 v41, v41;
	v4 =	vadd.f32 v16, v4;
	v16 =	vadd.f32 v29, v27  }
0x328: {  	v59 =	vmul.f32 v44, v44;
	v8 =	vld.idx.msk [tilespmem:v8+s8+$0x0], $0xffff  }
0x329: {  	v58 =	vmul.f32 v42, v42;
	v5 =	vld.idx.msk [tilespmem:v5+s8+$0x0], $0xffff;
	v14 =	vmul.f32 v14, v14;
	v16 =	vadd.f32 v60, v16  }
0x32a: {  	v21 =	vmul.f32 v21, v21;
	v3 =	vadd.f32 v59, v3;
	v23 =	vld.idx.msk [tilespmem:v23+s8+$0x0], $0xffff  }
0x32b: {  	v10 =	vmul.f32 v10, v10;
	v16 =	vadd.f32 v58, v16;
	v14 =	vadd.f32 v14, v20;
	v22 =	vld.idx.msk [tilespmem:v22+s8+$0x0], $0xffff  }
0x32c: {  	v9 =	vmul.f32 v9, v9;
	v3 =	vadd.f32 v21, v3;
	v24 =	vld.idx.msk [tilespmem:v24+s8+$0x0], $0xffff  }
0x32d: {  	v8 =	vmul.f32 v8, v8;
	v1 =	vadd.f32 v1, v16;
	v10 =	vadd.f32 v10, v14;
	v18 =	vld.idx.msk [tilespmem:v18+s8+$0x0], $0xffff  }
0x32e: {  	v5 =	vmul.f32 v5, v5;
	v9 =	vadd.f32 v9, v13;
	v3 =	vadd.f32 v17, v3  }
0x32f: {  	v1 =	vadd.f32 v15, v1;
	v8 =	vadd.f32 v8, v10  }
0x330: {  	v5 =	vadd.f32 v5, v9;
	v13 =	vmul.f32 v23, v23;
	v9 =	vmul.f32 v22, v22  }
0x331: {  	v3 =	vadd.f32 v12, v3;
	v1 =	vadd.f32 v11, v1;
	v10 =	vmul.f32 v24, v24  }
0x332: {  	v8 =	vadd.f32 v13, v8;
	v5 =	vadd.f32 v9, v5;
	v9 =	vmul.f32 v18, v18  }
0x333: {  	v3 =	vadd.f32 v7, v3;
	v1 =	vadd.f32 v6, v1  }
0x334: {  	v6 =	vadd.f32 v10, v8;
	v5 =	vadd.f32 v9, v5  }
0x335: {  	v2 =	vadd.f32 v19, v2;
	v0 =	vadd.f32 v4, v0  }
0x336: {  	v1 =	vadd.f32 v3, v1;
	v3 =	vadd.f32 v5, v6;
	_ =	sdelay $0x1  }
0x337: {  	v0 =	vadd.f32 v0, v2;
	v1 =	vadd.f32 v3, v1;
	_ =	sdelay $0x1  }
0x338: {  	v0 =	vadd.f32 v1, v0  }
0x339: {  	s16 =	sadd.s32 $0x10, s16  }
0x33a: {  	[tilespmem:s16+$0x0] =	vst v0  }
0x33b: {  	[hbm4b:s6+s2] =	stream.linear.scatter [tilespmem:s12], [sflag:$0x4], $0x250, $0x38;
	[tilespmem:$0x12D00] =	vst v63  }
0x33c: {  	_ =	swait.ge [sflag:s13], $0x250  }
0x33d: {  	[sflag:s13] =	ssyncset.done $0x0  }
0x33e: {  	[sflag:s13] =	ssyncadd.s32 $0xFFFFFDB0  }
0x33f: {  	_ =	swait.ge [sflag:s14], $0x250  }
0x340: {  	v57 =	vld [tilespmem:$0x1FFC0]  }
0x341: {  	v58 =	vld [tilespmem:$0x1FFD0]  }
0x342: {  	v59 =	vld [tilespmem:$0x1FFE0]  }
0x343: {  	v60 =	vld [tilespmem:$0x1FFF0]  }
0x344: {  	v36 =	vld [tilespmem:$0x1FEF0]  }
0x345: {  	v42 =	vld [tilespmem:$0x1FF40]  }
0x346: {  	v56 =	vld [tilespmem:$0x1FFB0]  }
0x347: {  	v41 =	vld [tilespmem:$0x1FF20]  }
0x348: {  	v43 =	vld [tilespmem:$0x1FF30]  }
0x349: {  	v45 =	vld [tilespmem:$0x1FF50]  }
0x34a: {  	v47 =	vld [tilespmem:$0x1FF60]  }
0x34b: {  	v48 =	vld [tilespmem:$0x1FF70]  }
0x34c: {  	v49 =	vld [tilespmem:$0x1FF80]  }
0x34d: {  	v50 =	vld [tilespmem:$0x1FF90]  }
0x34e: {  	v51 =	vld [tilespmem:$0x1FFA0]  }
0x34f: {  	v55 =	vld [tilespmem:$0x1FE60]  }
0x350: {  	v33 =	vld [tilespmem:$0x1FE70]  }
0x351: {  	v34 =	vld [tilespmem:$0x1FE80]  }
0x352: {  	v35 =	vld [tilespmem:$0x1FE90]  }
0x353: {  	v37 =	vld [tilespmem:$0x1FEB0]  }
0x354: {  	v38 =	vld [tilespmem:$0x1FEC0]  }
0x355: {  	v40 =	vld [tilespmem:$0x1FED0]  }
0x356: {  	v44 =	vld [tilespmem:$0x1FF00]  }
0x357: {  	v7 =	vld [tilespmem:$0x1FDD0]  }
0x358: {  	v22 =	vld [tilespmem:$0x1FDE0]  }
0x359: {  	v24 =	vld [tilespmem:$0x1FDF0]  }
0x35a: {  	v26 =	vld [tilespmem:$0x1FE00]  }
0x35b: {  	v28 =	vld [tilespmem:$0x1FE20]  }
0x35c: {  	v30 =	vld [tilespmem:$0x1FE40]  }
0x35d: {  	v32 =	vld [tilespmem:$0x1FE50]  }
0x35e: {  	v39 =	vld [tilespmem:$0x1FEA0]  }
0x35f: {  	v15 =	vld [tilespmem:$0x1FD60]  }
0x360: {  	v16 =	vld [tilespmem:$0x1FD70]  }
0x361: {  	v17 =	vld [tilespmem:$0x1FD80]  }
0x362: {  	v18 =	vld [tilespmem:$0x1FDA0]  }
0x363: {  	v19 =	vld [tilespmem:$0x1FDB0]  }
0x364: {  	v21 =	vld [tilespmem:$0x1FDC0]  }
0x365: {  	v31 =	vld [tilespmem:$0x1FE30]  }
0x366: {  	v46 =	vld [tilespmem:$0x1FEE0]  }
0x367: {  	v6 =	vld [tilespmem:$0x1FD10]  }
0x368: {  	v10 =	vld [tilespmem:$0x1FD20]  }
0x369: {  	v11 =	vld [tilespmem:$0x1FD30]  }
0x36a: {  	v12 =	vld [tilespmem:$0x1FD40]  }
0x36b: {  	v13 =	vld [tilespmem:$0x1FD50]  }
0x36c: {  	v20 =	vld [tilespmem:$0x1FD90]  }
0x36d: {  	v29 =	vld [tilespmem:$0x1FE10]  }
0x36e: {  	s15 =	sadd.s32 $0x1, s15;
	v52 =	vld [tilespmem:$0x1FF10]  }
0x36f: {  	p0 =	sne.s32 s15, s7;
	v0 =	vld [tilespmem:$0x1FCB0]  }
.Ltmp2:
0x370: {  	v1 =	vld [tilespmem:$0x1FCC0];
	(pc) =	sbr.rel @p0 .LBB2_1-.Ltmp2, $4  }
0x371: {  	v2 =	vld [tilespmem:$0x1FCD0]  }
0x372: {  	v4 =	vld [tilespmem:$0x1FCE0]  }
0x373: {  	[sflag:s14] =	ssyncset.done $0x0;
	v5 =	vld [tilespmem:$0x1FCF0]  }
0x374: {  	v9 =	vld [tilespmem:$0x1FD00];
	[sflag:s14] =	ssyncadd.s32 $0xFFFFFDB0  }
0x375: {  	_ =	sfence.sel $0x180000  }
0x376: {  	[bflag:$0x0] =	sbarrier.arrive $0xFFFF  }
0x377: {  	p0 =	sne.s32 s0, $0x0;
	_ =	strace $0x90000047  }
0x378: {  	s0 =	sadd.s32 @!p0 $0x100000, s1;
	[bflag:$0x2] =	sbarrier.arrive $0xFFFF  }
0x379: {  	[sflag:s0] =	ssyncadd.tile.s32 @!p0 $0x1;
	_ =	shalt  }
.Lfunc_end2:
_tile_overlayer_lowered:
.L_overlay_start_2:
0x37a: {  	(tag) =	ssettag $0x2  }
0x37b: {  	s0 =	rddreg [dreg:$0x0];
	s2 =	stileid.u32  }
0x37c: {  	s1 =	rddreg [dreg:$0x1];
	p0 =	sne.s32 s2, $0x0  }
0x37d: {  	s3 =	rddreg [dreg:$0x2];
	[bflag:$0x3] =	sbarrier.arrive $0xFFFF;
	s2 =	simm.s32 @!p0 $0x1C05  }
0x37e: {  	[timem:s3], [sflag:s2] =	dma.local @!p0 [hbm:s0], s1  }
0x37f: {  	s0 =	simm.s32 @!p0 $0x5  }
0x380: {  	_ =	swait.ge @!p0 [sflag:s0], s1  }
0x381: {  	s1 =	ssub.s32 @!p0 $0x0, s1;
	[sflag:s0] =	ssyncset.done @!p0 $0x0  }
0x382: {  	[sflag:s0] =	ssyncadd.s32 @!p0 s1  }
0x383: {  	[bflag:$0x3] =	sbarrier.arrive $0xFFFF  }
0x384: {  	_ =	shalt  }

</sc_bundles>
